<compile_context>
chip_gen: v7x
topology: tpu7x:2x2x1
jax: 0.10.2.dev20260603
libtpu: 0.0.44.dev20260713+nightly
codegen_flags: <defaults>
</compile_context>

<pallas_src>
import functools

import jax
import jax.numpy as jnp
from jax import lax
from jax.experimental import pallas as pl
from jax.experimental.pallas import tpu as pltpu
from jax.experimental.pallas import tpu_sc as plsc

NUM_EMB = 8192
EMB_DIM = 256
COMMIT_W = 0.25
BM = 512
CHUNK = 1024
NLANE = 128


def _argmin_body(z_ref, wb_ref, a2_ref, b2_ref, idx_ref, rm_ref, ri_ref):
    zb = z_ref[...].astype(jnp.bfloat16)
    a2 = a2_ref[...]
    rm_ref[...] = jnp.full((BM, NLANE), jnp.inf, jnp.float32)
    ri_ref[...] = jnp.zeros((BM, NLANE), jnp.int32)
    for c in range(NUM_EMB // CHUNK):
        w2c = wb_ref[c * CHUNK:(c + 1) * CHUNK, :]
        mm = lax.dot_general(zb, w2c, (((1,), (1,)), ((), ())),
                             preferred_element_type=jnp.float32)
        slices = []
        for j in range(CHUNK // NLANE):
            b2j = b2_ref[:, c * CHUNK + j * NLANE:
                         c * CHUNK + (j + 1) * NLANE]
            base = a2 + b2j
            d2 = base + mm[:, j * NLANE:(j + 1) * NLANE]
            slices.append(d2 * lax.rsqrt(d2))
        nodes = []
        for k in range(0, len(slices), 2):
            s0, s1 = slices[k], slices[k + 1]
            take1 = s1 < s0
            j0 = jnp.int32(c * (CHUNK // NLANE) + k)
            j1 = jnp.int32(c * (CHUNK // NLANE) + k + 1)
            nodes.append((jnp.where(take1, s1, s0),
                          jnp.where(take1, j1, j0)))
        while len(nodes) > 1:
            nxt = []
            for k in range(0, len(nodes), 2):
                (s0, i0), (s1, i1) = nodes[k], nodes[k + 1]
                take1 = s1 < s0
                nxt.append((jnp.where(take1, s1, s0),
                            jnp.where(take1, i1, i0)))
            nodes = nxt
        lm, li = nodes[0]
        rm = rm_ref[...]
        mask = lm < rm
        rm_ref[...] = jnp.where(mask, lm, rm)
        ri_ref[...] = jnp.where(mask, li, ri_ref[...])
    rm = rm_ref[...]
    ri = ri_ref[...]
    lane = lax.broadcasted_iota(jnp.int32, (BM, NLANE), 1)
    full_idx = ri * NLANE + lane
    m = jnp.min(rm, axis=1, keepdims=True)
    cand = jnp.where(rm == m, full_idx, jnp.int32(2 ** 30))
    idx_ref[...] = jnp.min(cand, axis=1, keepdims=True)


def _argmin_call(z2d, Wb, a2, b2):
    n = z2d.shape[0]
    return pl.pallas_call(
        _argmin_body,
        grid=(n // BM,),
        in_specs=[
            pl.BlockSpec((BM, EMB_DIM), lambda i: (i, 0)),
            pl.BlockSpec((NUM_EMB, EMB_DIM), lambda i: (0, 0)),
            pl.BlockSpec((BM, 1), lambda i: (i, 0)),
            pl.BlockSpec((1, NUM_EMB), lambda i: (0, 0)),
        ],
        out_specs=pl.BlockSpec((BM, 1), lambda i: (i, 0)),
        out_shape=jax.ShapeDtypeStruct((n, 1), jnp.int32),
        scratch_shapes=[pltpu.VMEM((BM, NLANE), jnp.float32),
                        pltpu.VMEM((BM, NLANE), jnp.int32)],
    )(z2d, Wb, a2, b2)


_SCL = 16
_HALF = 128


def _gather_finish_call(W, idx_flat, z2d):
    n = idx_flat.shape[0]
    info = plsc.get_sparse_core_info()
    nw = info.num_cores * info.num_subcores
    b_per_w = n // nw
    nh = b_per_w // _HALF
    mesh = plsc.VectorSubcoreMesh(core_axis_name="c", subcore_axis_name="s")
    nchunk = EMB_DIM // _SCL

    @functools.partial(
        pl.kernel, mesh=mesh,
        out_type=[
            jax.ShapeDtypeStruct((n, EMB_DIM), jnp.float32),
            jax.ShapeDtypeStruct((nw, _SCL), jnp.float32),
        ],
        scratch_types=[
            pltpu.VMEM((_HALF,), jnp.int32),
            pltpu.VMEM((_HALF, EMB_DIM), jnp.float32),
            pltpu.VMEM((_HALF, EMB_DIM), jnp.float32),
            pltpu.VMEM((_SCL,), jnp.float32),
            pltpu.SemaphoreType.DMA,
        ],
    )
    def k(table_hbm, idx_hbm, z_hbm, zq_hbm, part_hbm,
          idx_v, rows_v, z_v, part_v, sem):
        wid = lax.axis_index("s") * info.num_cores + lax.axis_index("c")
        wtot = jnp.zeros((_SCL,), jnp.float32)
        for h in range(nh):
            base = wid * b_per_w + h * _HALF
            pltpu.sync_copy(idx_hbm.at[pl.ds(base, _HALF)], idx_v)
            pltpu.async_copy(table_hbm.at[idx_v], rows_v, sem).wait()
            pltpu.sync_copy(z_hbm.at[pl.ds(base, _HALF)], z_v)

            def row_body(r, carry):
                tot = carry
                for t in range(nchunk):
                    cseg = rows_v[r, pl.ds(t * _SCL, _SCL)]
                    zseg = z_v[r, pl.ds(t * _SCL, _SCL)]
                    d = cseg - zseg
                    tot = tot + d * d
                    rows_v[r, pl.ds(t * _SCL, _SCL)] = zseg + d
                return tot

            wtot = lax.fori_loop(0, _HALF, row_body, wtot)
            pltpu.sync_copy(rows_v, zq_hbm.at[pl.ds(base, _HALF)])
        part_v[...] = wtot
        pltpu.sync_copy(part_v, part_hbm.at[wid])

    return k(W, idx_flat, z2d)


def kernel(z, W):
    input_shape = z.shape
    flat = z.reshape(-1, EMB_DIM)
    a2 = jnp.sum(flat * flat, axis=1, keepdims=True)
    b2 = jnp.sum(W * W, axis=1)[None, :]
    Wb = (W * (-2.0)).astype(jnp.bfloat16)
    idx2d = _argmin_call(flat, Wb, a2, b2)
    zq, parts = _gather_finish_call(W, idx2d.reshape(-1), flat)
    n = flat.shape[0]
    loss = jnp.sum(parts) * ((1.0 + COMMIT_W) / (n * EMB_DIM))
    return (zq.reshape(input_shape), loss,
            idx2d.reshape(input_shape[:-1]))

# --- scband reference (transcript-rebuilt; emitter-appended) ---
"""Pipeline reference for scband-di-ve-qdetach-78426102825289 (READ-ONLY COPY).

The authoritative reference and input builder live on the scoring server;
editing this copy changes nothing except your own understanding.
"""

import jax, jax.numpy as jnp
import numpy as np

NUM_EMB = 8192
EMB_DIM = 256
COMMIT = 0.25

def setup_inputs(seed: int = 0) -> dict:
    key = jax.random.key(seed)
    k1, k2 = jax.random.split(key)
    z = jax.random.normal(k1, (8, 1024, EMB_DIM), dtype=jnp.float32)
    W = jax.random.uniform(k2, (NUM_EMB, EMB_DIM), dtype=jnp.float32, minval=-1.0/NUM_EMB, maxval=1.0/NUM_EMB)
    return {"z": z, "W": W}

def _cdist(a, b):
    a2 = jnp.sum(a * a, axis=1, keepdims=True)
    b2 = jnp.sum(b * b, axis=1)[None, :]
    d2 = a2 + b2 - 2.0 * (a @ b.T)
    return jnp.sqrt(jnp.clip(d2, 0.0))

def reference(z, W):
    input_shape = z.shape
    flat = z.reshape(-1, EMB_DIM)
    distances = _cdist(flat, W)
    indices = jnp.argmin(distances, axis=1)
    c_star = W[indices]
    d_vec = c_star - flat
    magnitude = jnp.linalg.norm(d_vec, axis=1, keepdims=True)
    direction = jax.lax.stop_gradient(d_vec / (magnitude + 1e-08))
    z_q = flat + magnitude * direction
    z_q = z_q.reshape(input_shape)
    idx_out = indices.reshape(input_shape[:-1])
    codebook_loss = jnp.mean((c_star - jax.lax.stop_gradient(flat)) ** 2)
    commitment_loss = jnp.mean((flat - jax.lax.stop_gradient(c_star)) ** 2)
    loss = codebook_loss + COMMIT * commitment_loss
    return (z_q, loss, idx_out)

if __name__ == "__main__":
    import jax
    _d = setup_inputs()
    print(jax.jit(kernel)(*tuple(_d.values())))

</pallas_src>

<mosaic_0001>
#map = affine_map<(d0, d1) -> (0, 0)>
#map1 = affine_map<(d0, d1) -> (0)>
module attributes {stable_mosaic.version = 14 : i64} {
  func.func @k(%arg0: i32, %arg1: i32, %arg2: memref<8192x256xf32, #tpu.memory_space<hbm>>, %arg3: memref<8192xi32, #tpu.memory_space<hbm>>, %arg4: memref<8192x256xf32, #tpu.memory_space<hbm>>, %arg5: memref<8192x256xf32, #tpu.memory_space<hbm>>, %arg6: memref<32x16xf32, #tpu.memory_space<hbm>>, %arg7: memref<128xi32, #tpu.memory_space<vmem>>, %arg8: memref<128x256xf32, #tpu.memory_space<vmem>>, %arg9: memref<128x256xf32, #tpu.memory_space<vmem>>, %arg10: memref<16xf32, #tpu.memory_space<vmem>>, %arg11: memref<!tpu.dma_semaphore, #tpu.memory_space<semaphore_mem>>) attributes {dimension_semantics = [#tpu.dimension_semantics<core_parallel>, #tpu.dimension_semantics<subcore_parallel>], iteration_bounds = array<i64: 2, 16>, scalar_prefetch = 0 : i64, scratch_operands = 5 : i64, tpu.core_type = #tpu.core_type<sc_vector_subcore>, window_params = [{transform_indices = #map}, {transform_indices = #map1}, {transform_indices = #map}, {transform_indices = #map}, {transform_indices = #map}]} {
    %mul3A = arith.constant 2 : i32
    %mul3A_0 = arith.muli %arg1, %mul3A : i32
    %add3A = arith.addi %mul3A_0, %arg0 : i32
    %broadcast_in_dim3A = arith.constant 0.000000e+00 : f32
    %broadcast_in_dim3A_1 = vector.broadcast %broadcast_in_dim3A : f32 to vector<16xf32>
    %mul3A_2 = arith.constant 256 : i32
    %mul3A_3 = arith.muli %add3A, %mul3A_2 : i32
    %add3A_4 = arith.constant 0 : i32
    %add3A_5 = arith.addi %mul3A_3, %add3A_4 : i32
    "tpu.region"() ({
      %run_scoped3A = tpu.sem_alloc : memref<!tpu.dma_semaphore, #tpu.memory_space<semaphore_mem>>
      %dma_start3A_34 = tpu.memref_slice %arg3[%add3A_5] : memref<8192xi32, #tpu.memory_space<hbm>> -> memref<128xi32, #tpu.memory_space<hbm>>
      %dma_start3A_35 = tpu.memref_slice %arg3[%add3A_5] : memref<8192xi32, #tpu.memory_space<hbm>> -> memref<128xi32, #tpu.memory_space<hbm>>
      tpu.enqueue_dma source(%dma_start3A_35 : memref<128xi32, #tpu.memory_space<hbm>>) target(%arg7 : memref<128xi32, #tpu.memory_space<vmem>>) target_semaphore(%run_scoped3A : memref<!tpu.dma_semaphore, #tpu.memory_space<semaphore_mem>>)
      %dma_wait3A_36 = tpu.memref_slice %arg3[%add3A_5] : memref<8192xi32, #tpu.memory_space<hbm>> -> memref<128xi32, #tpu.memory_space<hbm>>
      %dma_wait3A_37 = tpu.memref_slice %arg3[%add3A_5] : memref<8192xi32, #tpu.memory_space<hbm>> -> memref<128xi32, #tpu.memory_space<hbm>>
      tpu.wait_dma2 semaphore(%run_scoped3A : memref<!tpu.dma_semaphore, #tpu.memory_space<semaphore_mem>>) src(%dma_wait3A_37 : memref<128xi32, #tpu.memory_space<hbm>>) dst(%arg7 : memref<128xi32, #tpu.memory_space<vmem>>)
      tpu.yield
    }) : () -> ()
    %dma_start3A = arith.constant 0 : i32
    %dma_start3A_6 = arith.constant 0 : i32
    %dma_start3A_7 = tpu.memref_slice %arg2[%dma_start3A, %dma_start3A_6] : memref<8192x256xf32, #tpu.memory_space<hbm>> -> memref<8192x256xf32, #tpu.memory_space<hbm>>
    tpu.enqueue_indirect_dma source(%dma_start3A_7 : memref<8192x256xf32, #tpu.memory_space<hbm>>) target(%arg8 : memref<128x256xf32, #tpu.memory_space<vmem>>) offsets(%arg7 : memref<128xi32, #tpu.memory_space<vmem>>) semaphore(%arg11 : memref<!tpu.dma_semaphore, #tpu.memory_space<semaphore_mem>>)
    %dma_wait3A = arith.constant 0 : i32
    %dma_wait3A_8 = arith.constant 0 : i32
    %dma_wait3A_9 = tpu.memref_slice %arg2[%dma_wait3A, %dma_wait3A_8] : memref<8192x256xf32, #tpu.memory_space<hbm>> -> memref<8192x256xf32, #tpu.memory_space<hbm>>
    tpu.wait_indirect_dma semaphore(%arg11 : memref<!tpu.dma_semaphore, #tpu.memory_space<semaphore_mem>>) src(%dma_wait3A_9 : memref<8192x256xf32, #tpu.memory_space<hbm>>) dst(%arg8 : memref<128x256xf32, #tpu.memory_space<vmem>>)
    "tpu.region"() ({
      %run_scoped3A = tpu.sem_alloc : memref<!tpu.dma_semaphore, #tpu.memory_space<semaphore_mem>>
      %dma_start3A_34 = arith.constant 0 : i32
      %dma_start3A_35 = tpu.memref_slice %arg4[%add3A_5, %dma_start3A_34] : memref<8192x256xf32, #tpu.memory_space<hbm>> -> memref<128x256xf32, #tpu.memory_space<hbm>>
      %dma_start3A_36 = arith.constant 0 : i32
      %dma_start3A_37 = tpu.memref_slice %arg4[%add3A_5, %dma_start3A_36] : memref<8192x256xf32, #tpu.memory_space<hbm>> -> memref<128x256xf32, #tpu.memory_space<hbm>>
      tpu.enqueue_dma source(%dma_start3A_37 : memref<128x256xf32, #tpu.memory_space<hbm>>) target(%arg9 : memref<128x256xf32, #tpu.memory_space<vmem>>) target_semaphore(%run_scoped3A : memref<!tpu.dma_semaphore, #tpu.memory_space<semaphore_mem>>)
      %dma_wait3A_38 = arith.constant 0 : i32
      %dma_wait3A_39 = tpu.memref_slice %arg4[%add3A_5, %dma_wait3A_38] : memref<8192x256xf32, #tpu.memory_space<hbm>> -> memref<128x256xf32, #tpu.memory_space<hbm>>
      %dma_wait3A_40 = arith.constant 0 : i32
      %dma_wait3A_41 = tpu.memref_slice %arg4[%add3A_5, %dma_wait3A_40] : memref<8192x256xf32, #tpu.memory_space<hbm>> -> memref<128x256xf32, #tpu.memory_space<hbm>>
      tpu.wait_dma2 semaphore(%run_scoped3A : memref<!tpu.dma_semaphore, #tpu.memory_space<semaphore_mem>>) src(%dma_wait3A_41 : memref<128x256xf32, #tpu.memory_space<hbm>>) dst(%arg9 : memref<128x256xf32, #tpu.memory_space<vmem>>)
      tpu.yield
    }) : () -> ()
    %scan3A = arith.constant 0 : i32
    %scan3A_10 = arith.constant 128 : i32
    %scan3A_11 = arith.addi %scan3A, %scan3A_10 : i32
    %scan3A_12 = arith.constant 1 : i32
    %scan3A_13 = scf.for %scan3A_34 = %scan3A to %scan3A_11 step %scan3A_12 iter_args(%scan3A_35 = %broadcast_in_dim3A_1) -> (vector<16xf32>)  : i32 {
      %get3A = arith.index_cast %scan3A_34 : i32 to index
      %get3A_36 = arith.constant 0 : index
      %get3A_37 = tpu.vector_load %arg8[%get3A, %get3A_36] {strides = array<i32>} : memref<128x256xf32, #tpu.memory_space<vmem>>, vector<1x16xf32>,
      %get3A_38 = vector.shape_cast %get3A_37 : vector<1x16xf32> to vector<16xf32>
      %get3A_39 = arith.index_cast %scan3A_34 : i32 to index
      %get3A_40 = arith.constant 0 : index
      %get3A_41 = tpu.vector_load %arg9[%get3A_39, %get3A_40] {strides = array<i32>} : memref<128x256xf32, #tpu.memory_space<vmem>>, vector<1x16xf32>,
      %get3A_42 = vector.shape_cast %get3A_41 : vector<1x16xf32> to vector<16xf32>
      %sub3A = arith.subf %get3A_38, %get3A_42 : vector<16xf32>
      %mul3A_43 = arith.mulf %sub3A, %sub3A : vector<16xf32>
      %add3A_44 = arith.addf %scan3A_35, %mul3A_43 : vector<16xf32>
      %add3A_45 = arith.addf %get3A_42, %sub3A : vector<16xf32>
      %swap3A_46 = arith.index_cast %scan3A_34 : i32 to index
      %swap3A_47 = arith.constant 0 : index
      %swap3A_48 = tpu.vector_load %arg8[%swap3A_46, %swap3A_47] {strides = array<i32>} : memref<128x256xf32, #tpu.memory_space<vmem>>, vector<1x16xf32>,
      %swap3A_49 = vector.shape_cast %swap3A_48 : vector<1x16xf32> to vector<16xf32>
      %swap3A_50 = vector.shape_cast %add3A_45 : vector<16xf32> to vector<1x16xf32>
      tpu.vector_store %arg8[%swap3A_46, %swap3A_47], %swap3A_50 {strides = array<i32>} : memref<128x256xf32, #tpu.memory_space<vmem>>, vector<1x16xf32>,
      %get3A_51 = arith.index_cast %scan3A_34 : i32 to index
      %get3A_52 = arith.constant 16 : index
      %get3A_53 = tpu.vector_load %arg8[%get3A_51, %get3A_52] {strides = array<i32>} : memref<128x256xf32, #tpu.memory_space<vmem>>, vector<1x16xf32>,
      %get3A_54 = vector.shape_cast %get3A_53 : vector<1x16xf32> to vector<16xf32>
      %get3A_55 = arith.index_cast %scan3A_34 : i32 to index
      %get3A_56 = arith.constant 16 : index
      %get3A_57 = tpu.vector_load %arg9[%get3A_55, %get3A_56] {strides = array<i32>} : memref<128x256xf32, #tpu.memory_space<vmem>>, vector<1x16xf32>,
      %get3A_58 = vector.shape_cast %get3A_57 : vector<1x16xf32> to vector<16xf32>
      %sub3A_59 = arith.subf %get3A_54, %get3A_58 : vector<16xf32>
      %mul3A_60 = arith.mulf %sub3A_59, %sub3A_59 : vector<16xf32>
      %add3A_61 = arith.addf %add3A_44, %mul3A_60 : vector<16xf32>
      %add3A_62 = arith.addf %get3A_58, %sub3A_59 : vector<16xf32>
      %swap3A_63 = arith.index_cast %scan3A_34 : i32 to index
      %swap3A_64 = arith.constant 16 : index
      %swap3A_65 = tpu.vector_load %arg8[%swap3A_63, %swap3A_64] {strides = array<i32>} : memref<128x256xf32, #tpu.memory_space<vmem>>, vector<1x16xf32>,
      %swap3A_66 = vector.shape_cast %swap3A_65 : vector<1x16xf32> to vector<16xf32>
      %swap3A_67 = vector.shape_cast %add3A_62 : vector<16xf32> to vector<1x16xf32>
      tpu.vector_store %arg8[%swap3A_63, %swap3A_64], %swap3A_67 {strides = array<i32>} : memref<128x256xf32, #tpu.memory_space<vmem>>, vector<1x16xf32>,
      %get3A_68 = arith.index_cast %scan3A_34 : i32 to index
      %get3A_69 = arith.constant 32 : index
      %get3A_70 = tpu.vector_load %arg8[%get3A_68, %get3A_69] {strides = array<i32>} : memref<128x256xf32, #tpu.memory_space<vmem>>, vector<1x16xf32>,
      %get3A_71 = vector.shape_cast %get3A_70 : vector<1x16xf32> to vector<16xf32>
      %get3A_72 = arith.index_cast %scan3A_34 : i32 to index
      %get3A_73 = arith.constant 32 : index
      %get3A_74 = tpu.vector_load %arg9[%get3A_72, %get3A_73] {strides = array<i32>} : memref<128x256xf32, #tpu.memory_space<vmem>>, vector<1x16xf32>,
      %get3A_75 = vector.shape_cast %get3A_74 : vector<1x16xf32> to vector<16xf32>
      %sub3A_76 = arith.subf %get3A_71, %get3A_75 : vector<16xf32>
      %mul3A_77 = arith.mulf %sub3A_76, %sub3A_76 : vector<16xf32>
      %add3A_78 = arith.addf %add3A_61, %mul3A_77 : vector<16xf32>
      %add3A_79 = arith.addf %get3A_75, %sub3A_76 : vector<16xf32>
      %swap3A_80 = arith.index_cast %scan3A_34 : i32 to index
      %swap3A_81 = arith.constant 32 : index
      %swap3A_82 = tpu.vector_load %arg8[%swap3A_80, %swap3A_81] {strides = array<i32>} : memref<128x256xf32, #tpu.memory_space<vmem>>, vector<1x16xf32>,
      %swap3A_83 = vector.shape_cast %swap3A_82 : vector<1x16xf32> to vector<16xf32>
      %swap3A_84 = vector.shape_cast %add3A_79 : vector<16xf32> to vector<1x16xf32>
      tpu.vector_store %arg8[%swap3A_80, %swap3A_81], %swap3A_84 {strides = array<i32>} : memref<128x256xf32, #tpu.memory_space<vmem>>, vector<1x16xf32>,
      %get3A_85 = arith.index_cast %scan3A_34 : i32 to index
      %get3A_86 = arith.constant 48 : index
      %get3A_87 = tpu.vector_load %arg8[%get3A_85, %get3A_86] {strides = array<i32>} : memref<128x256xf32, #tpu.memory_space<vmem>>, vector<1x16xf32>,
      %get3A_88 = vector.shape_cast %get3A_87 : vector<1x16xf32> to vector<16xf32>
      %get3A_89 = arith.index_cast %scan3A_34 : i32 to index
      %get3A_90 = arith.constant 48 : index
      %get3A_91 = tpu.vector_load %arg9[%get3A_89, %get3A_90] {strides = array<i32>} : memref<128x256xf32, #tpu.memory_space<vmem>>, vector<1x16xf32>,
      %get3A_92 = vector.shape_cast %get3A_91 : vector<1x16xf32> to vector<16xf32>
      %sub3A_93 = arith.subf %get3A_88, %get3A_92 : vector<16xf32>
      %mul3A_94 = arith.mulf %sub3A_93, %sub3A_93 : vector<16xf32>
      %add3A_95 = arith.addf %add3A_78, %mul3A_94 : vector<16xf32>
      %add3A_96 = arith.addf %get3A_92, %sub3A_93 : vector<16xf32>
      %swap3A_97 = arith.index_cast %scan3A_34 : i32 to index
      %swap3A_98 = arith.constant 48 : index
      %swap3A_99 = tpu.vector_load %arg8[%swap3A_97, %swap3A_98] {strides = array<i32>} : memref<128x256xf32, #tpu.memory_space<vmem>>, vector<1x16xf32>,
      %swap3A_100 = vector.shape_cast %swap3A_99 : vector<1x16xf32> to vector<16xf32>
      %swap3A_101 = vector.shape_cast %add3A_96 : vector<16xf32> to vector<1x16xf32>
      tpu.vector_store %arg8[%swap3A_97, %swap3A_98], %swap3A_101 {strides = array<i32>} : memref<128x256xf32, #tpu.memory_space<vmem>>, vector<1x16xf32>,
      %get3A_102 = arith.index_cast %scan3A_34 : i32 to index
      %get3A_103 = arith.constant 64 : index
      %get3A_104 = tpu.vector_load %arg8[%get3A_102, %get3A_103] {strides = array<i32>} : memref<128x256xf32, #tpu.memory_space<vmem>>, vector<1x16xf32>,
      %get3A_105 = vector.shape_cast %get3A_104 : vector<1x16xf32> to vector<16xf32>
      %get3A_106 = arith.index_cast %scan3A_34 : i32 to index
      %get3A_107 = arith.constant 64 : index
      %get3A_108 = tpu.vector_load %arg9[%get3A_106, %get3A_107] {strides = array<i32>} : memref<128x256xf32, #tpu.memory_space<vmem>>, vector<1x16xf32>,
      %get3A_109 = vector.shape_cast %get3A_108 : vector<1x16xf32> to vector<16xf32>
      %sub3A_110 = arith.subf %get3A_105, %get3A_109 : vector<16xf32>
      %mul3A_111 = arith.mulf %sub3A_110, %sub3A_110 : vector<16xf32>
      %add3A_112 = arith.addf %add3A_95, %mul3A_111 : vector<16xf32>
      %add3A_113 = arith.addf %get3A_109, %sub3A_110 : vector<16xf32>
      %swap3A_114 = arith.index_cast %scan3A_34 : i32 to index
      %swap3A_115 = arith.constant 64 : index
      %swap3A_116 = tpu.vector_load %arg8[%swap3A_114, %swap3A_115] {strides = array<i32>} : memref<128x256xf32, #tpu.memory_space<vmem>>, vector<1x16xf32>,
      %swap3A_117 = vector.shape_cast %swap3A_116 : vector<1x16xf32> to vector<16xf32>
      %swap3A_118 = vector.shape_cast %add3A_113 : vector<16xf32> to vector<1x16xf32>
      tpu.vector_store %arg8[%swap3A_114, %swap3A_115], %swap3A_118 {strides = array<i32>} : memref<128x256xf32, #tpu.memory_space<vmem>>, vector<1x16xf32>,
      %get3A_119 = arith.index_cast %scan3A_34 : i32 to index
      %get3A_120 = arith.constant 80 : index
      %get3A_121 = tpu.vector_load %arg8[%get3A_119, %get3A_120] {strides = array<i32>} : memref<128x256xf32, #tpu.memory_space<vmem>>, vector<1x16xf32>,
      %get3A_122 = vector.shape_cast %get3A_121 : vector<1x16xf32> to vector<16xf32>
      %get3A_123 = arith.index_cast %scan3A_34 : i32 to index
      %get3A_124 = arith.constant 80 : index
      %get3A_125 = tpu.vector_load %arg9[%get3A_123, %get3A_124] {strides = array<i32>} : memref<128x256xf32, #tpu.memory_space<vmem>>, vector<1x16xf32>,
      %get3A_126 = vector.shape_cast %get3A_125 : vector<1x16xf32> to vector<16xf32>
      %sub3A_127 = arith.subf %get3A_122, %get3A_126 : vector<16xf32>
      %mul3A_128 = arith.mulf %sub3A_127, %sub3A_127 : vector<16xf32>
      %add3A_129 = arith.addf %add3A_112, %mul3A_128 : vector<16xf32>
      %add3A_130 = arith.addf %get3A_126, %sub3A_127 : vector<16xf32>
      %swap3A_131 = arith.index_cast %scan3A_34 : i32 to index
      %swap3A_132 = arith.constant 80 : index
      %swap3A_133 = tpu.vector_load %arg8[%swap3A_131, %swap3A_132] {strides = array<i32>} : memref<128x256xf32, #tpu.memory_space<vmem>>, vector<1x16xf32>,
      %swap3A_134 = vector.shape_cast %swap3A_133 : vector<1x16xf32> to vector<16xf32>
      %swap3A_135 = vector.shape_cast %add3A_130 : vector<16xf32> to vector<1x16xf32>
      tpu.vector_store %arg8[%swap3A_131, %swap3A_132], %swap3A_135 {strides = array<i32>} : memref<128x256xf32, #tpu.memory_space<vmem>>, vector<1x16xf32>,
      %get3A_136 = arith.index_cast %scan3A_34 : i32 to index
      %get3A_137 = arith.constant 96 : index
      %get3A_138 = tpu.vector_load %arg8[%get3A_136, %get3A_137] {strides = array<i32>} : memref<128x256xf32, #tpu.memory_space<vmem>>, vector<1x16xf32>,
      %get3A_139 = vector.shape_cast %get3A_138 : vector<1x16xf32> to vector<16xf32>
      %get3A_140 = arith.index_cast %scan3A_34 : i32 to index
      %get3A_141 = arith.constant 96 : index
      %get3A_142 = tpu.vector_load %arg9[%get3A_140, %get3A_141] {strides = array<i32>} : memref<128x256xf32, #tpu.memory_space<vmem>>, vector<1x16xf32>,
      %get3A_143 = vector.shape_cast %get3A_142 : vector<1x16xf32> to vector<16xf32>
      %sub3A_144 = arith.subf %get3A_139, %get3A_143 : vector<16xf32>
      %mul3A_145 = arith.mulf %sub3A_144, %sub3A_144 : vector<16xf32>
      %add3A_146 = arith.addf %add3A_129, %mul3A_145 : vector<16xf32>
      %add3A_147 = arith.addf %get3A_143, %sub3A_144 : vector<16xf32>
      %swap3A_148 = arith.index_cast %scan3A_34 : i32 to index
      %swap3A_149 = arith.constant 96 : index
      %swap3A_150 = tpu.vector_load %arg8[%swap3A_148, %swap3A_149] {strides = array<i32>} : memref<128x256xf32, #tpu.memory_space<vmem>>, vector<1x16xf32>,
      %swap3A_151 = vector.shape_cast %swap3A_150 : vector<1x16xf32> to vector<16xf32>
      %swap3A_152 = vector.shape_cast %add3A_147 : vector<16xf32> to vector<1x16xf32>
      tpu.vector_store %arg8[%swap3A_148, %swap3A_149], %swap3A_152 {strides = array<i32>} : memref<128x256xf32, #tpu.memory_space<vmem>>, vector<1x16xf32>,
      %get3A_153 = arith.index_cast %scan3A_34 : i32 to index
      %get3A_154 = arith.constant 112 : index
      %get3A_155 = tpu.vector_load %arg8[%get3A_153, %get3A_154] {strides = array<i32>} : memref<128x256xf32, #tpu.memory_space<vmem>>, vector<1x16xf32>,
      %get3A_156 = vector.shape_cast %get3A_155 : vector<1x16xf32> to vector<16xf32>
      %get3A_157 = arith.index_cast %scan3A_34 : i32 to index
      %get3A_158 = arith.constant 112 : index
      %get3A_159 = tpu.vector_load %arg9[%get3A_157, %get3A_158] {strides = array<i32>} : memref<128x256xf32, #tpu.memory_space<vmem>>, vector<1x16xf32>,
      %get3A_160 = vector.shape_cast %get3A_159 : vector<1x16xf32> to vector<16xf32>
      %sub3A_161 = arith.subf %get3A_156, %get3A_160 : vector<16xf32>
      %mul3A_162 = arith.mulf %sub3A_161, %sub3A_161 : vector<16xf32>
      %add3A_163 = arith.addf %add3A_146, %mul3A_162 : vector<16xf32>
      %add3A_164 = arith.addf %get3A_160, %sub3A_161 : vector<16xf32>
      %swap3A_165 = arith.index_cast %scan3A_34 : i32 to index
      %swap3A_166 = arith.constant 112 : index
      %swap3A_167 = tpu.vector_load %arg8[%swap3A_165, %swap3A_166] {strides = array<i32>} : memref<128x256xf32, #tpu.memory_space<vmem>>, vector<1x16xf32>,
      %swap3A_168 = vector.shape_cast %swap3A_167 : vector<1x16xf32> to vector<16xf32>
      %swap3A_169 = vector.shape_cast %add3A_164 : vector<16xf32> to vector<1x16xf32>
      tpu.vector_store %arg8[%swap3A_165, %swap3A_166], %swap3A_169 {strides = array<i32>} : memref<128x256xf32, #tpu.memory_space<vmem>>, vector<1x16xf32>,
      %get3A_170 = arith.index_cast %scan3A_34 : i32 to index
      %get3A_171 = arith.constant 128 : index
      %get3A_172 = tpu.vector_load %arg8[%get3A_170, %get3A_171] {strides = array<i32>} : memref<128x256xf32, #tpu.memory_space<vmem>>, vector<1x16xf32>,
      %get3A_173 = vector.shape_cast %get3A_172 : vector<1x16xf32> to vector<16xf32>
      %get3A_174 = arith.index_cast %scan3A_34 : i32 to index
      %get3A_175 = arith.constant 128 : index
      %get3A_176 = tpu.vector_load %arg9[%get3A_174, %get3A_175] {strides = array<i32>} : memref<128x256xf32, #tpu.memory_space<vmem>>, vector<1x16xf32>,
      %get3A_177 = vector.shape_cast %get3A_176 : vector<1x16xf32> to vector<16xf32>
      %sub3A_178 = arith.subf %get3A_173, %get3A_177 : vector<16xf32>
      %mul3A_179 = arith.mulf %sub3A_178, %sub3A_178 : vector<16xf32>
      %add3A_180 = arith.addf %add3A_163, %mul3A_179 : vector<16xf32>
      %add3A_181 = arith.addf %get3A_177, %sub3A_178 : vector<16xf32>
      %swap3A_182 = arith.index_cast %scan3A_34 : i32 to index
      %swap3A_183 = arith.constant 128 : index
      %swap3A_184 = tpu.vector_load %arg8[%swap3A_182, %swap3A_183] {strides = array<i32>} : memref<128x256xf32, #tpu.memory_space<vmem>>, vector<1x16xf32>,
      %swap3A_185 = vector.shape_cast %swap3A_184 : vector<1x16xf32> to vector<16xf32>
      %swap3A_186 = vector.shape_cast %add3A_181 : vector<16xf32> to vector<1x16xf32>
      tpu.vector_store %arg8[%swap3A_182, %swap3A_183], %swap3A_186 {strides = array<i32>} : memref<128x256xf32, #tpu.memory_space<vmem>>, vector<1x16xf32>,
      %get3A_187 = arith.index_cast %scan3A_34 : i32 to index
      %get3A_188 = arith.constant 144 : index
      %get3A_189 = tpu.vector_load %arg8[%get3A_187, %get3A_188] {strides = array<i32>} : memref<128x256xf32, #tpu.memory_space<vmem>>, vector<1x16xf32>,
      %get3A_190 = vector.shape_cast %get3A_189 : vector<1x16xf32> to vector<16xf32>
      %get3A_191 = arith.index_cast %scan3A_34 : i32 to index
      %get3A_192 = arith.constant 144 : index
      %get3A_193 = tpu.vector_load %arg9[%get3A_191, %get3A_192] {strides = array<i32>} : memref<128x256xf32, #tpu.memory_space<vmem>>, vector<1x16xf32>,
      %get3A_194 = vector.shape_cast %get3A_193 : vector<1x16xf32> to vector<16xf32>
      %sub3A_195 = arith.subf %get3A_190, %get3A_194 : vector<16xf32>
      %mul3A_196 = arith.mulf %sub3A_195, %sub3A_195 : vector<16xf32>
      %add3A_197 = arith.addf %add3A_180, %mul3A_196 : vector<16xf32>
      %add3A_198 = arith.addf %get3A_194, %sub3A_195 : vector<16xf32>
      %swap3A_199 = arith.index_cast %scan3A_34 : i32 to index
      %swap3A_200 = arith.constant 144 : index
      %swap3A_201 = tpu.vector_load %arg8[%swap3A_199, %swap3A_200] {strides = array<i32>} : memref<128x256xf32, #tpu.memory_space<vmem>>, vector<1x16xf32>,
      %swap3A_202 = vector.shape_cast %swap3A_201 : vector<1x16xf32> to vector<16xf32>
      %swap3A_203 = vector.shape_cast %add3A_198 : vector<16xf32> to vector<1x16xf32>
      tpu.vector_store %arg8[%swap3A_199, %swap3A_200], %swap3A_203 {strides = array<i32>} : memref<128x256xf32, #tpu.memory_space<vmem>>, vector<1x16xf32>,
      %get3A_204 = arith.index_cast %scan3A_34 : i32 to index
      %get3A_205 = arith.constant 160 : index
      %get3A_206 = tpu.vector_load %arg8[%get3A_204, %get3A_205] {strides = array<i32>} : memref<128x256xf32, #tpu.memory_space<vmem>>, vector<1x16xf32>,
      %get3A_207 = vector.shape_cast %get3A_206 : vector<1x16xf32> to vector<16xf32>
      %get3A_208 = arith.index_cast %scan3A_34 : i32 to index
      %get3A_209 = arith.constant 160 : index
      %get3A_210 = tpu.vector_load %arg9[%get3A_208, %get3A_209] {strides = array<i32>} : memref<128x256xf32, #tpu.memory_space<vmem>>, vector<1x16xf32>,
      %get3A_211 = vector.shape_cast %get3A_210 : vector<1x16xf32> to vector<16xf32>
      %sub3A_212 = arith.subf %get3A_207, %get3A_211 : vector<16xf32>
      %mul3A_213 = arith.mulf %sub3A_212, %sub3A_212 : vector<16xf32>
      %add3A_214 = arith.addf %add3A_197, %mul3A_213 : vector<16xf32>
      %add3A_215 = arith.addf %get3A_211, %sub3A_212 : vector<16xf32>
      %swap3A_216 = arith.index_cast %scan3A_34 : i32 to index
      %swap3A_217 = arith.constant 160 : index
      %swap3A_218 = tpu.vector_load %arg8[%swap3A_216, %swap3A_217] {strides = array<i32>} : memref<128x256xf32, #tpu.memory_space<vmem>>, vector<1x16xf32>,
      %swap3A_219 = vector.shape_cast %swap3A_218 : vector<1x16xf32> to vector<16xf32>
      %swap3A_220 = vector.shape_cast %add3A_215 : vector<16xf32> to vector<1x16xf32>
      tpu.vector_store %arg8[%swap3A_216, %swap3A_217], %swap3A_220 {strides = array<i32>} : memref<128x256xf32, #tpu.memory_space<vmem>>, vector<1x16xf32>,
      %get3A_221 = arith.index_cast %scan3A_34 : i32 to index
      %get3A_222 = arith.constant 176 : index
      %get3A_223 = tpu.vector_load %arg8[%get3A_221, %get3A_222] {strides = array<i32>} : memref<128x256xf32, #tpu.memory_space<vmem>>, vector<1x16xf32>,
      %get3A_224 = vector.shape_cast %get3A_223 : vector<1x16xf32> to vector<16xf32>
      %get3A_225 = arith.index_cast %scan3A_34 : i32 to index
      %get3A_226 = arith.constant 176 : index
      %get3A_227 = tpu.vector_load %arg9[%get3A_225, %get3A_226] {strides = array<i32>} : memref<128x256xf32, #tpu.memory_space<vmem>>, vector<1x16xf32>,
      %get3A_228 = vector.shape_cast %get3A_227 : vector<1x16xf32> to vector<16xf32>
      %sub3A_229 = arith.subf %get3A_224, %get3A_228 : vector<16xf32>
      %mul3A_230 = arith.mulf %sub3A_229, %sub3A_229 : vector<16xf32>
      %add3A_231 = arith.addf %add3A_214, %mul3A_230 : vector<16xf32>
      %add3A_232 = arith.addf %get3A_228, %sub3A_229 : vector<16xf32>
      %swap3A_233 = arith.index_cast %scan3A_34 : i32 to index
      %swap3A_234 = arith.constant 176 : index
      %swap3A_235 = tpu.vector_load %arg8[%swap3A_233, %swap3A_234] {strides = array<i32>} : memref<128x256xf32, #tpu.memory_space<vmem>>, vector<1x16xf32>,
      %swap3A_236 = vector.shape_cast %swap3A_235 : vector<1x16xf32> to vector<16xf32>
      %swap3A_237 = vector.shape_cast %add3A_232 : vector<16xf32> to vector<1x16xf32>
      tpu.vector_store %arg8[%swap3A_233, %swap3A_234], %swap3A_237 {strides = array<i32>} : memref<128x256xf32, #tpu.memory_space<vmem>>, vector<1x16xf32>,
      %get3A_238 = arith.index_cast %scan3A_34 : i32 to index
      %get3A_239 = arith.constant 192 : index
      %get3A_240 = tpu.vector_load %arg8[%get3A_238, %get3A_239] {strides = array<i32>} : memref<128x256xf32, #tpu.memory_space<vmem>>, vector<1x16xf32>,
      %get3A_241 = vector.shape_cast %get3A_240 : vector<1x16xf32> to vector<16xf32>
      %get3A_242 = arith.index_cast %scan3A_34 : i32 to index
      %get3A_243 = arith.constant 192 : index
      %get3A_244 = tpu.vector_load %arg9[%get3A_242, %get3A_243] {strides = array<i32>} : memref<128x256xf32, #tpu.memory_space<vmem>>, vector<1x16xf32>,
      %get3A_245 = vector.shape_cast %get3A_244 : vector<1x16xf32> to vector<16xf32>
      %sub3A_246 = arith.subf %get3A_241, %get3A_245 : vector<16xf32>
      %mul3A_247 = arith.mulf %sub3A_246, %sub3A_246 : vector<16xf32>
      %add3A_248 = arith.addf %add3A_231, %mul3A_247 : vector<16xf32>
      %add3A_249 = arith.addf %get3A_245, %sub3A_246 : vector<16xf32>
      %swap3A_250 = arith.index_cast %scan3A_34 : i32 to index
      %swap3A_251 = arith.constant 192 : index
      %swap3A_252 = tpu.vector_load %arg8[%swap3A_250, %swap3A_251] {strides = array<i32>} : memref<128x256xf32, #tpu.memory_space<vmem>>, vector<1x16xf32>,
      %swap3A_253 = vector.shape_cast %swap3A_252 : vector<1x16xf32> to vector<16xf32>
      %swap3A_254 = vector.shape_cast %add3A_249 : vector<16xf32> to vector<1x16xf32>
      tpu.vector_store %arg8[%swap3A_250, %swap3A_251], %swap3A_254 {strides = array<i32>} : memref<128x256xf32, #tpu.memory_space<vmem>>, vector<1x16xf32>,
      %get3A_255 = arith.index_cast %scan3A_34 : i32 to index
      %get3A_256 = arith.constant 208 : index
      %get3A_257 = tpu.vector_load %arg8[%get3A_255, %get3A_256] {strides = array<i32>} : memref<128x256xf32, #tpu.memory_space<vmem>>, vector<1x16xf32>,
      %get3A_258 = vector.shape_cast %get3A_257 : vector<1x16xf32> to vector<16xf32>
      %get3A_259 = arith.index_cast %scan3A_34 : i32 to index
      %get3A_260 = arith.constant 208 : index
      %get3A_261 = tpu.vector_load %arg9[%get3A_259, %get3A_260] {strides = array<i32>} : memref<128x256xf32, #tpu.memory_space<vmem>>, vector<1x16xf32>,
      %get3A_262 = vector.shape_cast %get3A_261 : vector<1x16xf32> to vector<16xf32>
      %sub3A_263 = arith.subf %get3A_258, %get3A_262 : vector<16xf32>
      %mul3A_264 = arith.mulf %sub3A_263, %sub3A_263 : vector<16xf32>
      %add3A_265 = arith.addf %add3A_248, %mul3A_264 : vector<16xf32>
      %add3A_266 = arith.addf %get3A_262, %sub3A_263 : vector<16xf32>
      %swap3A_267 = arith.index_cast %scan3A_34 : i32 to index
      %swap3A_268 = arith.constant 208 : index
      %swap3A_269 = tpu.vector_load %arg8[%swap3A_267, %swap3A_268] {strides = array<i32>} : memref<128x256xf32, #tpu.memory_space<vmem>>, vector<1x16xf32>,
      %swap3A_270 = vector.shape_cast %swap3A_269 : vector<1x16xf32> to vector<16xf32>
      %swap3A_271 = vector.shape_cast %add3A_266 : vector<16xf32> to vector<1x16xf32>
      tpu.vector_store %arg8[%swap3A_267, %swap3A_268], %swap3A_271 {strides = array<i32>} : memref<128x256xf32, #tpu.memory_space<vmem>>, vector<1x16xf32>,
      %get3A_272 = arith.index_cast %scan3A_34 : i32 to index
      %get3A_273 = arith.constant 224 : index
      %get3A_274 = tpu.vector_load %arg8[%get3A_272, %get3A_273] {strides = array<i32>} : memref<128x256xf32, #tpu.memory_space<vmem>>, vector<1x16xf32>,
      %get3A_275 = vector.shape_cast %get3A_274 : vector<1x16xf32> to vector<16xf32>
      %get3A_276 = arith.index_cast %scan3A_34 : i32 to index
      %get3A_277 = arith.constant 224 : index
      %get3A_278 = tpu.vector_load %arg9[%get3A_276, %get3A_277] {strides = array<i32>} : memref<128x256xf32, #tpu.memory_space<vmem>>, vector<1x16xf32>,
      %get3A_279 = vector.shape_cast %get3A_278 : vector<1x16xf32> to vector<16xf32>
      %sub3A_280 = arith.subf %get3A_275, %get3A_279 : vector<16xf32>
      %mul3A_281 = arith.mulf %sub3A_280, %sub3A_280 : vector<16xf32>
      %add3A_282 = arith.addf %add3A_265, %mul3A_281 : vector<16xf32>
      %add3A_283 = arith.addf %get3A_279, %sub3A_280 : vector<16xf32>
      %swap3A_284 = arith.index_cast %scan3A_34 : i32 to index
      %swap3A_285 = arith.constant 224 : index
      %swap3A_286 = tpu.vector_load %arg8[%swap3A_284, %swap3A_285] {strides = array<i32>} : memref<128x256xf32, #tpu.memory_space<vmem>>, vector<1x16xf32>,
      %swap3A_287 = vector.shape_cast %swap3A_286 : vector<1x16xf32> to vector<16xf32>
      %swap3A_288 = vector.shape_cast %add3A_283 : vector<16xf32> to vector<1x16xf32>
      tpu.vector_store %arg8[%swap3A_284, %swap3A_285], %swap3A_288 {strides = array<i32>} : memref<128x256xf32, #tpu.memory_space<vmem>>, vector<1x16xf32>,
      %get3A_289 = arith.index_cast %scan3A_34 : i32 to index
      %get3A_290 = arith.constant 240 : index
      %get3A_291 = tpu.vector_load %arg8[%get3A_289, %get3A_290] {strides = array<i32>} : memref<128x256xf32, #tpu.memory_space<vmem>>, vector<1x16xf32>,
      %get3A_292 = vector.shape_cast %get3A_291 : vector<1x16xf32> to vector<16xf32>
      %get3A_293 = arith.index_cast %scan3A_34 : i32 to index
      %get3A_294 = arith.constant 240 : index
      %get3A_295 = tpu.vector_load %arg9[%get3A_293, %get3A_294] {strides = array<i32>} : memref<128x256xf32, #tpu.memory_space<vmem>>, vector<1x16xf32>,
      %get3A_296 = vector.shape_cast %get3A_295 : vector<1x16xf32> to vector<16xf32>
      %sub3A_297 = arith.subf %get3A_292, %get3A_296 : vector<16xf32>
      %mul3A_298 = arith.mulf %sub3A_297, %sub3A_297 : vector<16xf32>
      %add3A_299 = arith.addf %add3A_282, %mul3A_298 : vector<16xf32>
      %add3A_300 = arith.addf %get3A_296, %sub3A_297 : vector<16xf32>
      %swap3A_301 = arith.index_cast %scan3A_34 : i32 to index
      %swap3A_302 = arith.constant 240 : index
      %swap3A_303 = tpu.vector_load %arg8[%swap3A_301, %swap3A_302] {strides = array<i32>} : memref<128x256xf32, #tpu.memory_space<vmem>>, vector<1x16xf32>,
      %swap3A_304 = vector.shape_cast %swap3A_303 : vector<1x16xf32> to vector<16xf32>
      %swap3A_305 = vector.shape_cast %add3A_300 : vector<16xf32> to vector<1x16xf32>
      tpu.vector_store %arg8[%swap3A_301, %swap3A_302], %swap3A_305 {strides = array<i32>} : memref<128x256xf32, #tpu.memory_space<vmem>>, vector<1x16xf32>,
      scf.yield %add3A_299 : vector<16xf32>
    }
    %scan3A_14 = arith.constant 128 : i32
    "tpu.region"() ({
      %run_scoped3A = tpu.sem_alloc : memref<!tpu.dma_semaphore, #tpu.memory_space<semaphore_mem>>
      %dma_start3A_34 = arith.constant 0 : i32
      %dma_start3A_35 = tpu.memref_slice %arg5[%add3A_5, %dma_start3A_34] : memref<8192x256xf32, #tpu.memory_space<hbm>> -> memref<128x256xf32, #tpu.memory_space<hbm>>
      %dma_start3A_36 = arith.constant 0 : i32
      %dma_start3A_37 = tpu.memref_slice %arg5[%add3A_5, %dma_start3A_36] : memref<8192x256xf32, #tpu.memory_space<hbm>> -> memref<128x256xf32, #tpu.memory_space<hbm>>
      tpu.enqueue_dma source(%arg8 : memref<128x256xf32, #tpu.memory_space<vmem>>) target(%dma_start3A_37 : memref<128x256xf32, #tpu.memory_space<hbm>>) target_semaphore(%run_scoped3A : memref<!tpu.dma_semaphore, #tpu.memory_space<semaphore_mem>>)
      %dma_wait3A_38 = arith.constant 0 : i32
      %dma_wait3A_39 = tpu.memref_slice %arg5[%add3A_5, %dma_wait3A_38] : memref<8192x256xf32, #tpu.memory_space<hbm>> -> memref<128x256xf32, #tpu.memory_space<hbm>>
      %dma_wait3A_40 = arith.constant 0 : i32
      %dma_wait3A_41 = tpu.memref_slice %arg5[%add3A_5, %dma_wait3A_40] : memref<8192x256xf32, #tpu.memory_space<hbm>> -> memref<128x256xf32, #tpu.memory_space<hbm>>
      tpu.wait_dma2 semaphore(%run_scoped3A : memref<!tpu.dma_semaphore, #tpu.memory_space<semaphore_mem>>) src(%arg8 : memref<128x256xf32, #tpu.memory_space<vmem>>) dst(%dma_wait3A_41 : memref<128x256xf32, #tpu.memory_space<hbm>>)
      tpu.yield
    }) : () -> ()
    %mul3A_15 = arith.constant 256 : i32
    %mul3A_16 = arith.muli %add3A, %mul3A_15 : i32
    %add3A_17 = arith.constant 128 : i32
    %add3A_18 = arith.addi %mul3A_16, %add3A_17 : i32
    "tpu.region"() ({
      %run_scoped3A = tpu.sem_alloc : memref<!tpu.dma_semaphore, #tpu.memory_space<semaphore_mem>>
      %dma_start3A_34 = tpu.memref_slice %arg3[%add3A_18] : memref<8192xi32, #tpu.memory_space<hbm>> -> memref<128xi32, #tpu.memory_space<hbm>>
      %dma_start3A_35 = tpu.memref_slice %arg3[%add3A_18] : memref<8192xi32, #tpu.memory_space<hbm>> -> memref<128xi32, #tpu.memory_space<hbm>>
      tpu.enqueue_dma source(%dma_start3A_35 : memref<128xi32, #tpu.memory_space<hbm>>) target(%arg7 : memref<128xi32, #tpu.memory_space<vmem>>) target_semaphore(%run_scoped3A : memref<!tpu.dma_semaphore, #tpu.memory_space<semaphore_mem>>)
      %dma_wait3A_36 = tpu.memref_slice %arg3[%add3A_18] : memref<8192xi32, #tpu.memory_space<hbm>> -> memref<128xi32, #tpu.memory_space<hbm>>
      %dma_wait3A_37 = tpu.memref_slice %arg3[%add3A_18] : memref<8192xi32, #tpu.memory_space<hbm>> -> memref<128xi32, #tpu.memory_space<hbm>>
      tpu.wait_dma2 semaphore(%run_scoped3A : memref<!tpu.dma_semaphore, #tpu.memory_space<semaphore_mem>>) src(%dma_wait3A_37 : memref<128xi32, #tpu.memory_space<hbm>>) dst(%arg7 : memref<128xi32, #tpu.memory_space<vmem>>)
      tpu.yield
    }) : () -> ()
    %dma_start3A_19 = arith.constant 0 : i32
    %dma_start3A_20 = arith.constant 0 : i32
    %dma_start3A_21 = tpu.memref_slice %arg2[%dma_start3A_19, %dma_start3A_20] : memref<8192x256xf32, #tpu.memory_space<hbm>> -> memref<8192x256xf32, #tpu.memory_space<hbm>>
    tpu.enqueue_indirect_dma source(%dma_start3A_21 : memref<8192x256xf32, #tpu.memory_space<hbm>>) target(%arg8 : memref<128x256xf32, #tpu.memory_space<vmem>>) offsets(%arg7 : memref<128xi32, #tpu.memory_space<vmem>>) semaphore(%arg11 : memref<!tpu.dma_semaphore, #tpu.memory_space<semaphore_mem>>)
    %dma_wait3A_22 = arith.constant 0 : i32
    %dma_wait3A_23 = arith.constant 0 : i32
    %dma_wait3A_24 = tpu.memref_slice %arg2[%dma_wait3A_22, %dma_wait3A_23] : memref<8192x256xf32, #tpu.memory_space<hbm>> -> memref<8192x256xf32, #tpu.memory_space<hbm>>
    tpu.wait_indirect_dma semaphore(%arg11 : memref<!tpu.dma_semaphore, #tpu.memory_space<semaphore_mem>>) src(%dma_wait3A_24 : memref<8192x256xf32, #tpu.memory_space<hbm>>) dst(%arg8 : memref<128x256xf32, #tpu.memory_space<vmem>>)
    "tpu.region"() ({
      %run_scoped3A = tpu.sem_alloc : memref<!tpu.dma_semaphore, #tpu.memory_space<semaphore_mem>>
      %dma_start3A_34 = arith.constant 0 : i32
      %dma_start3A_35 = tpu.memref_slice %arg4[%add3A_18, %dma_start3A_34] : memref<8192x256xf32, #tpu.memory_space<hbm>> -> memref<128x256xf32, #tpu.memory_space<hbm>>
      %dma_start3A_36 = arith.constant 0 : i32
      %dma_start3A_37 = tpu.memref_slice %arg4[%add3A_18, %dma_start3A_36] : memref<8192x256xf32, #tpu.memory_space<hbm>> -> memref<128x256xf32, #tpu.memory_space<hbm>>
      tpu.enqueue_dma source(%dma_start3A_37 : memref<128x256xf32, #tpu.memory_space<hbm>>) target(%arg9 : memref<128x256xf32, #tpu.memory_space<vmem>>) target_semaphore(%run_scoped3A : memref<!tpu.dma_semaphore, #tpu.memory_space<semaphore_mem>>)
      %dma_wait3A_38 = arith.constant 0 : i32
      %dma_wait3A_39 = tpu.memref_slice %arg4[%add3A_18, %dma_wait3A_38] : memref<8192x256xf32, #tpu.memory_space<hbm>> -> memref<128x256xf32, #tpu.memory_space<hbm>>
      %dma_wait3A_40 = arith.constant 0 : i32
      %dma_wait3A_41 = tpu.memref_slice %arg4[%add3A_18, %dma_wait3A_40] : memref<8192x256xf32, #tpu.memory_space<hbm>> -> memref<128x256xf32, #tpu.memory_space<hbm>>
      tpu.wait_dma2 semaphore(%run_scoped3A : memref<!tpu.dma_semaphore, #tpu.memory_space<semaphore_mem>>) src(%dma_wait3A_41 : memref<128x256xf32, #tpu.memory_space<hbm>>) dst(%arg9 : memref<128x256xf32, #tpu.memory_space<vmem>>)
      tpu.yield
    }) : () -> ()
    %scan3A_25 = arith.constant 0 : i32
    %scan3A_26 = arith.constant 128 : i32
    %scan3A_27 = arith.addi %scan3A_25, %scan3A_26 : i32
    %scan3A_28 = arith.constant 1 : i32
    %scan3A_29 = scf.for %scan3A_34 = %scan3A_25 to %scan3A_27 step %scan3A_28 iter_args(%scan3A_35 = %scan3A_13) -> (vector<16xf32>)  : i32 {
      %get3A = arith.index_cast %scan3A_34 : i32 to index
      %get3A_36 = arith.constant 0 : index
      %get3A_37 = tpu.vector_load %arg8[%get3A, %get3A_36] {strides = array<i32>} : memref<128x256xf32, #tpu.memory_space<vmem>>, vector<1x16xf32>,
      %get3A_38 = vector.shape_cast %get3A_37 : vector<1x16xf32> to vector<16xf32>
      %get3A_39 = arith.index_cast %scan3A_34 : i32 to index
      %get3A_40 = arith.constant 0 : index
      %get3A_41 = tpu.vector_load %arg9[%get3A_39, %get3A_40] {strides = array<i32>} : memref<128x256xf32, #tpu.memory_space<vmem>>, vector<1x16xf32>,
      %get3A_42 = vector.shape_cast %get3A_41 : vector<1x16xf32> to vector<16xf32>
      %sub3A = arith.subf %get3A_38, %get3A_42 : vector<16xf32>
      %mul3A_43 = arith.mulf %sub3A, %sub3A : vector<16xf32>
      %add3A_44 = arith.addf %scan3A_35, %mul3A_43 : vector<16xf32>
      %add3A_45 = arith.addf %get3A_42, %sub3A : vector<16xf32>
      %swap3A_46 = arith.index_cast %scan3A_34 : i32 to index
      %swap3A_47 = arith.constant 0 : index
      %swap3A_48 = tpu.vector_load %arg8[%swap3A_46, %swap3A_47] {strides = array<i32>} : memref<128x256xf32, #tpu.memory_space<vmem>>, vector<1x16xf32>,
      %swap3A_49 = vector.shape_cast %swap3A_48 : vector<1x16xf32> to vector<16xf32>
      %swap3A_50 = vector.shape_cast %add3A_45 : vector<16xf32> to vector<1x16xf32>
      tpu.vector_store %arg8[%swap3A_46, %swap3A_47], %swap3A_50 {strides = array<i32>} : memref<128x256xf32, #tpu.memory_space<vmem>>, vector<1x16xf32>,
      %get3A_51 = arith.index_cast %scan3A_34 : i32 to index
      %get3A_52 = arith.constant 16 : index
      %get3A_53 = tpu.vector_load %arg8[%get3A_51, %get3A_52] {strides = array<i32>} : memref<128x256xf32, #tpu.memory_space<vmem>>, vector<1x16xf32>,
      %get3A_54 = vector.shape_cast %get3A_53 : vector<1x16xf32> to vector<16xf32>
      %get3A_55 = arith.index_cast %scan3A_34 : i32 to index
      %get3A_56 = arith.constant 16 : index
      %get3A_57 = tpu.vector_load %arg9[%get3A_55, %get3A_56] {strides = array<i32>} : memref<128x256xf32, #tpu.memory_space<vmem>>, vector<1x16xf32>,
      %get3A_58 = vector.shape_cast %get3A_57 : vector<1x16xf32> to vector<16xf32>
      %sub3A_59 = arith.subf %get3A_54, %get3A_58 : vector<16xf32>
      %mul3A_60 = arith.mulf %sub3A_59, %sub3A_59 : vector<16xf32>
      %add3A_61 = arith.addf %add3A_44, %mul3A_60 : vector<16xf32>
      %add3A_62 = arith.addf %get3A_58, %sub3A_59 : vector<16xf32>
      %swap3A_63 = arith.index_cast %scan3A_34 : i32 to index
      %swap3A_64 = arith.constant 16 : index
      %swap3A_65 = tpu.vector_load %arg8[%swap3A_63, %swap3A_64] {strides = array<i32>} : memref<128x256xf32, #tpu.memory_space<vmem>>, vector<1x16xf32>,
      %swap3A_66 = vector.shape_cast %swap3A_65 : vector<1x16xf32> to vector<16xf32>
      %swap3A_67 = vector.shape_cast %add3A_62 : vector<16xf32> to vector<1x16xf32>
      tpu.vector_store %arg8[%swap3A_63, %swap3A_64], %swap3A_67 {strides = array<i32>} : memref<128x256xf32, #tpu.memory_space<vmem>>, vector<1x16xf32>,
      %get3A_68 = arith.index_cast %scan3A_34 : i32 to index
      %get3A_69 = arith.constant 32 : index
      %get3A_70 = tpu.vector_load %arg8[%get3A_68, %get3A_69] {strides = array<i32>} : memref<128x256xf32, #tpu.memory_space<vmem>>, vector<1x16xf32>,
      %get3A_71 = vector.shape_cast %get3A_70 : vector<1x16xf32> to vector<16xf32>
      %get3A_72 = arith.index_cast %scan3A_34 : i32 to index
      %get3A_73 = arith.constant 32 : index
      %get3A_74 = tpu.vector_load %arg9[%get3A_72, %get3A_73] {strides = array<i32>} : memref<128x256xf32, #tpu.memory_space<vmem>>, vector<1x16xf32>,
      %get3A_75 = vector.shape_cast %get3A_74 : vector<1x16xf32> to vector<16xf32>
      %sub3A_76 = arith.subf %get3A_71, %get3A_75 : vector<16xf32>
      %mul3A_77 = arith.mulf %sub3A_76, %sub3A_76 : vector<16xf32>
      %add3A_78 = arith.addf %add3A_61, %mul3A_77 : vector<16xf32>
      %add3A_79 = arith.addf %get3A_75, %sub3A_76 : vector<16xf32>
      %swap3A_80 = arith.index_cast %scan3A_34 : i32 to index
      %swap3A_81 = arith.constant 32 : index
      %swap3A_82 = tpu.vector_load %arg8[%swap3A_80, %swap3A_81] {strides = array<i32>} : memref<128x256xf32, #tpu.memory_space<vmem>>, vector<1x16xf32>,
      %swap3A_83 = vector.shape_cast %swap3A_82 : vector<1x16xf32> to vector<16xf32>
      %swap3A_84 = vector.shape_cast %add3A_79 : vector<16xf32> to vector<1x16xf32>
      tpu.vector_store %arg8[%swap3A_80, %swap3A_81], %swap3A_84 {strides = array<i32>} : memref<128x256xf32, #tpu.memory_space<vmem>>, vector<1x16xf32>,
      %get3A_85 = arith.index_cast %scan3A_34 : i32 to index
      %get3A_86 = arith.constant 48 : index
      %get3A_87 = tpu.vector_load %arg8[%get3A_85, %get3A_86] {strides = array<i32>} : memref<128x256xf32, #tpu.memory_space<vmem>>, vector<1x16xf32>,
      %get3A_88 = vector.shape_cast %get3A_87 : vector<1x16xf32> to vector<16xf32>
      %get3A_89 = arith.index_cast %scan3A_34 : i32 to index
      %get3A_90 = arith.constant 48 : index
      %get3A_91 = tpu.vector_load %arg9[%get3A_89, %get3A_90] {strides = array<i32>} : memref<128x256xf32, #tpu.memory_space<vmem>>, vector<1x16xf32>,
      %get3A_92 = vector.shape_cast %get3A_91 : vector<1x16xf32> to vector<16xf32>
      %sub3A_93 = arith.subf %get3A_88, %get3A_92 : vector<16xf32>
      %mul3A_94 = arith.mulf %sub3A_93, %sub3A_93 : vector<16xf32>
      %add3A_95 = arith.addf %add3A_78, %mul3A_94 : vector<16xf32>
      %add3A_96 = arith.addf %get3A_92, %sub3A_93 : vector<16xf32>
      %swap3A_97 = arith.index_cast %scan3A_34 : i32 to index
      %swap3A_98 = arith.constant 48 : index
      %swap3A_99 = tpu.vector_load %arg8[%swap3A_97, %swap3A_98] {strides = array<i32>} : memref<128x256xf32, #tpu.memory_space<vmem>>, vector<1x16xf32>,
      %swap3A_100 = vector.shape_cast %swap3A_99 : vector<1x16xf32> to vector<16xf32>
      %swap3A_101 = vector.shape_cast %add3A_96 : vector<16xf32> to vector<1x16xf32>
      tpu.vector_store %arg8[%swap3A_97, %swap3A_98], %swap3A_101 {strides = array<i32>} : memref<128x256xf32, #tpu.memory_space<vmem>>, vector<1x16xf32>,
      %get3A_102 = arith.index_cast %scan3A_34 : i32 to index
      %get3A_103 = arith.constant 64 : index
      %get3A_104 = tpu.vector_load %arg8[%get3A_102, %get3A_103] {strides = array<i32>} : memref<128x256xf32, #tpu.memory_space<vmem>>, vector<1x16xf32>,
      %get3A_105 = vector.shape_cast %get3A_104 : vector<1x16xf32> to vector<16xf32>
      %get3A_106 = arith.index_cast %scan3A_34 : i32 to index
      %get3A_107 = arith.constant 64 : index
      %get3A_108 = tpu.vector_load %arg9[%get3A_106, %get3A_107] {strides = array<i32>} : memref<128x256xf32, #tpu.memory_space<vmem>>, vector<1x16xf32>,
      %get3A_109 = vector.shape_cast %get3A_108 : vector<1x16xf32> to vector<16xf32>
      %sub3A_110 = arith.subf %get3A_105, %get3A_109 : vector<16xf32>
      %mul3A_111 = arith.mulf %sub3A_110, %sub3A_110 : vector<16xf32>
      %add3A_112 = arith.addf %add3A_95, %mul3A_111 : vector<16xf32>
      %add3A_113 = arith.addf %get3A_109, %sub3A_110 : vector<16xf32>
      %swap3A_114 = arith.index_cast %scan3A_34 : i32 to index
      %swap3A_115 = arith.constant 64 : index
      %swap3A_116 = tpu.vector_load %arg8[%swap3A_114, %swap3A_115] {strides = array<i32>} : memref<128x256xf32, #tpu.memory_space<vmem>>, vector<1x16xf32>,
      %swap3A_117 = vector.shape_cast %swap3A_116 : vector<1x16xf32> to vector<16xf32>
      %swap3A_118 = vector.shape_cast %add3A_113 : vector<16xf32> to vector<1x16xf32>
      tpu.vector_store %arg8[%swap3A_114, %swap3A_115], %swap3A_118 {strides = array<i32>} : memref<128x256xf32, #tpu.memory_space<vmem>>, vector<1x16xf32>,
      %get3A_119 = arith.index_cast %scan3A_34 : i32 to index
      %get3A_120 = arith.constant 80 : index
      %get3A_121 = tpu.vector_load %arg8[%get3A_119, %get3A_120] {strides = array<i32>} : memref<128x256xf32, #tpu.memory_space<vmem>>, vector<1x16xf32>,
      %get3A_122 = vector.shape_cast %get3A_121 : vector<1x16xf32> to vector<16xf32>
      %get3A_123 = arith.index_cast %scan3A_34 : i32 to index
      %get3A_124 = arith.constant 80 : index
      %get3A_125 = tpu.vector_load %arg9[%get3A_123, %get3A_124] {strides = array<i32>} : memref<128x256xf32, #tpu.memory_space<vmem>>, vector<1x16xf32>,
      %get3A_126 = vector.shape_cast %get3A_125 : vector<1x16xf32> to vector<16xf32>
      %sub3A_127 = arith.subf %get3A_122, %get3A_126 : vector<16xf32>
      %mul3A_128 = arith.mulf %sub3A_127, %sub3A_127 : vector<16xf32>
      %add3A_129 = arith.addf %add3A_112, %mul3A_128 : vector<16xf32>
      %add3A_130 = arith.addf %get3A_126, %sub3A_127 : vector<16xf32>
      %swap3A_131 = arith.index_cast %scan3A_34 : i32 to index
      %swap3A_132 = arith.constant 80 : index
      %swap3A_133 = tpu.vector_load %arg8[%swap3A_131, %swap3A_132] {strides = array<i32>} : memref<128x256xf32, #tpu.memory_space<vmem>>, vector<1x16xf32>,
      %swap3A_134 = vector.shape_cast %swap3A_133 : vector<1x16xf32> to vector<16xf32>
      %swap3A_135 = vector.shape_cast %add3A_130 : vector<16xf32> to vector<1x16xf32>
      tpu.vector_store %arg8[%swap3A_131, %swap3A_132], %swap3A_135 {strides = array<i32>} : memref<128x256xf32, #tpu.memory_space<vmem>>, vector<1x16xf32>,
      %get3A_136 = arith.index_cast %scan3A_34 : i32 to index
      %get3A_137 = arith.constant 96 : index
      %get3A_138 = tpu.vector_load %arg8[%get3A_136, %get3A_137] {strides = array<i32>} : memref<128x256xf32, #tpu.memory_space<vmem>>, vector<1x16xf32>,
      %get3A_139 = vector.shape_cast %get3A_138 : vector<1x16xf32> to vector<16xf32>
      %get3A_140 = arith.index_cast %scan3A_34 : i32 to index
      %get3A_141 = arith.constant 96 : index
      %get3A_142 = tpu.vector_load %arg9[%get3A_140, %get3A_141] {strides = array<i32>} : memref<128x256xf32, #tpu.memory_space<vmem>>, vector<1x16xf32>,
      %get3A_143 = vector.shape_cast %get3A_142 : vector<1x16xf32> to vector<16xf32>
      %sub3A_144 = arith.subf %get3A_139, %get3A_143 : vector<16xf32>
      %mul3A_145 = arith.mulf %sub3A_144, %sub3A_144 : vector<16xf32>
      %add3A_146 = arith.addf %add3A_129, %mul3A_145 : vector<16xf32>
      %add3A_147 = arith.addf %get3A_143, %sub3A_144 : vector<16xf32>
      %swap3A_148 = arith.index_cast %scan3A_34 : i32 to index
      %swap3A_149 = arith.constant 96 : index
      %swap3A_150 = tpu.vector_load %arg8[%swap3A_148, %swap3A_149] {strides = array<i32>} : memref<128x256xf32, #tpu.memory_space<vmem>>, vector<1x16xf32>,
      %swap3A_151 = vector.shape_cast %swap3A_150 : vector<1x16xf32> to vector<16xf32>
      %swap3A_152 = vector.shape_cast %add3A_147 : vector<16xf32> to vector<1x16xf32>
      tpu.vector_store %arg8[%swap3A_148, %swap3A_149], %swap3A_152 {strides = array<i32>} : memref<128x256xf32, #tpu.memory_space<vmem>>, vector<1x16xf32>,
      %get3A_153 = arith.index_cast %scan3A_34 : i32 to index
      %get3A_154 = arith.constant 112 : index
      %get3A_155 = tpu.vector_load %arg8[%get3A_153, %get3A_154] {strides = array<i32>} : memref<128x256xf32, #tpu.memory_space<vmem>>, vector<1x16xf32>,
      %get3A_156 = vector.shape_cast %get3A_155 : vector<1x16xf32> to vector<16xf32>
      %get3A_157 = arith.index_cast %scan3A_34 : i32 to index
      %get3A_158 = arith.constant 112 : index
      %get3A_159 = tpu.vector_load %arg9[%get3A_157, %get3A_158] {strides = array<i32>} : memref<128x256xf32, #tpu.memory_space<vmem>>, vector<1x16xf32>,
      %get3A_160 = vector.shape_cast %get3A_159 : vector<1x16xf32> to vector<16xf32>
      %sub3A_161 = arith.subf %get3A_156, %get3A_160 : vector<16xf32>
      %mul3A_162 = arith.mulf %sub3A_161, %sub3A_161 : vector<16xf32>
      %add3A_163 = arith.addf %add3A_146, %mul3A_162 : vector<16xf32>
      %add3A_164 = arith.addf %get3A_160, %sub3A_161 : vector<16xf32>
      %swap3A_165 = arith.index_cast %scan3A_34 : i32 to index
      %swap3A_166 = arith.constant 112 : index
      %swap3A_167 = tpu.vector_load %arg8[%swap3A_165, %swap3A_166] {strides = array<i32>} : memref<128x256xf32, #tpu.memory_space<vmem>>, vector<1x16xf32>,
      %swap3A_168 = vector.shape_cast %swap3A_167 : vector<1x16xf32> to vector<16xf32>
      %swap3A_169 = vector.shape_cast %add3A_164 : vector<16xf32> to vector<1x16xf32>
      tpu.vector_store %arg8[%swap3A_165, %swap3A_166], %swap3A_169 {strides = array<i32>} : memref<128x256xf32, #tpu.memory_space<vmem>>, vector<1x16xf32>,
      %get3A_170 = arith.index_cast %scan3A_34 : i32 to index
      %get3A_171 = arith.constant 128 : index
      %get3A_172 = tpu.vector_load %arg8[%get3A_170, %get3A_171] {strides = array<i32>} : memref<128x256xf32, #tpu.memory_space<vmem>>, vector<1x16xf32>,
      %get3A_173 = vector.shape_cast %get3A_172 : vector<1x16xf32> to vector<16xf32>
      %get3A_174 = arith.index_cast %scan3A_34 : i32 to index
      %get3A_175 = arith.constant 128 : index
      %get3A_176 = tpu.vector_load %arg9[%get3A_174, %get3A_175] {strides = array<i32>} : memref<128x256xf32, #tpu.memory_space<vmem>>, vector<1x16xf32>,
      %get3A_177 = vector.shape_cast %get3A_176 : vector<1x16xf32> to vector<16xf32>
      %sub3A_178 = arith.subf %get3A_173, %get3A_177 : vector<16xf32>
      %mul3A_179 = arith.mulf %sub3A_178, %sub3A_178 : vector<16xf32>
      %add3A_180 = arith.addf %add3A_163, %mul3A_179 : vector<16xf32>
      %add3A_181 = arith.addf %get3A_177, %sub3A_178 : vector<16xf32>
      %swap3A_182 = arith.index_cast %scan3A_34 : i32 to index
      %swap3A_183 = arith.constant 128 : index
      %swap3A_184 = tpu.vector_load %arg8[%swap3A_182, %swap3A_183] {strides = array<i32>} : memref<128x256xf32, #tpu.memory_space<vmem>>, vector<1x16xf32>,
      %swap3A_185 = vector.shape_cast %swap3A_184 : vector<1x16xf32> to vector<16xf32>
      %swap3A_186 = vector.shape_cast %add3A_181 : vector<16xf32> to vector<1x16xf32>
      tpu.vector_store %arg8[%swap3A_182, %swap3A_183], %swap3A_186 {strides = array<i32>} : memref<128x256xf32, #tpu.memory_space<vmem>>, vector<1x16xf32>,
      %get3A_187 = arith.index_cast %scan3A_34 : i32 to index
      %get3A_188 = arith.constant 144 : index
      %get3A_189 = tpu.vector_load %arg8[%get3A_187, %get3A_188] {strides = array<i32>} : memref<128x256xf32, #tpu.memory_space<vmem>>, vector<1x16xf32>,
      %get3A_190 = vector.shape_cast %get3A_189 : vector<1x16xf32> to vector<16xf32>
      %get3A_191 = arith.index_cast %scan3A_34 : i32 to index
      %get3A_192 = arith.constant 144 : index
      %get3A_193 = tpu.vector_load %arg9[%get3A_191, %get3A_192] {strides = array<i32>} : memref<128x256xf32, #tpu.memory_space<vmem>>, vector<1x16xf32>,
      %get3A_194 = vector.shape_cast %get3A_193 : vector<1x16xf32> to vector<16xf32>
      %sub3A_195 = arith.subf %get3A_190, %get3A_194 : vector<16xf32>
      %mul3A_196 = arith.mulf %sub3A_195, %sub3A_195 : vector<16xf32>
      %add3A_197 = arith.addf %add3A_180, %mul3A_196 : vector<16xf32>
      %add3A_198 = arith.addf %get3A_194, %sub3A_195 : vector<16xf32>
      %swap3A_199 = arith.index_cast %scan3A_34 : i32 to index
      %swap3A_200 = arith.constant 144 : index
      %swap3A_201 = tpu.vector_load %arg8[%swap3A_199, %swap3A_200] {strides = array<i32>} : memref<128x256xf32, #tpu.memory_space<vmem>>, vector<1x16xf32>,
      %swap3A_202 = vector.shape_cast %swap3A_201 : vector<1x16xf32> to vector<16xf32>
      %swap3A_203 = vector.shape_cast %add3A_198 : vector<16xf32> to vector<1x16xf32>
      tpu.vector_store %arg8[%swap3A_199, %swap3A_200], %swap3A_203 {strides = array<i32>} : memref<128x256xf32, #tpu.memory_space<vmem>>, vector<1x16xf32>,
      %get3A_204 = arith.index_cast %scan3A_34 : i32 to index
      %get3A_205 = arith.constant 160 : index
      %get3A_206 = tpu.vector_load %arg8[%get3A_204, %get3A_205] {strides = array<i32>} : memref<128x256xf32, #tpu.memory_space<vmem>>, vector<1x16xf32>,
      %get3A_207 = vector.shape_cast %get3A_206 : vector<1x16xf32> to vector<16xf32>
      %get3A_208 = arith.index_cast %scan3A_34 : i32 to index
      %get3A_209 = arith.constant 160 : index
      %get3A_210 = tpu.vector_load %arg9[%get3A_208, %get3A_209] {strides = array<i32>} : memref<128x256xf32, #tpu.memory_space<vmem>>, vector<1x16xf32>,
      %get3A_211 = vector.shape_cast %get3A_210 : vector<1x16xf32> to vector<16xf32>
      %sub3A_212 = arith.subf %get3A_207, %get3A_211 : vector<16xf32>
      %mul3A_213 = arith.mulf %sub3A_212, %sub3A_212 : vector<16xf32>
      %add3A_214 = arith.addf %add3A_197, %mul3A_213 : vector<16xf32>
      %add3A_215 = arith.addf %get3A_211, %sub3A_212 : vector<16xf32>
      %swap3A_216 = arith.index_cast %scan3A_34 : i32 to index
      %swap3A_217 = arith.constant 160 : index
      %swap3A_218 = tpu.vector_load %arg8[%swap3A_216, %swap3A_217] {strides = array<i32>} : memref<128x256xf32, #tpu.memory_space<vmem>>, vector<1x16xf32>,
      %swap3A_219 = vector.shape_cast %swap3A_218 : vector<1x16xf32> to vector<16xf32>
      %swap3A_220 = vector.shape_cast %add3A_215 : vector<16xf32> to vector<1x16xf32>
      tpu.vector_store %arg8[%swap3A_216, %swap3A_217], %swap3A_220 {strides = array<i32>} : memref<128x256xf32, #tpu.memory_space<vmem>>, vector<1x16xf32>,
      %get3A_221 = arith.index_cast %scan3A_34 : i32 to index
      %get3A_222 = arith.constant 176 : index
      %get3A_223 = tpu.vector_load %arg8[%get3A_221, %get3A_222] {strides = array<i32>} : memref<128x256xf32, #tpu.memory_space<vmem>>, vector<1x16xf32>,
      %get3A_224 = vector.shape_cast %get3A_223 : vector<1x16xf32> to vector<16xf32>
      %get3A_225 = arith.index_cast %scan3A_34 : i32 to index
      %get3A_226 = arith.constant 176 : index
      %get3A_227 = tpu.vector_load %arg9[%get3A_225, %get3A_226] {strides = array<i32>} : memref<128x256xf32, #tpu.memory_space<vmem>>, vector<1x16xf32>,
      %get3A_228 = vector.shape_cast %get3A_227 : vector<1x16xf32> to vector<16xf32>
      %sub3A_229 = arith.subf %get3A_224, %get3A_228 : vector<16xf32>
      %mul3A_230 = arith.mulf %sub3A_229, %sub3A_229 : vector<16xf32>
      %add3A_231 = arith.addf %add3A_214, %mul3A_230 : vector<16xf32>
      %add3A_232 = arith.addf %get3A_228, %sub3A_229 : vector<16xf32>
      %swap3A_233 = arith.index_cast %scan3A_34 : i32 to index
      %swap3A_234 = arith.constant 176 : index
      %swap3A_235 = tpu.vector_load %arg8[%swap3A_233, %swap3A_234] {strides = array<i32>} : memref<128x256xf32, #tpu.memory_space<vmem>>, vector<1x16xf32>,
      %swap3A_236 = vector.shape_cast %swap3A_235 : vector<1x16xf32> to vector<16xf32>
      %swap3A_237 = vector.shape_cast %add3A_232 : vector<16xf32> to vector<1x16xf32>
      tpu.vector_store %arg8[%swap3A_233, %swap3A_234], %swap3A_237 {strides = array<i32>} : memref<128x256xf32, #tpu.memory_space<vmem>>, vector<1x16xf32>,
      %get3A_238 = arith.index_cast %scan3A_34 : i32 to index
      %get3A_239 = arith.constant 192 : index
      %get3A_240 = tpu.vector_load %arg8[%get3A_238, %get3A_239] {strides = array<i32>} : memref<128x256xf32, #tpu.memory_space<vmem>>, vector<1x16xf32>,
      %get3A_241 = vector.shape_cast %get3A_240 : vector<1x16xf32> to vector<16xf32>
      %get3A_242 = arith.index_cast %scan3A_34 : i32 to index
      %get3A_243 = arith.constant 192 : index
      %get3A_244 = tpu.vector_load %arg9[%get3A_242, %get3A_243] {strides = array<i32>} : memref<128x256xf32, #tpu.memory_space<vmem>>, vector<1x16xf32>,
      %get3A_245 = vector.shape_cast %get3A_244 : vector<1x16xf32> to vector<16xf32>
      %sub3A_246 = arith.subf %get3A_241, %get3A_245 : vector<16xf32>
      %mul3A_247 = arith.mulf %sub3A_246, %sub3A_246 : vector<16xf32>
      %add3A_248 = arith.addf %add3A_231, %mul3A_247 : vector<16xf32>
      %add3A_249 = arith.addf %get3A_245, %sub3A_246 : vector<16xf32>
      %swap3A_250 = arith.index_cast %scan3A_34 : i32 to index
      %swap3A_251 = arith.constant 192 : index
      %swap3A_252 = tpu.vector_load %arg8[%swap3A_250, %swap3A_251] {strides = array<i32>} : memref<128x256xf32, #tpu.memory_space<vmem>>, vector<1x16xf32>,
      %swap3A_253 = vector.shape_cast %swap3A_252 : vector<1x16xf32> to vector<16xf32>
      %swap3A_254 = vector.shape_cast %add3A_249 : vector<16xf32> to vector<1x16xf32>
      tpu.vector_store %arg8[%swap3A_250, %swap3A_251], %swap3A_254 {strides = array<i32>} : memref<128x256xf32, #tpu.memory_space<vmem>>, vector<1x16xf32>,
      %get3A_255 = arith.index_cast %scan3A_34 : i32 to index
      %get3A_256 = arith.constant 208 : index
      %get3A_257 = tpu.vector_load %arg8[%get3A_255, %get3A_256] {strides = array<i32>} : memref<128x256xf32, #tpu.memory_space<vmem>>, vector<1x16xf32>,
      %get3A_258 = vector.shape_cast %get3A_257 : vector<1x16xf32> to vector<16xf32>
      %get3A_259 = arith.index_cast %scan3A_34 : i32 to index
      %get3A_260 = arith.constant 208 : index
      %get3A_261 = tpu.vector_load %arg9[%get3A_259, %get3A_260] {strides = array<i32>} : memref<128x256xf32, #tpu.memory_space<vmem>>, vector<1x16xf32>,
      %get3A_262 = vector.shape_cast %get3A_261 : vector<1x16xf32> to vector<16xf32>
      %sub3A_263 = arith.subf %get3A_258, %get3A_262 : vector<16xf32>
      %mul3A_264 = arith.mulf %sub3A_263, %sub3A_263 : vector<16xf32>
      %add3A_265 = arith.addf %add3A_248, %mul3A_264 : vector<16xf32>
      %add3A_266 = arith.addf %get3A_262, %sub3A_263 : vector<16xf32>
      %swap3A_267 = arith.index_cast %scan3A_34 : i32 to index
      %swap3A_268 = arith.constant 208 : index
      %swap3A_269 = tpu.vector_load %arg8[%swap3A_267, %swap3A_268] {strides = array<i32>} : memref<128x256xf32, #tpu.memory_space<vmem>>, vector<1x16xf32>,
      %swap3A_270 = vector.shape_cast %swap3A_269 : vector<1x16xf32> to vector<16xf32>
      %swap3A_271 = vector.shape_cast %add3A_266 : vector<16xf32> to vector<1x16xf32>
      tpu.vector_store %arg8[%swap3A_267, %swap3A_268], %swap3A_271 {strides = array<i32>} : memref<128x256xf32, #tpu.memory_space<vmem>>, vector<1x16xf32>,
      %get3A_272 = arith.index_cast %scan3A_34 : i32 to index
      %get3A_273 = arith.constant 224 : index
      %get3A_274 = tpu.vector_load %arg8[%get3A_272, %get3A_273] {strides = array<i32>} : memref<128x256xf32, #tpu.memory_space<vmem>>, vector<1x16xf32>,
      %get3A_275 = vector.shape_cast %get3A_274 : vector<1x16xf32> to vector<16xf32>
      %get3A_276 = arith.index_cast %scan3A_34 : i32 to index
      %get3A_277 = arith.constant 224 : index
      %get3A_278 = tpu.vector_load %arg9[%get3A_276, %get3A_277] {strides = array<i32>} : memref<128x256xf32, #tpu.memory_space<vmem>>, vector<1x16xf32>,
      %get3A_279 = vector.shape_cast %get3A_278 : vector<1x16xf32> to vector<16xf32>
      %sub3A_280 = arith.subf %get3A_275, %get3A_279 : vector<16xf32>
      %mul3A_281 = arith.mulf %sub3A_280, %sub3A_280 : vector<16xf32>
      %add3A_282 = arith.addf %add3A_265, %mul3A_281 : vector<16xf32>
      %add3A_283 = arith.addf %get3A_279, %sub3A_280 : vector<16xf32>
      %swap3A_284 = arith.index_cast %scan3A_34 : i32 to index
      %swap3A_285 = arith.constant 224 : index
      %swap3A_286 = tpu.vector_load %arg8[%swap3A_284, %swap3A_285] {strides = array<i32>} : memref<128x256xf32, #tpu.memory_space<vmem>>, vector<1x16xf32>,
      %swap3A_287 = vector.shape_cast %swap3A_286 : vector<1x16xf32> to vector<16xf32>
      %swap3A_288 = vector.shape_cast %add3A_283 : vector<16xf32> to vector<1x16xf32>
      tpu.vector_store %arg8[%swap3A_284, %swap3A_285], %swap3A_288 {strides = array<i32>} : memref<128x256xf32, #tpu.memory_space<vmem>>, vector<1x16xf32>,
      %get3A_289 = arith.index_cast %scan3A_34 : i32 to index
      %get3A_290 = arith.constant 240 : index
      %get3A_291 = tpu.vector_load %arg8[%get3A_289, %get3A_290] {strides = array<i32>} : memref<128x256xf32, #tpu.memory_space<vmem>>, vector<1x16xf32>,
      %get3A_292 = vector.shape_cast %get3A_291 : vector<1x16xf32> to vector<16xf32>
      %get3A_293 = arith.index_cast %scan3A_34 : i32 to index
      %get3A_294 = arith.constant 240 : index
      %get3A_295 = tpu.vector_load %arg9[%get3A_293, %get3A_294] {strides = array<i32>} : memref<128x256xf32, #tpu.memory_space<vmem>>, vector<1x16xf32>,
      %get3A_296 = vector.shape_cast %get3A_295 : vector<1x16xf32> to vector<16xf32>
      %sub3A_297 = arith.subf %get3A_292, %get3A_296 : vector<16xf32>
      %mul3A_298 = arith.mulf %sub3A_297, %sub3A_297 : vector<16xf32>
      %add3A_299 = arith.addf %add3A_282, %mul3A_298 : vector<16xf32>
      %add3A_300 = arith.addf %get3A_296, %sub3A_297 : vector<16xf32>
      %swap3A_301 = arith.index_cast %scan3A_34 : i32 to index
      %swap3A_302 = arith.constant 240 : index
      %swap3A_303 = tpu.vector_load %arg8[%swap3A_301, %swap3A_302] {strides = array<i32>} : memref<128x256xf32, #tpu.memory_space<vmem>>, vector<1x16xf32>,
      %swap3A_304 = vector.shape_cast %swap3A_303 : vector<1x16xf32> to vector<16xf32>
      %swap3A_305 = vector.shape_cast %add3A_300 : vector<16xf32> to vector<1x16xf32>
      tpu.vector_store %arg8[%swap3A_301, %swap3A_302], %swap3A_305 {strides = array<i32>} : memref<128x256xf32, #tpu.memory_space<vmem>>, vector<1x16xf32>,
      scf.yield %add3A_299 : vector<16xf32>
    }
    %scan3A_30 = arith.constant 128 : i32
    "tpu.region"() ({
      %run_scoped3A = tpu.sem_alloc : memref<!tpu.dma_semaphore, #tpu.memory_space<semaphore_mem>>
      %dma_start3A_34 = arith.constant 0 : i32
      %dma_start3A_35 = tpu.memref_slice %arg5[%add3A_18, %dma_start3A_34] : memref<8192x256xf32, #tpu.memory_space<hbm>> -> memref<128x256xf32, #tpu.memory_space<hbm>>
      %dma_start3A_36 = arith.constant 0 : i32
      %dma_start3A_37 = tpu.memref_slice %arg5[%add3A_18, %dma_start3A_36] : memref<8192x256xf32, #tpu.memory_space<hbm>> -> memref<128x256xf32, #tpu.memory_space<hbm>>
      tpu.enqueue_dma source(%arg8 : memref<128x256xf32, #tpu.memory_space<vmem>>) target(%dma_start3A_37 : memref<128x256xf32, #tpu.memory_space<hbm>>) target_semaphore(%run_scoped3A : memref<!tpu.dma_semaphore, #tpu.memory_space<semaphore_mem>>)
      %dma_wait3A_38 = arith.constant 0 : i32
      %dma_wait3A_39 = tpu.memref_slice %arg5[%add3A_18, %dma_wait3A_38] : memref<8192x256xf32, #tpu.memory_space<hbm>> -> memref<128x256xf32, #tpu.memory_space<hbm>>
      %dma_wait3A_40 = arith.constant 0 : i32
      %dma_wait3A_41 = tpu.memref_slice %arg5[%add3A_18, %dma_wait3A_40] : memref<8192x256xf32, #tpu.memory_space<hbm>> -> memref<128x256xf32, #tpu.memory_space<hbm>>
      tpu.wait_dma2 semaphore(%run_scoped3A : memref<!tpu.dma_semaphore, #tpu.memory_space<semaphore_mem>>) src(%arg8 : memref<128x256xf32, #tpu.memory_space<vmem>>) dst(%dma_wait3A_41 : memref<128x256xf32, #tpu.memory_space<hbm>>)
      tpu.yield
    }) : () -> ()
    %swap3A = arith.constant 0 : index
    %swap3A_31 = tpu.vector_load %arg10[%swap3A] {strides = array<i32>} : memref<16xf32, #tpu.memory_space<vmem>>, vector<16xf32>,
    %swap3A_32 = vector.shape_cast %swap3A_31 : vector<16xf32> to vector<16xf32>
    %swap3A_33 = vector.shape_cast %scan3A_29 : vector<16xf32> to vector<16xf32>
    tpu.vector_store %arg10[%swap3A], %swap3A_33 {strides = array<i32>} : memref<16xf32, #tpu.memory_space<vmem>>, vector<16xf32>,
    "tpu.region"() ({
      %run_scoped3A = tpu.sem_alloc : memref<!tpu.dma_semaphore, #tpu.memory_space<semaphore_mem>>
      %dma_start3A_34 = arith.constant 0 : i32
      %dma_start3A_35 = tpu.memref_slice %arg6[%add3A, %dma_start3A_34] : memref<32x16xf32, #tpu.memory_space<hbm>> -> memref<1x16xf32, #tpu.memory_space<hbm>>
      %dma_start3A_36 = tpu.memref_squeeze %dma_start3A_35 : memref<1x16xf32, #tpu.memory_space<hbm>> -> memref<16xf32, #tpu.memory_space<hbm>>
      %dma_start3A_37 = arith.constant 0 : i32
      %dma_start3A_38 = tpu.memref_slice %arg6[%add3A, %dma_start3A_37] : memref<32x16xf32, #tpu.memory_space<hbm>> -> memref<1x16xf32, #tpu.memory_space<hbm>>
      %dma_start3A_39 = tpu.memref_squeeze %dma_start3A_38 : memref<1x16xf32, #tpu.memory_space<hbm>> -> memref<16xf32, #tpu.memory_space<hbm>>
      tpu.enqueue_dma source(%arg10 : memref<16xf32, #tpu.memory_space<vmem>>) target(%dma_start3A_39 : memref<16xf32, #tpu.memory_space<hbm>>) target_semaphore(%run_scoped3A : memref<!tpu.dma_semaphore, #tpu.memory_space<semaphore_mem>>)
      %dma_wait3A_40 = arith.constant 0 : i32
      %dma_wait3A_41 = tpu.memref_slice %arg6[%add3A, %dma_wait3A_40] : memref<32x16xf32, #tpu.memory_space<hbm>> -> memref<1x16xf32, #tpu.memory_space<hbm>>
      %dma_wait3A_42 = tpu.memref_squeeze %dma_wait3A_41 : memref<1x16xf32, #tpu.memory_space<hbm>> -> memref<16xf32, #tpu.memory_space<hbm>>
      %dma_wait3A_43 = arith.constant 0 : i32
      %dma_wait3A_44 = tpu.memref_slice %arg6[%add3A, %dma_wait3A_43] : memref<32x16xf32, #tpu.memory_space<hbm>> -> memref<1x16xf32, #tpu.memory_space<hbm>>
      %dma_wait3A_45 = tpu.memref_squeeze %dma_wait3A_44 : memref<1x16xf32, #tpu.memory_space<hbm>> -> memref<16xf32, #tpu.memory_space<hbm>>
      tpu.wait_dma2 semaphore(%run_scoped3A : memref<!tpu.dma_semaphore, #tpu.memory_space<semaphore_mem>>) src(%arg10 : memref<16xf32, #tpu.memory_space<vmem>>) dst(%dma_wait3A_45 : memref<16xf32, #tpu.memory_space<hbm>>)
      tpu.yield
    }) : () -> ()
    return
  }
}

module attributes {stable_mosaic.version = 14 : i64} {
  func.func @_argmin_body(%arg0: i32, %arg1: memref<512x256xf32, #tpu.memory_space<vmem>>, %arg2: memref<8192x256xbf16, #tpu.memory_space<vmem>>, %arg3: memref<512x1xf32, #tpu.memory_space<vmem>>, %arg4: memref<1x8192xf32, #tpu.memory_space<vmem>>, %arg5: memref<512x1xi32, #tpu.memory_space<vmem>>, %arg6: memref<512x128xf32, #tpu.memory_space<vmem>>, %arg7: memref<512x128xi32, #tpu.memory_space<vmem>>) attributes {dimension_semantics = [#tpu.dimension_semantics<arbitrary>], iteration_bounds = array<i64: 16>, scalar_prefetch = 0 : i64, scratch_operands = 2 : i64, tpu.core_type = #tpu.core_type<tc>, window_params = [{transform_indices = @transform_0, window_bounds = array<i64: 512, 256>}, {pipeline_mode = #tpu.pipeline_mode<synchronous>, transform_indices = @transform_1, window_bounds = array<i64: 8192, 256>}, {transform_indices = @transform_2, window_bounds = array<i64: 512, 1>}, {pipeline_mode = #tpu.pipeline_mode<synchronous>, transform_indices = @transform_3, window_bounds = array<i64: 1, 8192>}, {transform_indices = @transform_4, window_bounds = array<i64: 512, 1>}]} {
    %get3A = arith.constant 0 : index
    %get3A_0 = arith.constant 0 : index
    %get3A_1 = vector.load %arg1[%get3A, %get3A_0] : memref<512x256xf32, #tpu.memory_space<vmem>>, vector<512x256xf32>
    %convert_element_type3A = arith.truncf %get3A_1 : vector<512x256xf32> to vector<512x256xbf16>
    %get3A_2 = arith.constant 0 : index
    %get3A_3 = arith.constant 0 : index
    %get3A_4 = vector.load %arg3[%get3A_2, %get3A_3] : memref<512x1xf32, #tpu.memory_space<vmem>>, vector<512x1xf32>
    %broadcast_in_dim3A = arith.constant 0x7F800000 : f32
    %broadcast_in_dim3A_5 = vector.broadcast %broadcast_in_dim3A : f32 to vector<512x128xf32>
    %swap3A = arith.constant 0 : index
    %swap3A_6 = arith.constant 0 : index
    %swap3A_7 = vector.load %arg6[%swap3A, %swap3A_6] : memref<512x128xf32, #tpu.memory_space<vmem>>, vector<512x128xf32>
    tpu.vector_store %arg6[%swap3A, %swap3A_6], %broadcast_in_dim3A_5 {strides = array<i32>} : memref<512x128xf32, #tpu.memory_space<vmem>>, vector<512x128xf32>,
    %broadcast_in_dim3A_8 = arith.constant 0 : i32
    %broadcast_in_dim3A_9 = vector.broadcast %broadcast_in_dim3A_8 : i32 to vector<512x128xi32>
    %swap3A_10 = arith.constant 0 : index
    %swap3A_11 = arith.constant 0 : index
    %swap3A_12 = vector.load %arg7[%swap3A_10, %swap3A_11] : memref<512x128xi32, #tpu.memory_space<vmem>>, vector<512x128xi32>
    tpu.vector_store %arg7[%swap3A_10, %swap3A_11], %broadcast_in_dim3A_9 {strides = array<i32>} : memref<512x128xi32, #tpu.memory_space<vmem>>, vector<512x128xi32>,
    %get3A_13 = arith.constant 0 : index
    %get3A_14 = arith.constant 0 : index
    %get3A_15 = vector.load %arg2[%get3A_13, %get3A_14] : memref<8192x256xbf16, #tpu.memory_space<vmem>>, vector<1024x256xbf16>
    %dot_general3A = arith.constant dense<0.000000e+00> : vector<512x1024xf32>
    %dot_general3A_16 = tpu.matmul %convert_element_type3A, %get3A_15, %dot_general3A {dimension_numbers = #tpu.dot_dimension_numbers<[1], [1], [0], [0], [0, 0, 1, 0], [], []>, transpose_lhs_hint = false} : vector<512x256xbf16>, vector<1024x256xbf16>, vector<512x1024xf32> -> vector<512x1024xf32>
    %get3A_17 = arith.constant 0 : index
    %get3A_18 = arith.constant 0 : index
    %get3A_19 = vector.load %arg4[%get3A_17, %get3A_18] : memref<1x8192xf32, #tpu.memory_space<vmem>>, vector<1x128xf32>
    %add3A = vector.broadcast %get3A_4 : vector<512x1xf32> to vector<512x128xf32>
    %add3A_20 = vector.broadcast %get3A_19 : vector<1x128xf32> to vector<512x128xf32>
    %add3A_21 = arith.addf %add3A, %add3A_20 : vector<512x128xf32>
    %slice3A = vector.extract_strided_slice %dot_general3A_16 {offsets = [0, 0], sizes = [512, 128], strides = [1, 1]} : vector<512x1024xf32> to vector<512x128xf32>
    %add3A_22 = arith.addf %add3A_21, %slice3A : vector<512x128xf32>
    %rsqrt3A = math.rsqrt %add3A_22 : vector<512x128xf32>
    %mul3A = arith.mulf %add3A_22, %rsqrt3A : vector<512x128xf32>
    %get3A_23 = arith.constant 0 : index
    %get3A_24 = arith.constant 128 : index
    %get3A_25 = vector.load %arg4[%get3A_23, %get3A_24] : memref<1x8192xf32, #tpu.memory_space<vmem>>, vector<1x128xf32>
    %add3A_26 = vector.broadcast %get3A_4 : vector<512x1xf32> to vector<512x128xf32>
    %add3A_27 = vector.broadcast %get3A_25 : vector<1x128xf32> to vector<512x128xf32>
    %add3A_28 = arith.addf %add3A_26, %add3A_27 : vector<512x128xf32>
    %slice3A_29 = vector.extract_strided_slice %dot_general3A_16 {offsets = [0, 128], sizes = [512, 128], strides = [1, 1]} : vector<512x1024xf32> to vector<512x128xf32>
    %add3A_30 = arith.addf %add3A_28, %slice3A_29 : vector<512x128xf32>
    %rsqrt3A_31 = math.rsqrt %add3A_30 : vector<512x128xf32>
    %mul3A_32 = arith.mulf %add3A_30, %rsqrt3A_31 : vector<512x128xf32>
    %get3A_33 = arith.constant 0 : index
    %get3A_34 = arith.constant 256 : index
    %get3A_35 = vector.load %arg4[%get3A_33, %get3A_34] : memref<1x8192xf32, #tpu.memory_space<vmem>>, vector<1x128xf32>
    %add3A_36 = vector.broadcast %get3A_4 : vector<512x1xf32> to vector<512x128xf32>
    %add3A_37 = vector.broadcast %get3A_35 : vector<1x128xf32> to vector<512x128xf32>
    %add3A_38 = arith.addf %add3A_36, %add3A_37 : vector<512x128xf32>
    %slice3A_39 = vector.extract_strided_slice %dot_general3A_16 {offsets = [0, 256], sizes = [512, 128], strides = [1, 1]} : vector<512x1024xf32> to vector<512x128xf32>
    %add3A_40 = arith.addf %add3A_38, %slice3A_39 : vector<512x128xf32>
    %rsqrt3A_41 = math.rsqrt %add3A_40 : vector<512x128xf32>
    %mul3A_42 = arith.mulf %add3A_40, %rsqrt3A_41 : vector<512x128xf32>
    %get3A_43 = arith.constant 0 : index
    %get3A_44 = arith.constant 384 : index
    %get3A_45 = vector.load %arg4[%get3A_43, %get3A_44] : memref<1x8192xf32, #tpu.memory_space<vmem>>, vector<1x128xf32>
    %add3A_46 = vector.broadcast %get3A_4 : vector<512x1xf32> to vector<512x128xf32>
    %add3A_47 = vector.broadcast %get3A_45 : vector<1x128xf32> to vector<512x128xf32>
    %add3A_48 = arith.addf %add3A_46, %add3A_47 : vector<512x128xf32>
    %slice3A_49 = vector.extract_strided_slice %dot_general3A_16 {offsets = [0, 384], sizes = [512, 128], strides = [1, 1]} : vector<512x1024xf32> to vector<512x128xf32>
    %add3A_50 = arith.addf %add3A_48, %slice3A_49 : vector<512x128xf32>
    %rsqrt3A_51 = math.rsqrt %add3A_50 : vector<512x128xf32>
    %mul3A_52 = arith.mulf %add3A_50, %rsqrt3A_51 : vector<512x128xf32>
    %get3A_53 = arith.constant 0 : index
    %get3A_54 = arith.constant 512 : index
    %get3A_55 = vector.load %arg4[%get3A_53, %get3A_54] : memref<1x8192xf32, #tpu.memory_space<vmem>>, vector<1x128xf32>
    %add3A_56 = vector.broadcast %get3A_4 : vector<512x1xf32> to vector<512x128xf32>
    %add3A_57 = vector.broadcast %get3A_55 : vector<1x128xf32> to vector<512x128xf32>
    %add3A_58 = arith.addf %add3A_56, %add3A_57 : vector<512x128xf32>
    %slice3A_59 = vector.extract_strided_slice %dot_general3A_16 {offsets = [0, 512], sizes = [512, 128], strides = [1, 1]} : vector<512x1024xf32> to vector<512x128xf32>
    %add3A_60 = arith.addf %add3A_58, %slice3A_59 : vector<512x128xf32>
    %rsqrt3A_61 = math.rsqrt %add3A_60 : vector<512x128xf32>
    %mul3A_62 = arith.mulf %add3A_60, %rsqrt3A_61 : vector<512x128xf32>
    %get3A_63 = arith.constant 0 : index
    %get3A_64 = arith.constant 640 : index
    %get3A_65 = vector.load %arg4[%get3A_63, %get3A_64] : memref<1x8192xf32, #tpu.memory_space<vmem>>, vector<1x128xf32>
    %add3A_66 = vector.broadcast %get3A_4 : vector<512x1xf32> to vector<512x128xf32>
    %add3A_67 = vector.broadcast %get3A_65 : vector<1x128xf32> to vector<512x128xf32>
    %add3A_68 = arith.addf %add3A_66, %add3A_67 : vector<512x128xf32>
    %slice3A_69 = vector.extract_strided_slice %dot_general3A_16 {offsets = [0, 640], sizes = [512, 128], strides = [1, 1]} : vector<512x1024xf32> to vector<512x128xf32>
    %add3A_70 = arith.addf %add3A_68, %slice3A_69 : vector<512x128xf32>
    %rsqrt3A_71 = math.rsqrt %add3A_70 : vector<512x128xf32>
    %mul3A_72 = arith.mulf %add3A_70, %rsqrt3A_71 : vector<512x128xf32>
    %get3A_73 = arith.constant 0 : index
    %get3A_74 = arith.constant 768 : index
    %get3A_75 = vector.load %arg4[%get3A_73, %get3A_74] : memref<1x8192xf32, #tpu.memory_space<vmem>>, vector<1x128xf32>
    %add3A_76 = vector.broadcast %get3A_4 : vector<512x1xf32> to vector<512x128xf32>
    %add3A_77 = vector.broadcast %get3A_75 : vector<1x128xf32> to vector<512x128xf32>
    %add3A_78 = arith.addf %add3A_76, %add3A_77 : vector<512x128xf32>
    %slice3A_79 = vector.extract_strided_slice %dot_general3A_16 {offsets = [0, 768], sizes = [512, 128], strides = [1, 1]} : vector<512x1024xf32> to vector<512x128xf32>
    %add3A_80 = arith.addf %add3A_78, %slice3A_79 : vector<512x128xf32>
    %rsqrt3A_81 = math.rsqrt %add3A_80 : vector<512x128xf32>
    %mul3A_82 = arith.mulf %add3A_80, %rsqrt3A_81 : vector<512x128xf32>
    %get3A_83 = arith.constant 0 : index
    %get3A_84 = arith.constant 896 : index
    %get3A_85 = vector.load %arg4[%get3A_83, %get3A_84] : memref<1x8192xf32, #tpu.memory_space<vmem>>, vector<1x128xf32>
    %add3A_86 = vector.broadcast %get3A_4 : vector<512x1xf32> to vector<512x128xf32>
    %add3A_87 = vector.broadcast %get3A_85 : vector<1x128xf32> to vector<512x128xf32>
    %add3A_88 = arith.addf %add3A_86, %add3A_87 : vector<512x128xf32>
    %slice3A_89 = vector.extract_strided_slice %dot_general3A_16 {offsets = [0, 896], sizes = [512, 128], strides = [1, 1]} : vector<512x1024xf32> to vector<512x128xf32>
    %add3A_90 = arith.addf %add3A_88, %slice3A_89 : vector<512x128xf32>
    %rsqrt3A_91 = math.rsqrt %add3A_90 : vector<512x128xf32>
    %mul3A_92 = arith.mulf %add3A_90, %rsqrt3A_91 : vector<512x128xf32>
    %lt3A = arith.cmpf olt, %mul3A_32, %mul3A : vector<512x128xf32>
    %select_n3A = arith.select %lt3A, %mul3A_32, %mul3A : vector<512x128xi1>, vector<512x128xf32>
    %jit3A = arith.constant 1 : i32
    %jit3A_93 = arith.constant 0 : i32
    %broadcast_in_dim3A_94 = vector.broadcast %jit3A : i32 to vector<512x128xi32>
    %broadcast_in_dim3A_95 = vector.broadcast %jit3A_93 : i32 to vector<512x128xi32>
    %select_n3A_96 = arith.select %lt3A, %broadcast_in_dim3A_94, %broadcast_in_dim3A_95 : vector<512x128xi1>, vector<512x128xi32>
    %lt3A_97 = arith.cmpf olt, %mul3A_52, %mul3A_42 : vector<512x128xf32>
    %select_n3A_98 = arith.select %lt3A_97, %mul3A_52, %mul3A_42 : vector<512x128xi1>, vector<512x128xf32>
    %jit3A_99 = arith.constant 3 : i32
    %jit3A_100 = arith.constant 2 : i32
    %broadcast_in_dim3A_101 = vector.broadcast %jit3A_99 : i32 to vector<512x128xi32>
    %broadcast_in_dim3A_102 = vector.broadcast %jit3A_100 : i32 to vector<512x128xi32>
    %select_n3A_103 = arith.select %lt3A_97, %broadcast_in_dim3A_101, %broadcast_in_dim3A_102 : vector<512x128xi1>, vector<512x128xi32>
    %lt3A_104 = arith.cmpf olt, %mul3A_72, %mul3A_62 : vector<512x128xf32>
    %select_n3A_105 = arith.select %lt3A_104, %mul3A_72, %mul3A_62 : vector<512x128xi1>, vector<512x128xf32>
    %jit3A_106 = arith.constant 5 : i32
    %jit3A_107 = arith.constant 4 : i32
    %broadcast_in_dim3A_108 = vector.broadcast %jit3A_106 : i32 to vector<512x128xi32>
    %broadcast_in_dim3A_109 = vector.broadcast %jit3A_107 : i32 to vector<512x128xi32>
    %select_n3A_110 = arith.select %lt3A_104, %broadcast_in_dim3A_108, %broadcast_in_dim3A_109 : vector<512x128xi1>, vector<512x128xi32>
    %lt3A_111 = arith.cmpf olt, %mul3A_92, %mul3A_82 : vector<512x128xf32>
    %select_n3A_112 = arith.select %lt3A_111, %mul3A_92, %mul3A_82 : vector<512x128xi1>, vector<512x128xf32>
    %jit3A_113 = arith.constant 7 : i32
    %jit3A_114 = arith.constant 6 : i32
    %broadcast_in_dim3A_115 = vector.broadcast %jit3A_113 : i32 to vector<512x128xi32>
    %broadcast_in_dim3A_116 = vector.broadcast %jit3A_114 : i32 to vector<512x128xi32>
    %select_n3A_117 = arith.select %lt3A_111, %broadcast_in_dim3A_115, %broadcast_in_dim3A_116 : vector<512x128xi1>, vector<512x128xi32>
    %lt3A_118 = arith.cmpf olt, %select_n3A_98, %select_n3A : vector<512x128xf32>
    %select_n3A_119 = arith.select %lt3A_118, %select_n3A_98, %select_n3A : vector<512x128xi1>, vector<512x128xf32>
    %select_n3A_120 = arith.select %lt3A_118, %select_n3A_103, %select_n3A_96 : vector<512x128xi1>, vector<512x128xi32>
    %lt3A_121 = arith.cmpf olt, %select_n3A_112, %select_n3A_105 : vector<512x128xf32>
    %select_n3A_122 = arith.select %lt3A_121, %select_n3A_112, %select_n3A_105 : vector<512x128xi1>, vector<512x128xf32>
    %select_n3A_123 = arith.select %lt3A_121, %select_n3A_117, %select_n3A_110 : vector<512x128xi1>, vector<512x128xi32>
    %lt3A_124 = arith.cmpf olt, %select_n3A_122, %select_n3A_119 : vector<512x128xf32>
    %select_n3A_125 = arith.select %lt3A_124, %select_n3A_122, %select_n3A_119 : vector<512x128xi1>, vector<512x128xf32>
    %select_n3A_126 = arith.select %lt3A_124, %select_n3A_123, %select_n3A_120 : vector<512x128xi1>, vector<512x128xi32>
    %get3A_127 = arith.constant 0 : index
    %get3A_128 = arith.constant 0 : index
    %get3A_129 = vector.load %arg6[%get3A_127, %get3A_128] : memref<512x128xf32, #tpu.memory_space<vmem>>, vector<512x128xf32>
    %lt3A_130 = arith.cmpf olt, %select_n3A_125, %get3A_129 : vector<512x128xf32>
    %select_n3A_131 = arith.select %lt3A_130, %select_n3A_125, %get3A_129 : vector<512x128xi1>, vector<512x128xf32>
    %swap3A_132 = arith.constant 0 : index
    %swap3A_133 = arith.constant 0 : index
    %swap3A_134 = vector.load %arg6[%swap3A_132, %swap3A_133] : memref<512x128xf32, #tpu.memory_space<vmem>>, vector<512x128xf32>
    tpu.vector_store %arg6[%swap3A_132, %swap3A_133], %select_n3A_131 {strides = array<i32>} : memref<512x128xf32, #tpu.memory_space<vmem>>, vector<512x128xf32>,
    %get3A_135 = arith.constant 0 : index
    %get3A_136 = arith.constant 0 : index
    %get3A_137 = vector.load %arg7[%get3A_135, %get3A_136] : memref<512x128xi32, #tpu.memory_space<vmem>>, vector<512x128xi32>
    %select_n3A_138 = arith.select %lt3A_130, %select_n3A_126, %get3A_137 : vector<512x128xi1>, vector<512x128xi32>
    %swap3A_139 = arith.constant 0 : index
    %swap3A_140 = arith.constant 0 : index
    %swap3A_141 = vector.load %arg7[%swap3A_139, %swap3A_140] : memref<512x128xi32, #tpu.memory_space<vmem>>, vector<512x128xi32>
    tpu.vector_store %arg7[%swap3A_139, %swap3A_140], %select_n3A_138 {strides = array<i32>} : memref<512x128xi32, #tpu.memory_space<vmem>>, vector<512x128xi32>,
    %get3A_142 = arith.constant 1024 : index
    %get3A_143 = arith.constant 0 : index
    %get3A_144 = vector.load %arg2[%get3A_142, %get3A_143] : memref<8192x256xbf16, #tpu.memory_space<vmem>>, vector<1024x256xbf16>
    %dot_general3A_145 = arith.constant dense<0.000000e+00> : vector<512x1024xf32>
    %dot_general3A_146 = tpu.matmul %convert_element_type3A, %get3A_144, %dot_general3A_145 {dimension_numbers = #tpu.dot_dimension_numbers<[1], [1], [0], [0], [0, 0, 1, 0], [], []>, transpose_lhs_hint = false} : vector<512x256xbf16>, vector<1024x256xbf16>, vector<512x1024xf32> -> vector<512x1024xf32>
    %get3A_147 = arith.constant 0 : index
    %get3A_148 = arith.constant 1024 : index
    %get3A_149 = vector.load %arg4[%get3A_147, %get3A_148] : memref<1x8192xf32, #tpu.memory_space<vmem>>, vector<1x128xf32>
    %add3A_150 = vector.broadcast %get3A_4 : vector<512x1xf32> to vector<512x128xf32>
    %add3A_151 = vector.broadcast %get3A_149 : vector<1x128xf32> to vector<512x128xf32>
    %add3A_152 = arith.addf %add3A_150, %add3A_151 : vector<512x128xf32>
    %slice3A_153 = vector.extract_strided_slice %dot_general3A_146 {offsets = [0, 0], sizes = [512, 128], strides = [1, 1]} : vector<512x1024xf32> to vector<512x128xf32>
    %add3A_154 = arith.addf %add3A_152, %slice3A_153 : vector<512x128xf32>
    %rsqrt3A_155 = math.rsqrt %add3A_154 : vector<512x128xf32>
    %mul3A_156 = arith.mulf %add3A_154, %rsqrt3A_155 : vector<512x128xf32>
    %get3A_157 = arith.constant 0 : index
    %get3A_158 = arith.constant 1152 : index
    %get3A_159 = vector.load %arg4[%get3A_157, %get3A_158] : memref<1x8192xf32, #tpu.memory_space<vmem>>, vector<1x128xf32>
    %add3A_160 = vector.broadcast %get3A_4 : vector<512x1xf32> to vector<512x128xf32>
    %add3A_161 = vector.broadcast %get3A_159 : vector<1x128xf32> to vector<512x128xf32>
    %add3A_162 = arith.addf %add3A_160, %add3A_161 : vector<512x128xf32>
    %slice3A_163 = vector.extract_strided_slice %dot_general3A_146 {offsets = [0, 128], sizes = [512, 128], strides = [1, 1]} : vector<512x1024xf32> to vector<512x128xf32>
    %add3A_164 = arith.addf %add3A_162, %slice3A_163 : vector<512x128xf32>
    %rsqrt3A_165 = math.rsqrt %add3A_164 : vector<512x128xf32>
    %mul3A_166 = arith.mulf %add3A_164, %rsqrt3A_165 : vector<512x128xf32>
    %get3A_167 = arith.constant 0 : index
    %get3A_168 = arith.constant 1280 : index
    %get3A_169 = vector.load %arg4[%get3A_167, %get3A_168] : memref<1x8192xf32, #tpu.memory_space<vmem>>, vector<1x128xf32>
    %add3A_170 = vector.broadcast %get3A_4 : vector<512x1xf32> to vector<512x128xf32>
    %add3A_171 = vector.broadcast %get3A_169 : vector<1x128xf32> to vector<512x128xf32>
    %add3A_172 = arith.addf %add3A_170, %add3A_171 : vector<512x128xf32>
    %slice3A_173 = vector.extract_strided_slice %dot_general3A_146 {offsets = [0, 256], sizes = [512, 128], strides = [1, 1]} : vector<512x1024xf32> to vector<512x128xf32>
    %add3A_174 = arith.addf %add3A_172, %slice3A_173 : vector<512x128xf32>
    %rsqrt3A_175 = math.rsqrt %add3A_174 : vector<512x128xf32>
    %mul3A_176 = arith.mulf %add3A_174, %rsqrt3A_175 : vector<512x128xf32>
    %get3A_177 = arith.constant 0 : index
    %get3A_178 = arith.constant 1408 : index
    %get3A_179 = vector.load %arg4[%get3A_177, %get3A_178] : memref<1x8192xf32, #tpu.memory_space<vmem>>, vector<1x128xf32>
    %add3A_180 = vector.broadcast %get3A_4 : vector<512x1xf32> to vector<512x128xf32>
    %add3A_181 = vector.broadcast %get3A_179 : vector<1x128xf32> to vector<512x128xf32>
    %add3A_182 = arith.addf %add3A_180, %add3A_181 : vector<512x128xf32>
    %slice3A_183 = vector.extract_strided_slice %dot_general3A_146 {offsets = [0, 384], sizes = [512, 128], strides = [1, 1]} : vector<512x1024xf32> to vector<512x128xf32>
    %add3A_184 = arith.addf %add3A_182, %slice3A_183 : vector<512x128xf32>
    %rsqrt3A_185 = math.rsqrt %add3A_184 : vector<512x128xf32>
    %mul3A_186 = arith.mulf %add3A_184, %rsqrt3A_185 : vector<512x128xf32>
    %get3A_187 = arith.constant 0 : index
    %get3A_188 = arith.constant 1536 : index
    %get3A_189 = vector.load %arg4[%get3A_187, %get3A_188] : memref<1x8192xf32, #tpu.memory_space<vmem>>, vector<1x128xf32>
    %add3A_190 = vector.broadcast %get3A_4 : vector<512x1xf32> to vector<512x128xf32>
    %add3A_191 = vector.broadcast %get3A_189 : vector<1x128xf32> to vector<512x128xf32>
    %add3A_192 = arith.addf %add3A_190, %add3A_191 : vector<512x128xf32>
    %slice3A_193 = vector.extract_strided_slice %dot_general3A_146 {offsets = [0, 512], sizes = [512, 128], strides = [1, 1]} : vector<512x1024xf32> to vector<512x128xf32>
    %add3A_194 = arith.addf %add3A_192, %slice3A_193 : vector<512x128xf32>
    %rsqrt3A_195 = math.rsqrt %add3A_194 : vector<512x128xf32>
    %mul3A_196 = arith.mulf %add3A_194, %rsqrt3A_195 : vector<512x128xf32>
    %get3A_197 = arith.constant 0 : index
    %get3A_198 = arith.constant 1664 : index
    %get3A_199 = vector.load %arg4[%get3A_197, %get3A_198] : memref<1x8192xf32, #tpu.memory_space<vmem>>, vector<1x128xf32>
    %add3A_200 = vector.broadcast %get3A_4 : vector<512x1xf32> to vector<512x128xf32>
    %add3A_201 = vector.broadcast %get3A_199 : vector<1x128xf32> to vector<512x128xf32>
    %add3A_202 = arith.addf %add3A_200, %add3A_201 : vector<512x128xf32>
    %slice3A_203 = vector.extract_strided_slice %dot_general3A_146 {offsets = [0, 640], sizes = [512, 128], strides = [1, 1]} : vector<512x1024xf32> to vector<512x128xf32>
    %add3A_204 = arith.addf %add3A_202, %slice3A_203 : vector<512x128xf32>
    %rsqrt3A_205 = math.rsqrt %add3A_204 : vector<512x128xf32>
    %mul3A_206 = arith.mulf %add3A_204, %rsqrt3A_205 : vector<512x128xf32>
    %get3A_207 = arith.constant 0 : index
    %get3A_208 = arith.constant 1792 : index
    %get3A_209 = vector.load %arg4[%get3A_207, %get3A_208] : memref<1x8192xf32, #tpu.memory_space<vmem>>, vector<1x128xf32>
    %add3A_210 = vector.broadcast %get3A_4 : vector<512x1xf32> to vector<512x128xf32>
    %add3A_211 = vector.broadcast %get3A_209 : vector<1x128xf32> to vector<512x128xf32>
    %add3A_212 = arith.addf %add3A_210, %add3A_211 : vector<512x128xf32>
    %slice3A_213 = vector.extract_strided_slice %dot_general3A_146 {offsets = [0, 768], sizes = [512, 128], strides = [1, 1]} : vector<512x1024xf32> to vector<512x128xf32>
    %add3A_214 = arith.addf %add3A_212, %slice3A_213 : vector<512x128xf32>
    %rsqrt3A_215 = math.rsqrt %add3A_214 : vector<512x128xf32>
    %mul3A_216 = arith.mulf %add3A_214, %rsqrt3A_215 : vector<512x128xf32>
    %get3A_217 = arith.constant 0 : index
    %get3A_218 = arith.constant 1920 : index
    %get3A_219 = vector.load %arg4[%get3A_217, %get3A_218] : memref<1x8192xf32, #tpu.memory_space<vmem>>, vector<1x128xf32>
    %add3A_220 = vector.broadcast %get3A_4 : vector<512x1xf32> to vector<512x128xf32>
    %add3A_221 = vector.broadcast %get3A_219 : vector<1x128xf32> to vector<512x128xf32>
    %add3A_222 = arith.addf %add3A_220, %add3A_221 : vector<512x128xf32>
    %slice3A_223 = vector.extract_strided_slice %dot_general3A_146 {offsets = [0, 896], sizes = [512, 128], strides = [1, 1]} : vector<512x1024xf32> to vector<512x128xf32>
    %add3A_224 = arith.addf %add3A_222, %slice3A_223 : vector<512x128xf32>
    %rsqrt3A_225 = math.rsqrt %add3A_224 : vector<512x128xf32>
    %mul3A_226 = arith.mulf %add3A_224, %rsqrt3A_225 : vector<512x128xf32>
    %lt3A_227 = arith.cmpf olt, %mul3A_166, %mul3A_156 : vector<512x128xf32>
    %select_n3A_228 = arith.select %lt3A_227, %mul3A_166, %mul3A_156 : vector<512x128xi1>, vector<512x128xf32>
    %jit3A_229 = arith.constant 9 : i32
    %jit3A_230 = arith.constant 8 : i32
    %broadcast_in_dim3A_231 = vector.broadcast %jit3A_229 : i32 to vector<512x128xi32>
    %broadcast_in_dim3A_232 = vector.broadcast %jit3A_230 : i32 to vector<512x128xi32>
    %select_n3A_233 = arith.select %lt3A_227, %broadcast_in_dim3A_231, %broadcast_in_dim3A_232 : vector<512x128xi1>, vector<512x128xi32>
    %lt3A_234 = arith.cmpf olt, %mul3A_186, %mul3A_176 : vector<512x128xf32>
    %select_n3A_235 = arith.select %lt3A_234, %mul3A_186, %mul3A_176 : vector<512x128xi1>, vector<512x128xf32>
    %jit3A_236 = arith.constant 11 : i32
    %jit3A_237 = arith.constant 10 : i32
    %broadcast_in_dim3A_238 = vector.broadcast %jit3A_236 : i32 to vector<512x128xi32>
    %broadcast_in_dim3A_239 = vector.broadcast %jit3A_237 : i32 to vector<512x128xi32>
    %select_n3A_240 = arith.select %lt3A_234, %broadcast_in_dim3A_238, %broadcast_in_dim3A_239 : vector<512x128xi1>, vector<512x128xi32>
    %lt3A_241 = arith.cmpf olt, %mul3A_206, %mul3A_196 : vector<512x128xf32>
    %select_n3A_242 = arith.select %lt3A_241, %mul3A_206, %mul3A_196 : vector<512x128xi1>, vector<512x128xf32>
    %jit3A_243 = arith.constant 13 : i32
    %jit3A_244 = arith.constant 12 : i32
    %broadcast_in_dim3A_245 = vector.broadcast %jit3A_243 : i32 to vector<512x128xi32>
    %broadcast_in_dim3A_246 = vector.broadcast %jit3A_244 : i32 to vector<512x128xi32>
    %select_n3A_247 = arith.select %lt3A_241, %broadcast_in_dim3A_245, %broadcast_in_dim3A_246 : vector<512x128xi1>, vector<512x128xi32>
    %lt3A_248 = arith.cmpf olt, %mul3A_226, %mul3A_216 : vector<512x128xf32>
    %select_n3A_249 = arith.select %lt3A_248, %mul3A_226, %mul3A_216 : vector<512x128xi1>, vector<512x128xf32>
    %jit3A_250 = arith.constant 15 : i32
    %jit3A_251 = arith.constant 14 : i32
    %broadcast_in_dim3A_252 = vector.broadcast %jit3A_250 : i32 to vector<512x128xi32>
    %broadcast_in_dim3A_253 = vector.broadcast %jit3A_251 : i32 to vector<512x128xi32>
    %select_n3A_254 = arith.select %lt3A_248, %broadcast_in_dim3A_252, %broadcast_in_dim3A_253 : vector<512x128xi1>, vector<512x128xi32>
    %lt3A_255 = arith.cmpf olt, %select_n3A_235, %select_n3A_228 : vector<512x128xf32>
    %select_n3A_256 = arith.select %lt3A_255, %select_n3A_235, %select_n3A_228 : vector<512x128xi1>, vector<512x128xf32>
    %select_n3A_257 = arith.select %lt3A_255, %select_n3A_240, %select_n3A_233 : vector<512x128xi1>, vector<512x128xi32>
    %lt3A_258 = arith.cmpf olt, %select_n3A_249, %select_n3A_242 : vector<512x128xf32>
    %select_n3A_259 = arith.select %lt3A_258, %select_n3A_249, %select_n3A_242 : vector<512x128xi1>, vector<512x128xf32>
    %select_n3A_260 = arith.select %lt3A_258, %select_n3A_254, %select_n3A_247 : vector<512x128xi1>, vector<512x128xi32>
    %lt3A_261 = arith.cmpf olt, %select_n3A_259, %select_n3A_256 : vector<512x128xf32>
    %select_n3A_262 = arith.select %lt3A_261, %select_n3A_259, %select_n3A_256 : vector<512x128xi1>, vector<512x128xf32>
    %select_n3A_263 = arith.select %lt3A_261, %select_n3A_260, %select_n3A_257 : vector<512x128xi1>, vector<512x128xi32>
    %get3A_264 = arith.constant 0 : index
    %get3A_265 = arith.constant 0 : index
    %get3A_266 = vector.load %arg6[%get3A_264, %get3A_265] : memref<512x128xf32, #tpu.memory_space<vmem>>, vector<512x128xf32>
    %lt3A_267 = arith.cmpf olt, %select_n3A_262, %get3A_266 : vector<512x128xf32>
    %select_n3A_268 = arith.select %lt3A_267, %select_n3A_262, %get3A_266 : vector<512x128xi1>, vector<512x128xf32>
    %swap3A_269 = arith.constant 0 : index
    %swap3A_270 = arith.constant 0 : index
    %swap3A_271 = vector.load %arg6[%swap3A_269, %swap3A_270] : memref<512x128xf32, #tpu.memory_space<vmem>>, vector<512x128xf32>
    tpu.vector_store %arg6[%swap3A_269, %swap3A_270], %select_n3A_268 {strides = array<i32>} : memref<512x128xf32, #tpu.memory_space<vmem>>, vector<512x128xf32>,
    %get3A_272 = arith.constant 0 : index
    %get3A_273 = arith.constant 0 : index
    %get3A_274 = vector.load %arg7[%get3A_272, %get3A_273] : memref<512x128xi32, #tpu.memory_space<vmem>>, vector<512x128xi32>
    %select_n3A_275 = arith.select %lt3A_267, %select_n3A_263, %get3A_274 : vector<512x128xi1>, vector<512x128xi32>
    %swap3A_276 = arith.constant 0 : index
    %swap3A_277 = arith.constant 0 : index
    %swap3A_278 = vector.load %arg7[%swap3A_276, %swap3A_277] : memref<512x128xi32, #tpu.memory_space<vmem>>, vector<512x128xi32>
    tpu.vector_store %arg7[%swap3A_276, %swap3A_277], %select_n3A_275 {strides = array<i32>} : memref<512x128xi32, #tpu.memory_space<vmem>>, vector<512x128xi32>,
    %get3A_279 = arith.constant 2048 : index
    %get3A_280 = arith.constant 0 : index
    %get3A_281 = vector.load %arg2[%get3A_279, %get3A_280] : memref<8192x256xbf16, #tpu.memory_space<vmem>>, vector<1024x256xbf16>
    %dot_general3A_282 = arith.constant dense<0.000000e+00> : vector<512x1024xf32>
    %dot_general3A_283 = tpu.matmul %convert_element_type3A, %get3A_281, %dot_general3A_282 {dimension_numbers = #tpu.dot_dimension_numbers<[1], [1], [0], [0], [0, 0, 1, 0], [], []>, transpose_lhs_hint = false} : vector<512x256xbf16>, vector<1024x256xbf16>, vector<512x1024xf32> -> vector<512x1024xf32>
    %get3A_284 = arith.constant 0 : index
    %get3A_285 = arith.constant 2048 : index
    %get3A_286 = vector.load %arg4[%get3A_284, %get3A_285] : memref<1x8192xf32, #tpu.memory_space<vmem>>, vector<1x128xf32>
    %add3A_287 = vector.broadcast %get3A_4 : vector<512x1xf32> to vector<512x128xf32>
    %add3A_288 = vector.broadcast %get3A_286 : vector<1x128xf32> to vector<512x128xf32>
    %add3A_289 = arith.addf %add3A_287, %add3A_288 : vector<512x128xf32>
    %slice3A_290 = vector.extract_strided_slice %dot_general3A_283 {offsets = [0, 0], sizes = [512, 128], strides = [1, 1]} : vector<512x1024xf32> to vector<512x128xf32>
    %add3A_291 = arith.addf %add3A_289, %slice3A_290 : vector<512x128xf32>
    %rsqrt3A_292 = math.rsqrt %add3A_291 : vector<512x128xf32>
    %mul3A_293 = arith.mulf %add3A_291, %rsqrt3A_292 : vector<512x128xf32>
    %get3A_294 = arith.constant 0 : index
    %get3A_295 = arith.constant 2176 : index
    %get3A_296 = vector.load %arg4[%get3A_294, %get3A_295] : memref<1x8192xf32, #tpu.memory_space<vmem>>, vector<1x128xf32>
    %add3A_297 = vector.broadcast %get3A_4 : vector<512x1xf32> to vector<512x128xf32>
    %add3A_298 = vector.broadcast %get3A_296 : vector<1x128xf32> to vector<512x128xf32>
    %add3A_299 = arith.addf %add3A_297, %add3A_298 : vector<512x128xf32>
    %slice3A_300 = vector.extract_strided_slice %dot_general3A_283 {offsets = [0, 128], sizes = [512, 128], strides = [1, 1]} : vector<512x1024xf32> to vector<512x128xf32>
    %add3A_301 = arith.addf %add3A_299, %slice3A_300 : vector<512x128xf32>
    %rsqrt3A_302 = math.rsqrt %add3A_301 : vector<512x128xf32>
    %mul3A_303 = arith.mulf %add3A_301, %rsqrt3A_302 : vector<512x128xf32>
    %get3A_304 = arith.constant 0 : index
    %get3A_305 = arith.constant 2304 : index
    %get3A_306 = vector.load %arg4[%get3A_304, %get3A_305] : memref<1x8192xf32, #tpu.memory_space<vmem>>, vector<1x128xf32>
    %add3A_307 = vector.broadcast %get3A_4 : vector<512x1xf32> to vector<512x128xf32>
    %add3A_308 = vector.broadcast %get3A_306 : vector<1x128xf32> to vector<512x128xf32>
    %add3A_309 = arith.addf %add3A_307, %add3A_308 : vector<512x128xf32>
    %slice3A_310 = vector.extract_strided_slice %dot_general3A_283 {offsets = [0, 256], sizes = [512, 128], strides = [1, 1]} : vector<512x1024xf32> to vector<512x128xf32>
    %add3A_311 = arith.addf %add3A_309, %slice3A_310 : vector<512x128xf32>
    %rsqrt3A_312 = math.rsqrt %add3A_311 : vector<512x128xf32>
    %mul3A_313 = arith.mulf %add3A_311, %rsqrt3A_312 : vector<512x128xf32>
    %get3A_314 = arith.constant 0 : index
    %get3A_315 = arith.constant 2432 : index
    %get3A_316 = vector.load %arg4[%get3A_314, %get3A_315] : memref<1x8192xf32, #tpu.memory_space<vmem>>, vector<1x128xf32>
    %add3A_317 = vector.broadcast %get3A_4 : vector<512x1xf32> to vector<512x128xf32>
    %add3A_318 = vector.broadcast %get3A_316 : vector<1x128xf32> to vector<512x128xf32>
    %add3A_319 = arith.addf %add3A_317, %add3A_318 : vector<512x128xf32>
    %slice3A_320 = vector.extract_strided_slice %dot_general3A_283 {offsets = [0, 384], sizes = [512, 128], strides = [1, 1]} : vector<512x1024xf32> to vector<512x128xf32>
    %add3A_321 = arith.addf %add3A_319, %slice3A_320 : vector<512x128xf32>
    %rsqrt3A_322 = math.rsqrt %add3A_321 : vector<512x128xf32>
    %mul3A_323 = arith.mulf %add3A_321, %rsqrt3A_322 : vector<512x128xf32>
    %get3A_324 = arith.constant 0 : index
    %get3A_325 = arith.constant 2560 : index
    %get3A_326 = vector.load %arg4[%get3A_324, %get3A_325] : memref<1x8192xf32, #tpu.memory_space<vmem>>, vector<1x128xf32>
    %add3A_327 = vector.broadcast %get3A_4 : vector<512x1xf32> to vector<512x128xf32>
    %add3A_328 = vector.broadcast %get3A_326 : vector<1x128xf32> to vector<512x128xf32>
    %add3A_329 = arith.addf %add3A_327, %add3A_328 : vector<512x128xf32>
    %slice3A_330 = vector.extract_strided_slice %dot_general3A_283 {offsets = [0, 512], sizes = [512, 128], strides = [1, 1]} : vector<512x1024xf32> to vector<512x128xf32>
    %add3A_331 = arith.addf %add3A_329, %slice3A_330 : vector<512x128xf32>
    %rsqrt3A_332 = math.rsqrt %add3A_331 : vector<512x128xf32>
    %mul3A_333 = arith.mulf %add3A_331, %rsqrt3A_332 : vector<512x128xf32>
    %get3A_334 = arith.constant 0 : index
    %get3A_335 = arith.constant 2688 : index
    %get3A_336 = vector.load %arg4[%get3A_334, %get3A_335] : memref<1x8192xf32, #tpu.memory_space<vmem>>, vector<1x128xf32>
    %add3A_337 = vector.broadcast %get3A_4 : vector<512x1xf32> to vector<512x128xf32>
    %add3A_338 = vector.broadcast %get3A_336 : vector<1x128xf32> to vector<512x128xf32>
    %add3A_339 = arith.addf %add3A_337, %add3A_338 : vector<512x128xf32>
    %slice3A_340 = vector.extract_strided_slice %dot_general3A_283 {offsets = [0, 640], sizes = [512, 128], strides = [1, 1]} : vector<512x1024xf32> to vector<512x128xf32>
    %add3A_341 = arith.addf %add3A_339, %slice3A_340 : vector<512x128xf32>
    %rsqrt3A_342 = math.rsqrt %add3A_341 : vector<512x128xf32>
    %mul3A_343 = arith.mulf %add3A_341, %rsqrt3A_342 : vector<512x128xf32>
    %get3A_344 = arith.constant 0 : index
    %get3A_345 = arith.constant 2816 : index
    %get3A_346 = vector.load %arg4[%get3A_344, %get3A_345] : memref<1x8192xf32, #tpu.memory_space<vmem>>, vector<1x128xf32>
    %add3A_347 = vector.broadcast %get3A_4 : vector<512x1xf32> to vector<512x128xf32>
    %add3A_348 = vector.broadcast %get3A_346 : vector<1x128xf32> to vector<512x128xf32>
    %add3A_349 = arith.addf %add3A_347, %add3A_348 : vector<512x128xf32>
    %slice3A_350 = vector.extract_strided_slice %dot_general3A_283 {offsets = [0, 768], sizes = [512, 128], strides = [1, 1]} : vector<512x1024xf32> to vector<512x128xf32>
    %add3A_351 = arith.addf %add3A_349, %slice3A_350 : vector<512x128xf32>
    %rsqrt3A_352 = math.rsqrt %add3A_351 : vector<512x128xf32>
    %mul3A_353 = arith.mulf %add3A_351, %rsqrt3A_352 : vector<512x128xf32>
    %get3A_354 = arith.constant 0 : index
    %get3A_355 = arith.constant 2944 : index
    %get3A_356 = vector.load %arg4[%get3A_354, %get3A_355] : memref<1x8192xf32, #tpu.memory_space<vmem>>, vector<1x128xf32>
    %add3A_357 = vector.broadcast %get3A_4 : vector<512x1xf32> to vector<512x128xf32>
    %add3A_358 = vector.broadcast %get3A_356 : vector<1x128xf32> to vector<512x128xf32>
    %add3A_359 = arith.addf %add3A_357, %add3A_358 : vector<512x128xf32>
    %slice3A_360 = vector.extract_strided_slice %dot_general3A_283 {offsets = [0, 896], sizes = [512, 128], strides = [1, 1]} : vector<512x1024xf32> to vector<512x128xf32>
    %add3A_361 = arith.addf %add3A_359, %slice3A_360 : vector<512x128xf32>
    %rsqrt3A_362 = math.rsqrt %add3A_361 : vector<512x128xf32>
    %mul3A_363 = arith.mulf %add3A_361, %rsqrt3A_362 : vector<512x128xf32>
    %lt3A_364 = arith.cmpf olt, %mul3A_303, %mul3A_293 : vector<512x128xf32>
    %select_n3A_365 = arith.select %lt3A_364, %mul3A_303, %mul3A_293 : vector<512x128xi1>, vector<512x128xf32>
    %jit3A_366 = arith.constant 17 : i32
    %jit3A_367 = arith.constant 16 : i32
    %broadcast_in_dim3A_368 = vector.broadcast %jit3A_366 : i32 to vector<512x128xi32>
    %broadcast_in_dim3A_369 = vector.broadcast %jit3A_367 : i32 to vector<512x128xi32>
    %select_n3A_370 = arith.select %lt3A_364, %broadcast_in_dim3A_368, %broadcast_in_dim3A_369 : vector<512x128xi1>, vector<512x128xi32>
    %lt3A_371 = arith.cmpf olt, %mul3A_323, %mul3A_313 : vector<512x128xf32>
    %select_n3A_372 = arith.select %lt3A_371, %mul3A_323, %mul3A_313 : vector<512x128xi1>, vector<512x128xf32>
    %jit3A_373 = arith.constant 19 : i32
    %jit3A_374 = arith.constant 18 : i32
    %broadcast_in_dim3A_375 = vector.broadcast %jit3A_373 : i32 to vector<512x128xi32>
    %broadcast_in_dim3A_376 = vector.broadcast %jit3A_374 : i32 to vector<512x128xi32>
    %select_n3A_377 = arith.select %lt3A_371, %broadcast_in_dim3A_375, %broadcast_in_dim3A_376 : vector<512x128xi1>, vector<512x128xi32>
    %lt3A_378 = arith.cmpf olt, %mul3A_343, %mul3A_333 : vector<512x128xf32>
    %select_n3A_379 = arith.select %lt3A_378, %mul3A_343, %mul3A_333 : vector<512x128xi1>, vector<512x128xf32>
    %jit3A_380 = arith.constant 21 : i32
    %jit3A_381 = arith.constant 20 : i32
    %broadcast_in_dim3A_382 = vector.broadcast %jit3A_380 : i32 to vector<512x128xi32>
    %broadcast_in_dim3A_383 = vector.broadcast %jit3A_381 : i32 to vector<512x128xi32>
    %select_n3A_384 = arith.select %lt3A_378, %broadcast_in_dim3A_382, %broadcast_in_dim3A_383 : vector<512x128xi1>, vector<512x128xi32>
    %lt3A_385 = arith.cmpf olt, %mul3A_363, %mul3A_353 : vector<512x128xf32>
    %select_n3A_386 = arith.select %lt3A_385, %mul3A_363, %mul3A_353 : vector<512x128xi1>, vector<512x128xf32>
    %jit3A_387 = arith.constant 23 : i32
    %jit3A_388 = arith.constant 22 : i32
    %broadcast_in_dim3A_389 = vector.broadcast %jit3A_387 : i32 to vector<512x128xi32>
    %broadcast_in_dim3A_390 = vector.broadcast %jit3A_388 : i32 to vector<512x128xi32>
    %select_n3A_391 = arith.select %lt3A_385, %broadcast_in_dim3A_389, %broadcast_in_dim3A_390 : vector<512x128xi1>, vector<512x128xi32>
    %lt3A_392 = arith.cmpf olt, %select_n3A_372, %select_n3A_365 : vector<512x128xf32>
    %select_n3A_393 = arith.select %lt3A_392, %select_n3A_372, %select_n3A_365 : vector<512x128xi1>, vector<512x128xf32>
    %select_n3A_394 = arith.select %lt3A_392, %select_n3A_377, %select_n3A_370 : vector<512x128xi1>, vector<512x128xi32>
    %lt3A_395 = arith.cmpf olt, %select_n3A_386, %select_n3A_379 : vector<512x128xf32>
    %select_n3A_396 = arith.select %lt3A_395, %select_n3A_386, %select_n3A_379 : vector<512x128xi1>, vector<512x128xf32>
    %select_n3A_397 = arith.select %lt3A_395, %select_n3A_391, %select_n3A_384 : vector<512x128xi1>, vector<512x128xi32>
    %lt3A_398 = arith.cmpf olt, %select_n3A_396, %select_n3A_393 : vector<512x128xf32>
    %select_n3A_399 = arith.select %lt3A_398, %select_n3A_396, %select_n3A_393 : vector<512x128xi1>, vector<512x128xf32>
    %select_n3A_400 = arith.select %lt3A_398, %select_n3A_397, %select_n3A_394 : vector<512x128xi1>, vector<512x128xi32>
    %get3A_401 = arith.constant 0 : index
    %get3A_402 = arith.constant 0 : index
    %get3A_403 = vector.load %arg6[%get3A_401, %get3A_402] : memref<512x128xf32, #tpu.memory_space<vmem>>, vector<512x128xf32>
    %lt3A_404 = arith.cmpf olt, %select_n3A_399, %get3A_403 : vector<512x128xf32>
    %select_n3A_405 = arith.select %lt3A_404, %select_n3A_399, %get3A_403 : vector<512x128xi1>, vector<512x128xf32>
    %swap3A_406 = arith.constant 0 : index
    %swap3A_407 = arith.constant 0 : index
    %swap3A_408 = vector.load %arg6[%swap3A_406, %swap3A_407] : memref<512x128xf32, #tpu.memory_space<vmem>>, vector<512x128xf32>
    tpu.vector_store %arg6[%swap3A_406, %swap3A_407], %select_n3A_405 {strides = array<i32>} : memref<512x128xf32, #tpu.memory_space<vmem>>, vector<512x128xf32>,
    %get3A_409 = arith.constant 0 : index
    %get3A_410 = arith.constant 0 : index
    %get3A_411 = vector.load %arg7[%get3A_409, %get3A_410] : memref<512x128xi32, #tpu.memory_space<vmem>>, vector<512x128xi32>
    %select_n3A_412 = arith.select %lt3A_404, %select_n3A_400, %get3A_411 : vector<512x128xi1>, vector<512x128xi32>
    %swap3A_413 = arith.constant 0 : index
    %swap3A_414 = arith.constant 0 : index
    %swap3A_415 = vector.load %arg7[%swap3A_413, %swap3A_414] : memref<512x128xi32, #tpu.memory_space<vmem>>, vector<512x128xi32>
    tpu.vector_store %arg7[%swap3A_413, %swap3A_414], %select_n3A_412 {strides = array<i32>} : memref<512x128xi32, #tpu.memory_space<vmem>>, vector<512x128xi32>,
    %get3A_416 = arith.constant 3072 : index
    %get3A_417 = arith.constant 0 : index
    %get3A_418 = vector.load %arg2[%get3A_416, %get3A_417] : memref<8192x256xbf16, #tpu.memory_space<vmem>>, vector<1024x256xbf16>
    %dot_general3A_419 = arith.constant dense<0.000000e+00> : vector<512x1024xf32>
    %dot_general3A_420 = tpu.matmul %convert_element_type3A, %get3A_418, %dot_general3A_419 {dimension_numbers = #tpu.dot_dimension_numbers<[1], [1], [0], [0], [0, 0, 1, 0], [], []>, transpose_lhs_hint = false} : vector<512x256xbf16>, vector<1024x256xbf16>, vector<512x1024xf32> -> vector<512x1024xf32>
    %get3A_421 = arith.constant 0 : index
    %get3A_422 = arith.constant 3072 : index
    %get3A_423 = vector.load %arg4[%get3A_421, %get3A_422] : memref<1x8192xf32, #tpu.memory_space<vmem>>, vector<1x128xf32>
    %add3A_424 = vector.broadcast %get3A_4 : vector<512x1xf32> to vector<512x128xf32>
    %add3A_425 = vector.broadcast %get3A_423 : vector<1x128xf32> to vector<512x128xf32>
    %add3A_426 = arith.addf %add3A_424, %add3A_425 : vector<512x128xf32>
    %slice3A_427 = vector.extract_strided_slice %dot_general3A_420 {offsets = [0, 0], sizes = [512, 128], strides = [1, 1]} : vector<512x1024xf32> to vector<512x128xf32>
    %add3A_428 = arith.addf %add3A_426, %slice3A_427 : vector<512x128xf32>
    %rsqrt3A_429 = math.rsqrt %add3A_428 : vector<512x128xf32>
    %mul3A_430 = arith.mulf %add3A_428, %rsqrt3A_429 : vector<512x128xf32>
    %get3A_431 = arith.constant 0 : index
    %get3A_432 = arith.constant 3200 : index
    %get3A_433 = vector.load %arg4[%get3A_431, %get3A_432] : memref<1x8192xf32, #tpu.memory_space<vmem>>, vector<1x128xf32>
    %add3A_434 = vector.broadcast %get3A_4 : vector<512x1xf32> to vector<512x128xf32>
    %add3A_435 = vector.broadcast %get3A_433 : vector<1x128xf32> to vector<512x128xf32>
    %add3A_436 = arith.addf %add3A_434, %add3A_435 : vector<512x128xf32>
    %slice3A_437 = vector.extract_strided_slice %dot_general3A_420 {offsets = [0, 128], sizes = [512, 128], strides = [1, 1]} : vector<512x1024xf32> to vector<512x128xf32>
    %add3A_438 = arith.addf %add3A_436, %slice3A_437 : vector<512x128xf32>
    %rsqrt3A_439 = math.rsqrt %add3A_438 : vector<512x128xf32>
    %mul3A_440 = arith.mulf %add3A_438, %rsqrt3A_439 : vector<512x128xf32>
    %get3A_441 = arith.constant 0 : index
    %get3A_442 = arith.constant 3328 : index
    %get3A_443 = vector.load %arg4[%get3A_441, %get3A_442] : memref<1x8192xf32, #tpu.memory_space<vmem>>, vector<1x128xf32>
    %add3A_444 = vector.broadcast %get3A_4 : vector<512x1xf32> to vector<512x128xf32>
    %add3A_445 = vector.broadcast %get3A_443 : vector<1x128xf32> to vector<512x128xf32>
    %add3A_446 = arith.addf %add3A_444, %add3A_445 : vector<512x128xf32>
    %slice3A_447 = vector.extract_strided_slice %dot_general3A_420 {offsets = [0, 256], sizes = [512, 128], strides = [1, 1]} : vector<512x1024xf32> to vector<512x128xf32>
    %add3A_448 = arith.addf %add3A_446, %slice3A_447 : vector<512x128xf32>
    %rsqrt3A_449 = math.rsqrt %add3A_448 : vector<512x128xf32>
    %mul3A_450 = arith.mulf %add3A_448, %rsqrt3A_449 : vector<512x128xf32>
    %get3A_451 = arith.constant 0 : index
    %get3A_452 = arith.constant 3456 : index
    %get3A_453 = vector.load %arg4[%get3A_451, %get3A_452] : memref<1x8192xf32, #tpu.memory_space<vmem>>, vector<1x128xf32>
    %add3A_454 = vector.broadcast %get3A_4 : vector<512x1xf32> to vector<512x128xf32>
    %add3A_455 = vector.broadcast %get3A_453 : vector<1x128xf32> to vector<512x128xf32>
    %add3A_456 = arith.addf %add3A_454, %add3A_455 : vector<512x128xf32>
    %slice3A_457 = vector.extract_strided_slice %dot_general3A_420 {offsets = [0, 384], sizes = [512, 128], strides = [1, 1]} : vector<512x1024xf32> to vector<512x128xf32>
    %add3A_458 = arith.addf %add3A_456, %slice3A_457 : vector<512x128xf32>
    %rsqrt3A_459 = math.rsqrt %add3A_458 : vector<512x128xf32>
    %mul3A_460 = arith.mulf %add3A_458, %rsqrt3A_459 : vector<512x128xf32>
    %get3A_461 = arith.constant 0 : index
    %get3A_462 = arith.constant 3584 : index
    %get3A_463 = vector.load %arg4[%get3A_461, %get3A_462] : memref<1x8192xf32, #tpu.memory_space<vmem>>, vector<1x128xf32>
    %add3A_464 = vector.broadcast %get3A_4 : vector<512x1xf32> to vector<512x128xf32>
    %add3A_465 = vector.broadcast %get3A_463 : vector<1x128xf32> to vector<512x128xf32>
    %add3A_466 = arith.addf %add3A_464, %add3A_465 : vector<512x128xf32>
    %slice3A_467 = vector.extract_strided_slice %dot_general3A_420 {offsets = [0, 512], sizes = [512, 128], strides = [1, 1]} : vector<512x1024xf32> to vector<512x128xf32>
    %add3A_468 = arith.addf %add3A_466, %slice3A_467 : vector<512x128xf32>
    %rsqrt3A_469 = math.rsqrt %add3A_468 : vector<512x128xf32>
    %mul3A_470 = arith.mulf %add3A_468, %rsqrt3A_469 : vector<512x128xf32>
    %get3A_471 = arith.constant 0 : index
    %get3A_472 = arith.constant 3712 : index
    %get3A_473 = vector.load %arg4[%get3A_471, %get3A_472] : memref<1x8192xf32, #tpu.memory_space<vmem>>, vector<1x128xf32>
    %add3A_474 = vector.broadcast %get3A_4 : vector<512x1xf32> to vector<512x128xf32>
    %add3A_475 = vector.broadcast %get3A_473 : vector<1x128xf32> to vector<512x128xf32>
    %add3A_476 = arith.addf %add3A_474, %add3A_475 : vector<512x128xf32>
    %slice3A_477 = vector.extract_strided_slice %dot_general3A_420 {offsets = [0, 640], sizes = [512, 128], strides = [1, 1]} : vector<512x1024xf32> to vector<512x128xf32>
    %add3A_478 = arith.addf %add3A_476, %slice3A_477 : vector<512x128xf32>
    %rsqrt3A_479 = math.rsqrt %add3A_478 : vector<512x128xf32>
    %mul3A_480 = arith.mulf %add3A_478, %rsqrt3A_479 : vector<512x128xf32>
    %get3A_481 = arith.constant 0 : index
    %get3A_482 = arith.constant 3840 : index
    %get3A_483 = vector.load %arg4[%get3A_481, %get3A_482] : memref<1x8192xf32, #tpu.memory_space<vmem>>, vector<1x128xf32>
    %add3A_484 = vector.broadcast %get3A_4 : vector<512x1xf32> to vector<512x128xf32>
    %add3A_485 = vector.broadcast %get3A_483 : vector<1x128xf32> to vector<512x128xf32>
    %add3A_486 = arith.addf %add3A_484, %add3A_485 : vector<512x128xf32>
    %slice3A_487 = vector.extract_strided_slice %dot_general3A_420 {offsets = [0, 768], sizes = [512, 128], strides = [1, 1]} : vector<512x1024xf32> to vector<512x128xf32>
    %add3A_488 = arith.addf %add3A_486, %slice3A_487 : vector<512x128xf32>
    %rsqrt3A_489 = math.rsqrt %add3A_488 : vector<512x128xf32>
    %mul3A_490 = arith.mulf %add3A_488, %rsqrt3A_489 : vector<512x128xf32>
    %get3A_491 = arith.constant 0 : index
    %get3A_492 = arith.constant 3968 : index
    %get3A_493 = vector.load %arg4[%get3A_491, %get3A_492] : memref<1x8192xf32, #tpu.memory_space<vmem>>, vector<1x128xf32>
    %add3A_494 = vector.broadcast %get3A_4 : vector<512x1xf32> to vector<512x128xf32>
    %add3A_495 = vector.broadcast %get3A_493 : vector<1x128xf32> to vector<512x128xf32>
    %add3A_496 = arith.addf %add3A_494, %add3A_495 : vector<512x128xf32>
    %slice3A_497 = vector.extract_strided_slice %dot_general3A_420 {offsets = [0, 896], sizes = [512, 128], strides = [1, 1]} : vector<512x1024xf32> to vector<512x128xf32>
    %add3A_498 = arith.addf %add3A_496, %slice3A_497 : vector<512x128xf32>
    %rsqrt3A_499 = math.rsqrt %add3A_498 : vector<512x128xf32>
    %mul3A_500 = arith.mulf %add3A_498, %rsqrt3A_499 : vector<512x128xf32>
    %lt3A_501 = arith.cmpf olt, %mul3A_440, %mul3A_430 : vector<512x128xf32>
    %select_n3A_502 = arith.select %lt3A_501, %mul3A_440, %mul3A_430 : vector<512x128xi1>, vector<512x128xf32>
    %jit3A_503 = arith.constant 25 : i32
    %jit3A_504 = arith.constant 24 : i32
    %broadcast_in_dim3A_505 = vector.broadcast %jit3A_503 : i32 to vector<512x128xi32>
    %broadcast_in_dim3A_506 = vector.broadcast %jit3A_504 : i32 to vector<512x128xi32>
    %select_n3A_507 = arith.select %lt3A_501, %broadcast_in_dim3A_505, %broadcast_in_dim3A_506 : vector<512x128xi1>, vector<512x128xi32>
    %lt3A_508 = arith.cmpf olt, %mul3A_460, %mul3A_450 : vector<512x128xf32>
    %select_n3A_509 = arith.select %lt3A_508, %mul3A_460, %mul3A_450 : vector<512x128xi1>, vector<512x128xf32>
    %jit3A_510 = arith.constant 27 : i32
    %jit3A_511 = arith.constant 26 : i32
    %broadcast_in_dim3A_512 = vector.broadcast %jit3A_510 : i32 to vector<512x128xi32>
    %broadcast_in_dim3A_513 = vector.broadcast %jit3A_511 : i32 to vector<512x128xi32>
    %select_n3A_514 = arith.select %lt3A_508, %broadcast_in_dim3A_512, %broadcast_in_dim3A_513 : vector<512x128xi1>, vector<512x128xi32>
    %lt3A_515 = arith.cmpf olt, %mul3A_480, %mul3A_470 : vector<512x128xf32>
    %select_n3A_516 = arith.select %lt3A_515, %mul3A_480, %mul3A_470 : vector<512x128xi1>, vector<512x128xf32>
    %jit3A_517 = arith.constant 29 : i32
    %jit3A_518 = arith.constant 28 : i32
    %broadcast_in_dim3A_519 = vector.broadcast %jit3A_517 : i32 to vector<512x128xi32>
    %broadcast_in_dim3A_520 = vector.broadcast %jit3A_518 : i32 to vector<512x128xi32>
    %select_n3A_521 = arith.select %lt3A_515, %broadcast_in_dim3A_519, %broadcast_in_dim3A_520 : vector<512x128xi1>, vector<512x128xi32>
    %lt3A_522 = arith.cmpf olt, %mul3A_500, %mul3A_490 : vector<512x128xf32>
    %select_n3A_523 = arith.select %lt3A_522, %mul3A_500, %mul3A_490 : vector<512x128xi1>, vector<512x128xf32>
    %jit3A_524 = arith.constant 31 : i32
    %jit3A_525 = arith.constant 30 : i32
    %broadcast_in_dim3A_526 = vector.broadcast %jit3A_524 : i32 to vector<512x128xi32>
    %broadcast_in_dim3A_527 = vector.broadcast %jit3A_525 : i32 to vector<512x128xi32>
    %select_n3A_528 = arith.select %lt3A_522, %broadcast_in_dim3A_526, %broadcast_in_dim3A_527 : vector<512x128xi1>, vector<512x128xi32>
    %lt3A_529 = arith.cmpf olt, %select_n3A_509, %select_n3A_502 : vector<512x128xf32>
    %select_n3A_530 = arith.select %lt3A_529, %select_n3A_509, %select_n3A_502 : vector<512x128xi1>, vector<512x128xf32>
    %select_n3A_531 = arith.select %lt3A_529, %select_n3A_514, %select_n3A_507 : vector<512x128xi1>, vector<512x128xi32>
    %lt3A_532 = arith.cmpf olt, %select_n3A_523, %select_n3A_516 : vector<512x128xf32>
    %select_n3A_533 = arith.select %lt3A_532, %select_n3A_523, %select_n3A_516 : vector<512x128xi1>, vector<512x128xf32>
    %select_n3A_534 = arith.select %lt3A_532, %select_n3A_528, %select_n3A_521 : vector<512x128xi1>, vector<512x128xi32>
    %lt3A_535 = arith.cmpf olt, %select_n3A_533, %select_n3A_530 : vector<512x128xf32>
    %select_n3A_536 = arith.select %lt3A_535, %select_n3A_533, %select_n3A_530 : vector<512x128xi1>, vector<512x128xf32>
    %select_n3A_537 = arith.select %lt3A_535, %select_n3A_534, %select_n3A_531 : vector<512x128xi1>, vector<512x128xi32>
    %get3A_538 = arith.constant 0 : index
    %get3A_539 = arith.constant 0 : index
    %get3A_540 = vector.load %arg6[%get3A_538, %get3A_539] : memref<512x128xf32, #tpu.memory_space<vmem>>, vector<512x128xf32>
    %lt3A_541 = arith.cmpf olt, %select_n3A_536, %get3A_540 : vector<512x128xf32>
    %select_n3A_542 = arith.select %lt3A_541, %select_n3A_536, %get3A_540 : vector<512x128xi1>, vector<512x128xf32>
    %swap3A_543 = arith.constant 0 : index
    %swap3A_544 = arith.constant 0 : index
    %swap3A_545 = vector.load %arg6[%swap3A_543, %swap3A_544] : memref<512x128xf32, #tpu.memory_space<vmem>>, vector<512x128xf32>
    tpu.vector_store %arg6[%swap3A_543, %swap3A_544], %select_n3A_542 {strides = array<i32>} : memref<512x128xf32, #tpu.memory_space<vmem>>, vector<512x128xf32>,
    %get3A_546 = arith.constant 0 : index
    %get3A_547 = arith.constant 0 : index
    %get3A_548 = vector.load %arg7[%get3A_546, %get3A_547] : memref<512x128xi32, #tpu.memory_space<vmem>>, vector<512x128xi32>
    %select_n3A_549 = arith.select %lt3A_541, %select_n3A_537, %get3A_548 : vector<512x128xi1>, vector<512x128xi32>
    %swap3A_550 = arith.constant 0 : index
    %swap3A_551 = arith.constant 0 : index
    %swap3A_552 = vector.load %arg7[%swap3A_550, %swap3A_551] : memref<512x128xi32, #tpu.memory_space<vmem>>, vector<512x128xi32>
    tpu.vector_store %arg7[%swap3A_550, %swap3A_551], %select_n3A_549 {strides = array<i32>} : memref<512x128xi32, #tpu.memory_space<vmem>>, vector<512x128xi32>,
    %get3A_553 = arith.constant 4096 : index
    %get3A_554 = arith.constant 0 : index
    %get3A_555 = vector.load %arg2[%get3A_553, %get3A_554] : memref<8192x256xbf16, #tpu.memory_space<vmem>>, vector<1024x256xbf16>
    %dot_general3A_556 = arith.constant dense<0.000000e+00> : vector<512x1024xf32>
    %dot_general3A_557 = tpu.matmul %convert_element_type3A, %get3A_555, %dot_general3A_556 {dimension_numbers = #tpu.dot_dimension_numbers<[1], [1], [0], [0], [0, 0, 1, 0], [], []>, transpose_lhs_hint = false} : vector<512x256xbf16>, vector<1024x256xbf16>, vector<512x1024xf32> -> vector<512x1024xf32>
    %get3A_558 = arith.constant 0 : index
    %get3A_559 = arith.constant 4096 : index
    %get3A_560 = vector.load %arg4[%get3A_558, %get3A_559] : memref<1x8192xf32, #tpu.memory_space<vmem>>, vector<1x128xf32>
    %add3A_561 = vector.broadcast %get3A_4 : vector<512x1xf32> to vector<512x128xf32>
    %add3A_562 = vector.broadcast %get3A_560 : vector<1x128xf32> to vector<512x128xf32>
    %add3A_563 = arith.addf %add3A_561, %add3A_562 : vector<512x128xf32>
    %slice3A_564 = vector.extract_strided_slice %dot_general3A_557 {offsets = [0, 0], sizes = [512, 128], strides = [1, 1]} : vector<512x1024xf32> to vector<512x128xf32>
    %add3A_565 = arith.addf %add3A_563, %slice3A_564 : vector<512x128xf32>
    %rsqrt3A_566 = math.rsqrt %add3A_565 : vector<512x128xf32>
    %mul3A_567 = arith.mulf %add3A_565, %rsqrt3A_566 : vector<512x128xf32>
    %get3A_568 = arith.constant 0 : index
    %get3A_569 = arith.constant 4224 : index
    %get3A_570 = vector.load %arg4[%get3A_568, %get3A_569] : memref<1x8192xf32, #tpu.memory_space<vmem>>, vector<1x128xf32>
    %add3A_571 = vector.broadcast %get3A_4 : vector<512x1xf32> to vector<512x128xf32>
    %add3A_572 = vector.broadcast %get3A_570 : vector<1x128xf32> to vector<512x128xf32>
    %add3A_573 = arith.addf %add3A_571, %add3A_572 : vector<512x128xf32>
    %slice3A_574 = vector.extract_strided_slice %dot_general3A_557 {offsets = [0, 128], sizes = [512, 128], strides = [1, 1]} : vector<512x1024xf32> to vector<512x128xf32>
    %add3A_575 = arith.addf %add3A_573, %slice3A_574 : vector<512x128xf32>
    %rsqrt3A_576 = math.rsqrt %add3A_575 : vector<512x128xf32>
    %mul3A_577 = arith.mulf %add3A_575, %rsqrt3A_576 : vector<512x128xf32>
    %get3A_578 = arith.constant 0 : index
    %get3A_579 = arith.constant 4352 : index
    %get3A_580 = vector.load %arg4[%get3A_578, %get3A_579] : memref<1x8192xf32, #tpu.memory_space<vmem>>, vector<1x128xf32>
    %add3A_581 = vector.broadcast %get3A_4 : vector<512x1xf32> to vector<512x128xf32>
    %add3A_582 = vector.broadcast %get3A_580 : vector<1x128xf32> to vector<512x128xf32>
    %add3A_583 = arith.addf %add3A_581, %add3A_582 : vector<512x128xf32>
    %slice3A_584 = vector.extract_strided_slice %dot_general3A_557 {offsets = [0, 256], sizes = [512, 128], strides = [1, 1]} : vector<512x1024xf32> to vector<512x128xf32>
    %add3A_585 = arith.addf %add3A_583, %slice3A_584 : vector<512x128xf32>
    %rsqrt3A_586 = math.rsqrt %add3A_585 : vector<512x128xf32>
    %mul3A_587 = arith.mulf %add3A_585, %rsqrt3A_586 : vector<512x128xf32>
    %get3A_588 = arith.constant 0 : index
    %get3A_589 = arith.constant 4480 : index
    %get3A_590 = vector.load %arg4[%get3A_588, %get3A_589] : memref<1x8192xf32, #tpu.memory_space<vmem>>, vector<1x128xf32>
    %add3A_591 = vector.broadcast %get3A_4 : vector<512x1xf32> to vector<512x128xf32>
    %add3A_592 = vector.broadcast %get3A_590 : vector<1x128xf32> to vector<512x128xf32>
    %add3A_593 = arith.addf %add3A_591, %add3A_592 : vector<512x128xf32>
    %slice3A_594 = vector.extract_strided_slice %dot_general3A_557 {offsets = [0, 384], sizes = [512, 128], strides = [1, 1]} : vector<512x1024xf32> to vector<512x128xf32>
    %add3A_595 = arith.addf %add3A_593, %slice3A_594 : vector<512x128xf32>
    %rsqrt3A_596 = math.rsqrt %add3A_595 : vector<512x128xf32>
    %mul3A_597 = arith.mulf %add3A_595, %rsqrt3A_596 : vector<512x128xf32>
    %get3A_598 = arith.constant 0 : index
    %get3A_599 = arith.constant 4608 : index
    %get3A_600 = vector.load %arg4[%get3A_598, %get3A_599] : memref<1x8192xf32, #tpu.memory_space<vmem>>, vector<1x128xf32>
    %add3A_601 = vector.broadcast %get3A_4 : vector<512x1xf32> to vector<512x128xf32>
    %add3A_602 = vector.broadcast %get3A_600 : vector<1x128xf32> to vector<512x128xf32>
    %add3A_603 = arith.addf %add3A_601, %add3A_602 : vector<512x128xf32>
    %slice3A_604 = vector.extract_strided_slice %dot_general3A_557 {offsets = [0, 512], sizes = [512, 128], strides = [1, 1]} : vector<512x1024xf32> to vector<512x128xf32>
    %add3A_605 = arith.addf %add3A_603, %slice3A_604 : vector<512x128xf32>
    %rsqrt3A_606 = math.rsqrt %add3A_605 : vector<512x128xf32>
    %mul3A_607 = arith.mulf %add3A_605, %rsqrt3A_606 : vector<512x128xf32>
    %get3A_608 = arith.constant 0 : index
    %get3A_609 = arith.constant 4736 : index
    %get3A_610 = vector.load %arg4[%get3A_608, %get3A_609] : memref<1x8192xf32, #tpu.memory_space<vmem>>, vector<1x128xf32>
    %add3A_611 = vector.broadcast %get3A_4 : vector<512x1xf32> to vector<512x128xf32>
    %add3A_612 = vector.broadcast %get3A_610 : vector<1x128xf32> to vector<512x128xf32>
    %add3A_613 = arith.addf %add3A_611, %add3A_612 : vector<512x128xf32>
    %slice3A_614 = vector.extract_strided_slice %dot_general3A_557 {offsets = [0, 640], sizes = [512, 128], strides = [1, 1]} : vector<512x1024xf32> to vector<512x128xf32>
    %add3A_615 = arith.addf %add3A_613, %slice3A_614 : vector<512x128xf32>
    %rsqrt3A_616 = math.rsqrt %add3A_615 : vector<512x128xf32>
    %mul3A_617 = arith.mulf %add3A_615, %rsqrt3A_616 : vector<512x128xf32>
    %get3A_618 = arith.constant 0 : index
    %get3A_619 = arith.constant 4864 : index
    %get3A_620 = vector.load %arg4[%get3A_618, %get3A_619] : memref<1x8192xf32, #tpu.memory_space<vmem>>, vector<1x128xf32>
    %add3A_621 = vector.broadcast %get3A_4 : vector<512x1xf32> to vector<512x128xf32>
    %add3A_622 = vector.broadcast %get3A_620 : vector<1x128xf32> to vector<512x128xf32>
    %add3A_623 = arith.addf %add3A_621, %add3A_622 : vector<512x128xf32>
    %slice3A_624 = vector.extract_strided_slice %dot_general3A_557 {offsets = [0, 768], sizes = [512, 128], strides = [1, 1]} : vector<512x1024xf32> to vector<512x128xf32>
    %add3A_625 = arith.addf %add3A_623, %slice3A_624 : vector<512x128xf32>
    %rsqrt3A_626 = math.rsqrt %add3A_625 : vector<512x128xf32>
    %mul3A_627 = arith.mulf %add3A_625, %rsqrt3A_626 : vector<512x128xf32>
    %get3A_628 = arith.constant 0 : index
    %get3A_629 = arith.constant 4992 : index
    %get3A_630 = vector.load %arg4[%get3A_628, %get3A_629] : memref<1x8192xf32, #tpu.memory_space<vmem>>, vector<1x128xf32>
    %add3A_631 = vector.broadcast %get3A_4 : vector<512x1xf32> to vector<512x128xf32>
    %add3A_632 = vector.broadcast %get3A_630 : vector<1x128xf32> to vector<512x128xf32>
    %add3A_633 = arith.addf %add3A_631, %add3A_632 : vector<512x128xf32>
    %slice3A_634 = vector.extract_strided_slice %dot_general3A_557 {offsets = [0, 896], sizes = [512, 128], strides = [1, 1]} : vector<512x1024xf32> to vector<512x128xf32>
    %add3A_635 = arith.addf %add3A_633, %slice3A_634 : vector<512x128xf32>
    %rsqrt3A_636 = math.rsqrt %add3A_635 : vector<512x128xf32>
    %mul3A_637 = arith.mulf %add3A_635, %rsqrt3A_636 : vector<512x128xf32>
    %lt3A_638 = arith.cmpf olt, %mul3A_577, %mul3A_567 : vector<512x128xf32>
    %select_n3A_639 = arith.select %lt3A_638, %mul3A_577, %mul3A_567 : vector<512x128xi1>, vector<512x128xf32>
    %jit3A_640 = arith.constant 33 : i32
    %jit3A_641 = arith.constant 32 : i32
    %broadcast_in_dim3A_642 = vector.broadcast %jit3A_640 : i32 to vector<512x128xi32>
    %broadcast_in_dim3A_643 = vector.broadcast %jit3A_641 : i32 to vector<512x128xi32>
    %select_n3A_644 = arith.select %lt3A_638, %broadcast_in_dim3A_642, %broadcast_in_dim3A_643 : vector<512x128xi1>, vector<512x128xi32>
    %lt3A_645 = arith.cmpf olt, %mul3A_597, %mul3A_587 : vector<512x128xf32>
    %select_n3A_646 = arith.select %lt3A_645, %mul3A_597, %mul3A_587 : vector<512x128xi1>, vector<512x128xf32>
    %jit3A_647 = arith.constant 35 : i32
    %jit3A_648 = arith.constant 34 : i32
    %broadcast_in_dim3A_649 = vector.broadcast %jit3A_647 : i32 to vector<512x128xi32>
    %broadcast_in_dim3A_650 = vector.broadcast %jit3A_648 : i32 to vector<512x128xi32>
    %select_n3A_651 = arith.select %lt3A_645, %broadcast_in_dim3A_649, %broadcast_in_dim3A_650 : vector<512x128xi1>, vector<512x128xi32>
    %lt3A_652 = arith.cmpf olt, %mul3A_617, %mul3A_607 : vector<512x128xf32>
    %select_n3A_653 = arith.select %lt3A_652, %mul3A_617, %mul3A_607 : vector<512x128xi1>, vector<512x128xf32>
    %jit3A_654 = arith.constant 37 : i32
    %jit3A_655 = arith.constant 36 : i32
    %broadcast_in_dim3A_656 = vector.broadcast %jit3A_654 : i32 to vector<512x128xi32>
    %broadcast_in_dim3A_657 = vector.broadcast %jit3A_655 : i32 to vector<512x128xi32>
    %select_n3A_658 = arith.select %lt3A_652, %broadcast_in_dim3A_656, %broadcast_in_dim3A_657 : vector<512x128xi1>, vector<512x128xi32>
    %lt3A_659 = arith.cmpf olt, %mul3A_637, %mul3A_627 : vector<512x128xf32>
    %select_n3A_660 = arith.select %lt3A_659, %mul3A_637, %mul3A_627 : vector<512x128xi1>, vector<512x128xf32>
    %jit3A_661 = arith.constant 39 : i32
    %jit3A_662 = arith.constant 38 : i32
    %broadcast_in_dim3A_663 = vector.broadcast %jit3A_661 : i32 to vector<512x128xi32>
    %broadcast_in_dim3A_664 = vector.broadcast %jit3A_662 : i32 to vector<512x128xi32>
    %select_n3A_665 = arith.select %lt3A_659, %broadcast_in_dim3A_663, %broadcast_in_dim3A_664 : vector<512x128xi1>, vector<512x128xi32>
    %lt3A_666 = arith.cmpf olt, %select_n3A_646, %select_n3A_639 : vector<512x128xf32>
    %select_n3A_667 = arith.select %lt3A_666, %select_n3A_646, %select_n3A_639 : vector<512x128xi1>, vector<512x128xf32>
    %select_n3A_668 = arith.select %lt3A_666, %select_n3A_651, %select_n3A_644 : vector<512x128xi1>, vector<512x128xi32>
    %lt3A_669 = arith.cmpf olt, %select_n3A_660, %select_n3A_653 : vector<512x128xf32>
    %select_n3A_670 = arith.select %lt3A_669, %select_n3A_660, %select_n3A_653 : vector<512x128xi1>, vector<512x128xf32>
    %select_n3A_671 = arith.select %lt3A_669, %select_n3A_665, %select_n3A_658 : vector<512x128xi1>, vector<512x128xi32>
    %lt3A_672 = arith.cmpf olt, %select_n3A_670, %select_n3A_667 : vector<512x128xf32>
    %select_n3A_673 = arith.select %lt3A_672, %select_n3A_670, %select_n3A_667 : vector<512x128xi1>, vector<512x128xf32>
    %select_n3A_674 = arith.select %lt3A_672, %select_n3A_671, %select_n3A_668 : vector<512x128xi1>, vector<512x128xi32>
    %get3A_675 = arith.constant 0 : index
    %get3A_676 = arith.constant 0 : index
    %get3A_677 = vector.load %arg6[%get3A_675, %get3A_676] : memref<512x128xf32, #tpu.memory_space<vmem>>, vector<512x128xf32>
    %lt3A_678 = arith.cmpf olt, %select_n3A_673, %get3A_677 : vector<512x128xf32>
    %select_n3A_679 = arith.select %lt3A_678, %select_n3A_673, %get3A_677 : vector<512x128xi1>, vector<512x128xf32>
    %swap3A_680 = arith.constant 0 : index
    %swap3A_681 = arith.constant 0 : index
    %swap3A_682 = vector.load %arg6[%swap3A_680, %swap3A_681] : memref<512x128xf32, #tpu.memory_space<vmem>>, vector<512x128xf32>
    tpu.vector_store %arg6[%swap3A_680, %swap3A_681], %select_n3A_679 {strides = array<i32>} : memref<512x128xf32, #tpu.memory_space<vmem>>, vector<512x128xf32>,
    %get3A_683 = arith.constant 0 : index
    %get3A_684 = arith.constant 0 : index
    %get3A_685 = vector.load %arg7[%get3A_683, %get3A_684] : memref<512x128xi32, #tpu.memory_space<vmem>>, vector<512x128xi32>
    %select_n3A_686 = arith.select %lt3A_678, %select_n3A_674, %get3A_685 : vector<512x128xi1>, vector<512x128xi32>
    %swap3A_687 = arith.constant 0 : index
    %swap3A_688 = arith.constant 0 : index
    %swap3A_689 = vector.load %arg7[%swap3A_687, %swap3A_688] : memref<512x128xi32, #tpu.memory_space<vmem>>, vector<512x128xi32>
    tpu.vector_store %arg7[%swap3A_687, %swap3A_688], %select_n3A_686 {strides = array<i32>} : memref<512x128xi32, #tpu.memory_space<vmem>>, vector<512x128xi32>,
    %get3A_690 = arith.constant 5120 : index
    %get3A_691 = arith.constant 0 : index
    %get3A_692 = vector.load %arg2[%get3A_690, %get3A_691] : memref<8192x256xbf16, #tpu.memory_space<vmem>>, vector<1024x256xbf16>
    %dot_general3A_693 = arith.constant dense<0.000000e+00> : vector<512x1024xf32>
    %dot_general3A_694 = tpu.matmul %convert_element_type3A, %get3A_692, %dot_general3A_693 {dimension_numbers = #tpu.dot_dimension_numbers<[1], [1], [0], [0], [0, 0, 1, 0], [], []>, transpose_lhs_hint = false} : vector<512x256xbf16>, vector<1024x256xbf16>, vector<512x1024xf32> -> vector<512x1024xf32>
    %get3A_695 = arith.constant 0 : index
    %get3A_696 = arith.constant 5120 : index
    %get3A_697 = vector.load %arg4[%get3A_695, %get3A_696] : memref<1x8192xf32, #tpu.memory_space<vmem>>, vector<1x128xf32>
    %add3A_698 = vector.broadcast %get3A_4 : vector<512x1xf32> to vector<512x128xf32>
    %add3A_699 = vector.broadcast %get3A_697 : vector<1x128xf32> to vector<512x128xf32>
    %add3A_700 = arith.addf %add3A_698, %add3A_699 : vector<512x128xf32>
    %slice3A_701 = vector.extract_strided_slice %dot_general3A_694 {offsets = [0, 0], sizes = [512, 128], strides = [1, 1]} : vector<512x1024xf32> to vector<512x128xf32>
    %add3A_702 = arith.addf %add3A_700, %slice3A_701 : vector<512x128xf32>
    %rsqrt3A_703 = math.rsqrt %add3A_702 : vector<512x128xf32>
    %mul3A_704 = arith.mulf %add3A_702, %rsqrt3A_703 : vector<512x128xf32>
    %get3A_705 = arith.constant 0 : index
    %get3A_706 = arith.constant 5248 : index
    %get3A_707 = vector.load %arg4[%get3A_705, %get3A_706] : memref<1x8192xf32, #tpu.memory_space<vmem>>, vector<1x128xf32>
    %add3A_708 = vector.broadcast %get3A_4 : vector<512x1xf32> to vector<512x128xf32>
    %add3A_709 = vector.broadcast %get3A_707 : vector<1x128xf32> to vector<512x128xf32>
    %add3A_710 = arith.addf %add3A_708, %add3A_709 : vector<512x128xf32>
    %slice3A_711 = vector.extract_strided_slice %dot_general3A_694 {offsets = [0, 128], sizes = [512, 128], strides = [1, 1]} : vector<512x1024xf32> to vector<512x128xf32>
    %add3A_712 = arith.addf %add3A_710, %slice3A_711 : vector<512x128xf32>
    %rsqrt3A_713 = math.rsqrt %add3A_712 : vector<512x128xf32>
    %mul3A_714 = arith.mulf %add3A_712, %rsqrt3A_713 : vector<512x128xf32>
    %get3A_715 = arith.constant 0 : index
    %get3A_716 = arith.constant 5376 : index
    %get3A_717 = vector.load %arg4[%get3A_715, %get3A_716] : memref<1x8192xf32, #tpu.memory_space<vmem>>, vector<1x128xf32>
    %add3A_718 = vector.broadcast %get3A_4 : vector<512x1xf32> to vector<512x128xf32>
    %add3A_719 = vector.broadcast %get3A_717 : vector<1x128xf32> to vector<512x128xf32>
    %add3A_720 = arith.addf %add3A_718, %add3A_719 : vector<512x128xf32>
    %slice3A_721 = vector.extract_strided_slice %dot_general3A_694 {offsets = [0, 256], sizes = [512, 128], strides = [1, 1]} : vector<512x1024xf32> to vector<512x128xf32>
    %add3A_722 = arith.addf %add3A_720, %slice3A_721 : vector<512x128xf32>
    %rsqrt3A_723 = math.rsqrt %add3A_722 : vector<512x128xf32>
    %mul3A_724 = arith.mulf %add3A_722, %rsqrt3A_723 : vector<512x128xf32>
    %get3A_725 = arith.constant 0 : index
    %get3A_726 = arith.constant 5504 : index
    %get3A_727 = vector.load %arg4[%get3A_725, %get3A_726] : memref<1x8192xf32, #tpu.memory_space<vmem>>, vector<1x128xf32>
    %add3A_728 = vector.broadcast %get3A_4 : vector<512x1xf32> to vector<512x128xf32>
    %add3A_729 = vector.broadcast %get3A_727 : vector<1x128xf32> to vector<512x128xf32>
    %add3A_730 = arith.addf %add3A_728, %add3A_729 : vector<512x128xf32>
    %slice3A_731 = vector.extract_strided_slice %dot_general3A_694 {offsets = [0, 384], sizes = [512, 128], strides = [1, 1]} : vector<512x1024xf32> to vector<512x128xf32>
    %add3A_732 = arith.addf %add3A_730, %slice3A_731 : vector<512x128xf32>
    %rsqrt3A_733 = math.rsqrt %add3A_732 : vector<512x128xf32>
    %mul3A_734 = arith.mulf %add3A_732, %rsqrt3A_733 : vector<512x128xf32>
    %get3A_735 = arith.constant 0 : index
    %get3A_736 = arith.constant 5632 : index
    %get3A_737 = vector.load %arg4[%get3A_735, %get3A_736] : memref<1x8192xf32, #tpu.memory_space<vmem>>, vector<1x128xf32>
    %add3A_738 = vector.broadcast %get3A_4 : vector<512x1xf32> to vector<512x128xf32>
    %add3A_739 = vector.broadcast %get3A_737 : vector<1x128xf32> to vector<512x128xf32>
    %add3A_740 = arith.addf %add3A_738, %add3A_739 : vector<512x128xf32>
    %slice3A_741 = vector.extract_strided_slice %dot_general3A_694 {offsets = [0, 512], sizes = [512, 128], strides = [1, 1]} : vector<512x1024xf32> to vector<512x128xf32>
    %add3A_742 = arith.addf %add3A_740, %slice3A_741 : vector<512x128xf32>
    %rsqrt3A_743 = math.rsqrt %add3A_742 : vector<512x128xf32>
    %mul3A_744 = arith.mulf %add3A_742, %rsqrt3A_743 : vector<512x128xf32>
    %get3A_745 = arith.constant 0 : index
    %get3A_746 = arith.constant 5760 : index
    %get3A_747 = vector.load %arg4[%get3A_745, %get3A_746] : memref<1x8192xf32, #tpu.memory_space<vmem>>, vector<1x128xf32>
    %add3A_748 = vector.broadcast %get3A_4 : vector<512x1xf32> to vector<512x128xf32>
    %add3A_749 = vector.broadcast %get3A_747 : vector<1x128xf32> to vector<512x128xf32>
    %add3A_750 = arith.addf %add3A_748, %add3A_749 : vector<512x128xf32>
    %slice3A_751 = vector.extract_strided_slice %dot_general3A_694 {offsets = [0, 640], sizes = [512, 128], strides = [1, 1]} : vector<512x1024xf32> to vector<512x128xf32>
    %add3A_752 = arith.addf %add3A_750, %slice3A_751 : vector<512x128xf32>
    %rsqrt3A_753 = math.rsqrt %add3A_752 : vector<512x128xf32>
    %mul3A_754 = arith.mulf %add3A_752, %rsqrt3A_753 : vector<512x128xf32>
    %get3A_755 = arith.constant 0 : index
    %get3A_756 = arith.constant 5888 : index
    %get3A_757 = vector.load %arg4[%get3A_755, %get3A_756] : memref<1x8192xf32, #tpu.memory_space<vmem>>, vector<1x128xf32>
    %add3A_758 = vector.broadcast %get3A_4 : vector<512x1xf32> to vector<512x128xf32>
    %add3A_759 = vector.broadcast %get3A_757 : vector<1x128xf32> to vector<512x128xf32>
    %add3A_760 = arith.addf %add3A_758, %add3A_759 : vector<512x128xf32>
    %slice3A_761 = vector.extract_strided_slice %dot_general3A_694 {offsets = [0, 768], sizes = [512, 128], strides = [1, 1]} : vector<512x1024xf32> to vector<512x128xf32>
    %add3A_762 = arith.addf %add3A_760, %slice3A_761 : vector<512x128xf32>
    %rsqrt3A_763 = math.rsqrt %add3A_762 : vector<512x128xf32>
    %mul3A_764 = arith.mulf %add3A_762, %rsqrt3A_763 : vector<512x128xf32>
    %get3A_765 = arith.constant 0 : index
    %get3A_766 = arith.constant 6016 : index
    %get3A_767 = vector.load %arg4[%get3A_765, %get3A_766] : memref<1x8192xf32, #tpu.memory_space<vmem>>, vector<1x128xf32>
    %add3A_768 = vector.broadcast %get3A_4 : vector<512x1xf32> to vector<512x128xf32>
    %add3A_769 = vector.broadcast %get3A_767 : vector<1x128xf32> to vector<512x128xf32>
    %add3A_770 = arith.addf %add3A_768, %add3A_769 : vector<512x128xf32>
    %slice3A_771 = vector.extract_strided_slice %dot_general3A_694 {offsets = [0, 896], sizes = [512, 128], strides = [1, 1]} : vector<512x1024xf32> to vector<512x128xf32>
    %add3A_772 = arith.addf %add3A_770, %slice3A_771 : vector<512x128xf32>
    %rsqrt3A_773 = math.rsqrt %add3A_772 : vector<512x128xf32>
    %mul3A_774 = arith.mulf %add3A_772, %rsqrt3A_773 : vector<512x128xf32>
    %lt3A_775 = arith.cmpf olt, %mul3A_714, %mul3A_704 : vector<512x128xf32>
    %select_n3A_776 = arith.select %lt3A_775, %mul3A_714, %mul3A_704 : vector<512x128xi1>, vector<512x128xf32>
    %jit3A_777 = arith.constant 41 : i32
    %jit3A_778 = arith.constant 40 : i32
    %broadcast_in_dim3A_779 = vector.broadcast %jit3A_777 : i32 to vector<512x128xi32>
    %broadcast_in_dim3A_780 = vector.broadcast %jit3A_778 : i32 to vector<512x128xi32>
    %select_n3A_781 = arith.select %lt3A_775, %broadcast_in_dim3A_779, %broadcast_in_dim3A_780 : vector<512x128xi1>, vector<512x128xi32>
    %lt3A_782 = arith.cmpf olt, %mul3A_734, %mul3A_724 : vector<512x128xf32>
    %select_n3A_783 = arith.select %lt3A_782, %mul3A_734, %mul3A_724 : vector<512x128xi1>, vector<512x128xf32>
    %jit3A_784 = arith.constant 43 : i32
    %jit3A_785 = arith.constant 42 : i32
    %broadcast_in_dim3A_786 = vector.broadcast %jit3A_784 : i32 to vector<512x128xi32>
    %broadcast_in_dim3A_787 = vector.broadcast %jit3A_785 : i32 to vector<512x128xi32>
    %select_n3A_788 = arith.select %lt3A_782, %broadcast_in_dim3A_786, %broadcast_in_dim3A_787 : vector<512x128xi1>, vector<512x128xi32>
    %lt3A_789 = arith.cmpf olt, %mul3A_754, %mul3A_744 : vector<512x128xf32>
    %select_n3A_790 = arith.select %lt3A_789, %mul3A_754, %mul3A_744 : vector<512x128xi1>, vector<512x128xf32>
    %jit3A_791 = arith.constant 45 : i32
    %jit3A_792 = arith.constant 44 : i32
    %broadcast_in_dim3A_793 = vector.broadcast %jit3A_791 : i32 to vector<512x128xi32>
    %broadcast_in_dim3A_794 = vector.broadcast %jit3A_792 : i32 to vector<512x128xi32>
    %select_n3A_795 = arith.select %lt3A_789, %broadcast_in_dim3A_793, %broadcast_in_dim3A_794 : vector<512x128xi1>, vector<512x128xi32>
    %lt3A_796 = arith.cmpf olt, %mul3A_774, %mul3A_764 : vector<512x128xf32>
    %select_n3A_797 = arith.select %lt3A_796, %mul3A_774, %mul3A_764 : vector<512x128xi1>, vector<512x128xf32>
    %jit3A_798 = arith.constant 47 : i32
    %jit3A_799 = arith.constant 46 : i32
    %broadcast_in_dim3A_800 = vector.broadcast %jit3A_798 : i32 to vector<512x128xi32>
    %broadcast_in_dim3A_801 = vector.broadcast %jit3A_799 : i32 to vector<512x128xi32>
    %select_n3A_802 = arith.select %lt3A_796, %broadcast_in_dim3A_800, %broadcast_in_dim3A_801 : vector<512x128xi1>, vector<512x128xi32>
    %lt3A_803 = arith.cmpf olt, %select_n3A_783, %select_n3A_776 : vector<512x128xf32>
    %select_n3A_804 = arith.select %lt3A_803, %select_n3A_783, %select_n3A_776 : vector<512x128xi1>, vector<512x128xf32>
    %select_n3A_805 = arith.select %lt3A_803, %select_n3A_788, %select_n3A_781 : vector<512x128xi1>, vector<512x128xi32>
    %lt3A_806 = arith.cmpf olt, %select_n3A_797, %select_n3A_790 : vector<512x128xf32>
    %select_n3A_807 = arith.select %lt3A_806, %select_n3A_797, %select_n3A_790 : vector<512x128xi1>, vector<512x128xf32>
    %select_n3A_808 = arith.select %lt3A_806, %select_n3A_802, %select_n3A_795 : vector<512x128xi1>, vector<512x128xi32>
    %lt3A_809 = arith.cmpf olt, %select_n3A_807, %select_n3A_804 : vector<512x128xf32>
    %select_n3A_810 = arith.select %lt3A_809, %select_n3A_807, %select_n3A_804 : vector<512x128xi1>, vector<512x128xf32>
    %select_n3A_811 = arith.select %lt3A_809, %select_n3A_808, %select_n3A_805 : vector<512x128xi1>, vector<512x128xi32>
    %get3A_812 = arith.constant 0 : index
    %get3A_813 = arith.constant 0 : index
    %get3A_814 = vector.load %arg6[%get3A_812, %get3A_813] : memref<512x128xf32, #tpu.memory_space<vmem>>, vector<512x128xf32>
    %lt3A_815 = arith.cmpf olt, %select_n3A_810, %get3A_814 : vector<512x128xf32>
    %select_n3A_816 = arith.select %lt3A_815, %select_n3A_810, %get3A_814 : vector<512x128xi1>, vector<512x128xf32>
    %swap3A_817 = arith.constant 0 : index
    %swap3A_818 = arith.constant 0 : index
    %swap3A_819 = vector.load %arg6[%swap3A_817, %swap3A_818] : memref<512x128xf32, #tpu.memory_space<vmem>>, vector<512x128xf32>
    tpu.vector_store %arg6[%swap3A_817, %swap3A_818], %select_n3A_816 {strides = array<i32>} : memref<512x128xf32, #tpu.memory_space<vmem>>, vector<512x128xf32>,
    %get3A_820 = arith.constant 0 : index
    %get3A_821 = arith.constant 0 : index
    %get3A_822 = vector.load %arg7[%get3A_820, %get3A_821] : memref<512x128xi32, #tpu.memory_space<vmem>>, vector<512x128xi32>
    %select_n3A_823 = arith.select %lt3A_815, %select_n3A_811, %get3A_822 : vector<512x128xi1>, vector<512x128xi32>
    %swap3A_824 = arith.constant 0 : index
    %swap3A_825 = arith.constant 0 : index
    %swap3A_826 = vector.load %arg7[%swap3A_824, %swap3A_825] : memref<512x128xi32, #tpu.memory_space<vmem>>, vector<512x128xi32>
    tpu.vector_store %arg7[%swap3A_824, %swap3A_825], %select_n3A_823 {strides = array<i32>} : memref<512x128xi32, #tpu.memory_space<vmem>>, vector<512x128xi32>,
    %get3A_827 = arith.constant 6144 : index
    %get3A_828 = arith.constant 0 : index
    %get3A_829 = vector.load %arg2[%get3A_827, %get3A_828] : memref<8192x256xbf16, #tpu.memory_space<vmem>>, vector<1024x256xbf16>
    %dot_general3A_830 = arith.constant dense<0.000000e+00> : vector<512x1024xf32>
    %dot_general3A_831 = tpu.matmul %convert_element_type3A, %get3A_829, %dot_general3A_830 {dimension_numbers = #tpu.dot_dimension_numbers<[1], [1], [0], [0], [0, 0, 1, 0], [], []>, transpose_lhs_hint = false} : vector<512x256xbf16>, vector<1024x256xbf16>, vector<512x1024xf32> -> vector<512x1024xf32>
    %get3A_832 = arith.constant 0 : index
    %get3A_833 = arith.constant 6144 : index
    %get3A_834 = vector.load %arg4[%get3A_832, %get3A_833] : memref<1x8192xf32, #tpu.memory_space<vmem>>, vector<1x128xf32>
    %add3A_835 = vector.broadcast %get3A_4 : vector<512x1xf32> to vector<512x128xf32>
    %add3A_836 = vector.broadcast %get3A_834 : vector<1x128xf32> to vector<512x128xf32>
    %add3A_837 = arith.addf %add3A_835, %add3A_836 : vector<512x128xf32>
    %slice3A_838 = vector.extract_strided_slice %dot_general3A_831 {offsets = [0, 0], sizes = [512, 128], strides = [1, 1]} : vector<512x1024xf32> to vector<512x128xf32>
    %add3A_839 = arith.addf %add3A_837, %slice3A_838 : vector<512x128xf32>
    %rsqrt3A_840 = math.rsqrt %add3A_839 : vector<512x128xf32>
    %mul3A_841 = arith.mulf %add3A_839, %rsqrt3A_840 : vector<512x128xf32>
    %get3A_842 = arith.constant 0 : index
    %get3A_843 = arith.constant 6272 : index
    %get3A_844 = vector.load %arg4[%get3A_842, %get3A_843] : memref<1x8192xf32, #tpu.memory_space<vmem>>, vector<1x128xf32>
    %add3A_845 = vector.broadcast %get3A_4 : vector<512x1xf32> to vector<512x128xf32>
    %add3A_846 = vector.broadcast %get3A_844 : vector<1x128xf32> to vector<512x128xf32>
    %add3A_847 = arith.addf %add3A_845, %add3A_846 : vector<512x128xf32>
    %slice3A_848 = vector.extract_strided_slice %dot_general3A_831 {offsets = [0, 128], sizes = [512, 128], strides = [1, 1]} : vector<512x1024xf32> to vector<512x128xf32>
    %add3A_849 = arith.addf %add3A_847, %slice3A_848 : vector<512x128xf32>
    %rsqrt3A_850 = math.rsqrt %add3A_849 : vector<512x128xf32>
    %mul3A_851 = arith.mulf %add3A_849, %rsqrt3A_850 : vector<512x128xf32>
    %get3A_852 = arith.constant 0 : index
    %get3A_853 = arith.constant 6400 : index
    %get3A_854 = vector.load %arg4[%get3A_852, %get3A_853] : memref<1x8192xf32, #tpu.memory_space<vmem>>, vector<1x128xf32>
    %add3A_855 = vector.broadcast %get3A_4 : vector<512x1xf32> to vector<512x128xf32>
    %add3A_856 = vector.broadcast %get3A_854 : vector<1x128xf32> to vector<512x128xf32>
    %add3A_857 = arith.addf %add3A_855, %add3A_856 : vector<512x128xf32>
    %slice3A_858 = vector.extract_strided_slice %dot_general3A_831 {offsets = [0, 256], sizes = [512, 128], strides = [1, 1]} : vector<512x1024xf32> to vector<512x128xf32>
    %add3A_859 = arith.addf %add3A_857, %slice3A_858 : vector<512x128xf32>
    %rsqrt3A_860 = math.rsqrt %add3A_859 : vector<512x128xf32>
    %mul3A_861 = arith.mulf %add3A_859, %rsqrt3A_860 : vector<512x128xf32>
    %get3A_862 = arith.constant 0 : index
    %get3A_863 = arith.constant 6528 : index
    %get3A_864 = vector.load %arg4[%get3A_862, %get3A_863] : memref<1x8192xf32, #tpu.memory_space<vmem>>, vector<1x128xf32>
    %add3A_865 = vector.broadcast %get3A_4 : vector<512x1xf32> to vector<512x128xf32>
    %add3A_866 = vector.broadcast %get3A_864 : vector<1x128xf32> to vector<512x128xf32>
    %add3A_867 = arith.addf %add3A_865, %add3A_866 : vector<512x128xf32>
    %slice3A_868 = vector.extract_strided_slice %dot_general3A_831 {offsets = [0, 384], sizes = [512, 128], strides = [1, 1]} : vector<512x1024xf32> to vector<512x128xf32>
    %add3A_869 = arith.addf %add3A_867, %slice3A_868 : vector<512x128xf32>
    %rsqrt3A_870 = math.rsqrt %add3A_869 : vector<512x128xf32>
    %mul3A_871 = arith.mulf %add3A_869, %rsqrt3A_870 : vector<512x128xf32>
    %get3A_872 = arith.constant 0 : index
    %get3A_873 = arith.constant 6656 : index
    %get3A_874 = vector.load %arg4[%get3A_872, %get3A_873] : memref<1x8192xf32, #tpu.memory_space<vmem>>, vector<1x128xf32>
    %add3A_875 = vector.broadcast %get3A_4 : vector<512x1xf32> to vector<512x128xf32>
    %add3A_876 = vector.broadcast %get3A_874 : vector<1x128xf32> to vector<512x128xf32>
    %add3A_877 = arith.addf %add3A_875, %add3A_876 : vector<512x128xf32>
    %slice3A_878 = vector.extract_strided_slice %dot_general3A_831 {offsets = [0, 512], sizes = [512, 128], strides = [1, 1]} : vector<512x1024xf32> to vector<512x128xf32>
    %add3A_879 = arith.addf %add3A_877, %slice3A_878 : vector<512x128xf32>
    %rsqrt3A_880 = math.rsqrt %add3A_879 : vector<512x128xf32>
    %mul3A_881 = arith.mulf %add3A_879, %rsqrt3A_880 : vector<512x128xf32>
    %get3A_882 = arith.constant 0 : index
    %get3A_883 = arith.constant 6784 : index
    %get3A_884 = vector.load %arg4[%get3A_882, %get3A_883] : memref<1x8192xf32, #tpu.memory_space<vmem>>, vector<1x128xf32>
    %add3A_885 = vector.broadcast %get3A_4 : vector<512x1xf32> to vector<512x128xf32>
    %add3A_886 = vector.broadcast %get3A_884 : vector<1x128xf32> to vector<512x128xf32>
    %add3A_887 = arith.addf %add3A_885, %add3A_886 : vector<512x128xf32>
    %slice3A_888 = vector.extract_strided_slice %dot_general3A_831 {offsets = [0, 640], sizes = [512, 128], strides = [1, 1]} : vector<512x1024xf32> to vector<512x128xf32>
    %add3A_889 = arith.addf %add3A_887, %slice3A_888 : vector<512x128xf32>
    %rsqrt3A_890 = math.rsqrt %add3A_889 : vector<512x128xf32>
    %mul3A_891 = arith.mulf %add3A_889, %rsqrt3A_890 : vector<512x128xf32>
    %get3A_892 = arith.constant 0 : index
    %get3A_893 = arith.constant 6912 : index
    %get3A_894 = vector.load %arg4[%get3A_892, %get3A_893] : memref<1x8192xf32, #tpu.memory_space<vmem>>, vector<1x128xf32>
    %add3A_895 = vector.broadcast %get3A_4 : vector<512x1xf32> to vector<512x128xf32>
    %add3A_896 = vector.broadcast %get3A_894 : vector<1x128xf32> to vector<512x128xf32>
    %add3A_897 = arith.addf %add3A_895, %add3A_896 : vector<512x128xf32>
    %slice3A_898 = vector.extract_strided_slice %dot_general3A_831 {offsets = [0, 768], sizes = [512, 128], strides = [1, 1]} : vector<512x1024xf32> to vector<512x128xf32>
    %add3A_899 = arith.addf %add3A_897, %slice3A_898 : vector<512x128xf32>
    %rsqrt3A_900 = math.rsqrt %add3A_899 : vector<512x128xf32>
    %mul3A_901 = arith.mulf %add3A_899, %rsqrt3A_900 : vector<512x128xf32>
    %get3A_902 = arith.constant 0 : index
    %get3A_903 = arith.constant 7040 : index
    %get3A_904 = vector.load %arg4[%get3A_902, %get3A_903] : memref<1x8192xf32, #tpu.memory_space<vmem>>, vector<1x128xf32>
    %add3A_905 = vector.broadcast %get3A_4 : vector<512x1xf32> to vector<512x128xf32>
    %add3A_906 = vector.broadcast %get3A_904 : vector<1x128xf32> to vector<512x128xf32>
    %add3A_907 = arith.addf %add3A_905, %add3A_906 : vector<512x128xf32>
    %slice3A_908 = vector.extract_strided_slice %dot_general3A_831 {offsets = [0, 896], sizes = [512, 128], strides = [1, 1]} : vector<512x1024xf32> to vector<512x128xf32>
    %add3A_909 = arith.addf %add3A_907, %slice3A_908 : vector<512x128xf32>
    %rsqrt3A_910 = math.rsqrt %add3A_909 : vector<512x128xf32>
    %mul3A_911 = arith.mulf %add3A_909, %rsqrt3A_910 : vector<512x128xf32>
    %lt3A_912 = arith.cmpf olt, %mul3A_851, %mul3A_841 : vector<512x128xf32>
    %select_n3A_913 = arith.select %lt3A_912, %mul3A_851, %mul3A_841 : vector<512x128xi1>, vector<512x128xf32>
    %jit3A_914 = arith.constant 49 : i32
    %jit3A_915 = arith.constant 48 : i32
    %broadcast_in_dim3A_916 = vector.broadcast %jit3A_914 : i32 to vector<512x128xi32>
    %broadcast_in_dim3A_917 = vector.broadcast %jit3A_915 : i32 to vector<512x128xi32>
    %select_n3A_918 = arith.select %lt3A_912, %broadcast_in_dim3A_916, %broadcast_in_dim3A_917 : vector<512x128xi1>, vector<512x128xi32>
    %lt3A_919 = arith.cmpf olt, %mul3A_871, %mul3A_861 : vector<512x128xf32>
    %select_n3A_920 = arith.select %lt3A_919, %mul3A_871, %mul3A_861 : vector<512x128xi1>, vector<512x128xf32>
    %jit3A_921 = arith.constant 51 : i32
    %jit3A_922 = arith.constant 50 : i32
    %broadcast_in_dim3A_923 = vector.broadcast %jit3A_921 : i32 to vector<512x128xi32>
    %broadcast_in_dim3A_924 = vector.broadcast %jit3A_922 : i32 to vector<512x128xi32>
    %select_n3A_925 = arith.select %lt3A_919, %broadcast_in_dim3A_923, %broadcast_in_dim3A_924 : vector<512x128xi1>, vector<512x128xi32>
    %lt3A_926 = arith.cmpf olt, %mul3A_891, %mul3A_881 : vector<512x128xf32>
    %select_n3A_927 = arith.select %lt3A_926, %mul3A_891, %mul3A_881 : vector<512x128xi1>, vector<512x128xf32>
    %jit3A_928 = arith.constant 53 : i32
    %jit3A_929 = arith.constant 52 : i32
    %broadcast_in_dim3A_930 = vector.broadcast %jit3A_928 : i32 to vector<512x128xi32>
    %broadcast_in_dim3A_931 = vector.broadcast %jit3A_929 : i32 to vector<512x128xi32>
    %select_n3A_932 = arith.select %lt3A_926, %broadcast_in_dim3A_930, %broadcast_in_dim3A_931 : vector<512x128xi1>, vector<512x128xi32>
    %lt3A_933 = arith.cmpf olt, %mul3A_911, %mul3A_901 : vector<512x128xf32>
    %select_n3A_934 = arith.select %lt3A_933, %mul3A_911, %mul3A_901 : vector<512x128xi1>, vector<512x128xf32>
    %jit3A_935 = arith.constant 55 : i32
    %jit3A_936 = arith.constant 54 : i32
    %broadcast_in_dim3A_937 = vector.broadcast %jit3A_935 : i32 to vector<512x128xi32>
    %broadcast_in_dim3A_938 = vector.broadcast %jit3A_936 : i32 to vector<512x128xi32>
    %select_n3A_939 = arith.select %lt3A_933, %broadcast_in_dim3A_937, %broadcast_in_dim3A_938 : vector<512x128xi1>, vector<512x128xi32>
    %lt3A_940 = arith.cmpf olt, %select_n3A_920, %select_n3A_913 : vector<512x128xf32>
    %select_n3A_941 = arith.select %lt3A_940, %select_n3A_920, %select_n3A_913 : vector<512x128xi1>, vector<512x128xf32>
    %select_n3A_942 = arith.select %lt3A_940, %select_n3A_925, %select_n3A_918 : vector<512x128xi1>, vector<512x128xi32>
    %lt3A_943 = arith.cmpf olt, %select_n3A_934, %select_n3A_927 : vector<512x128xf32>
    %select_n3A_944 = arith.select %lt3A_943, %select_n3A_934, %select_n3A_927 : vector<512x128xi1>, vector<512x128xf32>
    %select_n3A_945 = arith.select %lt3A_943, %select_n3A_939, %select_n3A_932 : vector<512x128xi1>, vector<512x128xi32>
    %lt3A_946 = arith.cmpf olt, %select_n3A_944, %select_n3A_941 : vector<512x128xf32>
    %select_n3A_947 = arith.select %lt3A_946, %select_n3A_944, %select_n3A_941 : vector<512x128xi1>, vector<512x128xf32>
    %select_n3A_948 = arith.select %lt3A_946, %select_n3A_945, %select_n3A_942 : vector<512x128xi1>, vector<512x128xi32>
    %get3A_949 = arith.constant 0 : index
    %get3A_950 = arith.constant 0 : index
    %get3A_951 = vector.load %arg6[%get3A_949, %get3A_950] : memref<512x128xf32, #tpu.memory_space<vmem>>, vector<512x128xf32>
    %lt3A_952 = arith.cmpf olt, %select_n3A_947, %get3A_951 : vector<512x128xf32>
    %select_n3A_953 = arith.select %lt3A_952, %select_n3A_947, %get3A_951 : vector<512x128xi1>, vector<512x128xf32>
    %swap3A_954 = arith.constant 0 : index
    %swap3A_955 = arith.constant 0 : index
    %swap3A_956 = vector.load %arg6[%swap3A_954, %swap3A_955] : memref<512x128xf32, #tpu.memory_space<vmem>>, vector<512x128xf32>
    tpu.vector_store %arg6[%swap3A_954, %swap3A_955], %select_n3A_953 {strides = array<i32>} : memref<512x128xf32, #tpu.memory_space<vmem>>, vector<512x128xf32>,
    %get3A_957 = arith.constant 0 : index
    %get3A_958 = arith.constant 0 : index
    %get3A_959 = vector.load %arg7[%get3A_957, %get3A_958] : memref<512x128xi32, #tpu.memory_space<vmem>>, vector<512x128xi32>
    %select_n3A_960 = arith.select %lt3A_952, %select_n3A_948, %get3A_959 : vector<512x128xi1>, vector<512x128xi32>
    %swap3A_961 = arith.constant 0 : index
    %swap3A_962 = arith.constant 0 : index
    %swap3A_963 = vector.load %arg7[%swap3A_961, %swap3A_962] : memref<512x128xi32, #tpu.memory_space<vmem>>, vector<512x128xi32>
    tpu.vector_store %arg7[%swap3A_961, %swap3A_962], %select_n3A_960 {strides = array<i32>} : memref<512x128xi32, #tpu.memory_space<vmem>>, vector<512x128xi32>,
    %get3A_964 = arith.constant 7168 : index
    %get3A_965 = arith.constant 0 : index
    %get3A_966 = vector.load %arg2[%get3A_964, %get3A_965] : memref<8192x256xbf16, #tpu.memory_space<vmem>>, vector<1024x256xbf16>
    %dot_general3A_967 = arith.constant dense<0.000000e+00> : vector<512x1024xf32>
    %dot_general3A_968 = tpu.matmul %convert_element_type3A, %get3A_966, %dot_general3A_967 {dimension_numbers = #tpu.dot_dimension_numbers<[1], [1], [0], [0], [0, 0, 1, 0], [], []>, transpose_lhs_hint = false} : vector<512x256xbf16>, vector<1024x256xbf16>, vector<512x1024xf32> -> vector<512x1024xf32>
    %get3A_969 = arith.constant 0 : index
    %get3A_970 = arith.constant 7168 : index
    %get3A_971 = vector.load %arg4[%get3A_969, %get3A_970] : memref<1x8192xf32, #tpu.memory_space<vmem>>, vector<1x128xf32>
    %add3A_972 = vector.broadcast %get3A_4 : vector<512x1xf32> to vector<512x128xf32>
    %add3A_973 = vector.broadcast %get3A_971 : vector<1x128xf32> to vector<512x128xf32>
    %add3A_974 = arith.addf %add3A_972, %add3A_973 : vector<512x128xf32>
    %slice3A_975 = vector.extract_strided_slice %dot_general3A_968 {offsets = [0, 0], sizes = [512, 128], strides = [1, 1]} : vector<512x1024xf32> to vector<512x128xf32>
    %add3A_976 = arith.addf %add3A_974, %slice3A_975 : vector<512x128xf32>
    %rsqrt3A_977 = math.rsqrt %add3A_976 : vector<512x128xf32>
    %mul3A_978 = arith.mulf %add3A_976, %rsqrt3A_977 : vector<512x128xf32>
    %get3A_979 = arith.constant 0 : index
    %get3A_980 = arith.constant 7296 : index
    %get3A_981 = vector.load %arg4[%get3A_979, %get3A_980] : memref<1x8192xf32, #tpu.memory_space<vmem>>, vector<1x128xf32>
    %add3A_982 = vector.broadcast %get3A_4 : vector<512x1xf32> to vector<512x128xf32>
    %add3A_983 = vector.broadcast %get3A_981 : vector<1x128xf32> to vector<512x128xf32>
    %add3A_984 = arith.addf %add3A_982, %add3A_983 : vector<512x128xf32>
    %slice3A_985 = vector.extract_strided_slice %dot_general3A_968 {offsets = [0, 128], sizes = [512, 128], strides = [1, 1]} : vector<512x1024xf32> to vector<512x128xf32>
    %add3A_986 = arith.addf %add3A_984, %slice3A_985 : vector<512x128xf32>
    %rsqrt3A_987 = math.rsqrt %add3A_986 : vector<512x128xf32>
    %mul3A_988 = arith.mulf %add3A_986, %rsqrt3A_987 : vector<512x128xf32>
    %get3A_989 = arith.constant 0 : index
    %get3A_990 = arith.constant 7424 : index
    %get3A_991 = vector.load %arg4[%get3A_989, %get3A_990] : memref<1x8192xf32, #tpu.memory_space<vmem>>, vector<1x128xf32>
    %add3A_992 = vector.broadcast %get3A_4 : vector<512x1xf32> to vector<512x128xf32>
    %add3A_993 = vector.broadcast %get3A_991 : vector<1x128xf32> to vector<512x128xf32>
    %add3A_994 = arith.addf %add3A_992, %add3A_993 : vector<512x128xf32>
    %slice3A_995 = vector.extract_strided_slice %dot_general3A_968 {offsets = [0, 256], sizes = [512, 128], strides = [1, 1]} : vector<512x1024xf32> to vector<512x128xf32>
    %add3A_996 = arith.addf %add3A_994, %slice3A_995 : vector<512x128xf32>
    %rsqrt3A_997 = math.rsqrt %add3A_996 : vector<512x128xf32>
    %mul3A_998 = arith.mulf %add3A_996, %rsqrt3A_997 : vector<512x128xf32>
    %get3A_999 = arith.constant 0 : index
    %get3A_1000 = arith.constant 7552 : index
    %get3A_1001 = vector.load %arg4[%get3A_999, %get3A_1000] : memref<1x8192xf32, #tpu.memory_space<vmem>>, vector<1x128xf32>
    %add3A_1002 = vector.broadcast %get3A_4 : vector<512x1xf32> to vector<512x128xf32>
    %add3A_1003 = vector.broadcast %get3A_1001 : vector<1x128xf32> to vector<512x128xf32>
    %add3A_1004 = arith.addf %add3A_1002, %add3A_1003 : vector<512x128xf32>
    %slice3A_1005 = vector.extract_strided_slice %dot_general3A_968 {offsets = [0, 384], sizes = [512, 128], strides = [1, 1]} : vector<512x1024xf32> to vector<512x128xf32>
    %add3A_1006 = arith.addf %add3A_1004, %slice3A_1005 : vector<512x128xf32>
    %rsqrt3A_1007 = math.rsqrt %add3A_1006 : vector<512x128xf32>
    %mul3A_1008 = arith.mulf %add3A_1006, %rsqrt3A_1007 : vector<512x128xf32>
    %get3A_1009 = arith.constant 0 : index
    %get3A_1010 = arith.constant 7680 : index
    %get3A_1011 = vector.load %arg4[%get3A_1009, %get3A_1010] : memref<1x8192xf32, #tpu.memory_space<vmem>>, vector<1x128xf32>
    %add3A_1012 = vector.broadcast %get3A_4 : vector<512x1xf32> to vector<512x128xf32>
    %add3A_1013 = vector.broadcast %get3A_1011 : vector<1x128xf32> to vector<512x128xf32>
    %add3A_1014 = arith.addf %add3A_1012, %add3A_1013 : vector<512x128xf32>
    %slice3A_1015 = vector.extract_strided_slice %dot_general3A_968 {offsets = [0, 512], sizes = [512, 128], strides = [1, 1]} : vector<512x1024xf32> to vector<512x128xf32>
    %add3A_1016 = arith.addf %add3A_1014, %slice3A_1015 : vector<512x128xf32>
    %rsqrt3A_1017 = math.rsqrt %add3A_1016 : vector<512x128xf32>
    %mul3A_1018 = arith.mulf %add3A_1016, %rsqrt3A_1017 : vector<512x128xf32>
    %get3A_1019 = arith.constant 0 : index
    %get3A_1020 = arith.constant 7808 : index
    %get3A_1021 = vector.load %arg4[%get3A_1019, %get3A_1020] : memref<1x8192xf32, #tpu.memory_space<vmem>>, vector<1x128xf32>
    %add3A_1022 = vector.broadcast %get3A_4 : vector<512x1xf32> to vector<512x128xf32>
    %add3A_1023 = vector.broadcast %get3A_1021 : vector<1x128xf32> to vector<512x128xf32>
    %add3A_1024 = arith.addf %add3A_1022, %add3A_1023 : vector<512x128xf32>
    %slice3A_1025 = vector.extract_strided_slice %dot_general3A_968 {offsets = [0, 640], sizes = [512, 128], strides = [1, 1]} : vector<512x1024xf32> to vector<512x128xf32>
    %add3A_1026 = arith.addf %add3A_1024, %slice3A_1025 : vector<512x128xf32>
    %rsqrt3A_1027 = math.rsqrt %add3A_1026 : vector<512x128xf32>
    %mul3A_1028 = arith.mulf %add3A_1026, %rsqrt3A_1027 : vector<512x128xf32>
    %get3A_1029 = arith.constant 0 : index
    %get3A_1030 = arith.constant 7936 : index
    %get3A_1031 = vector.load %arg4[%get3A_1029, %get3A_1030] : memref<1x8192xf32, #tpu.memory_space<vmem>>, vector<1x128xf32>
    %add3A_1032 = vector.broadcast %get3A_4 : vector<512x1xf32> to vector<512x128xf32>
    %add3A_1033 = vector.broadcast %get3A_1031 : vector<1x128xf32> to vector<512x128xf32>
    %add3A_1034 = arith.addf %add3A_1032, %add3A_1033 : vector<512x128xf32>
    %slice3A_1035 = vector.extract_strided_slice %dot_general3A_968 {offsets = [0, 768], sizes = [512, 128], strides = [1, 1]} : vector<512x1024xf32> to vector<512x128xf32>
    %add3A_1036 = arith.addf %add3A_1034, %slice3A_1035 : vector<512x128xf32>
    %rsqrt3A_1037 = math.rsqrt %add3A_1036 : vector<512x128xf32>
    %mul3A_1038 = arith.mulf %add3A_1036, %rsqrt3A_1037 : vector<512x128xf32>
    %get3A_1039 = arith.constant 0 : index
    %get3A_1040 = arith.constant 8064 : index
    %get3A_1041 = vector.load %arg4[%get3A_1039, %get3A_1040] : memref<1x8192xf32, #tpu.memory_space<vmem>>, vector<1x128xf32>
    %add3A_1042 = vector.broadcast %get3A_4 : vector<512x1xf32> to vector<512x128xf32>
    %add3A_1043 = vector.broadcast %get3A_1041 : vector<1x128xf32> to vector<512x128xf32>
    %add3A_1044 = arith.addf %add3A_1042, %add3A_1043 : vector<512x128xf32>
    %slice3A_1045 = vector.extract_strided_slice %dot_general3A_968 {offsets = [0, 896], sizes = [512, 128], strides = [1, 1]} : vector<512x1024xf32> to vector<512x128xf32>
    %add3A_1046 = arith.addf %add3A_1044, %slice3A_1045 : vector<512x128xf32>
    %rsqrt3A_1047 = math.rsqrt %add3A_1046 : vector<512x128xf32>
    %mul3A_1048 = arith.mulf %add3A_1046, %rsqrt3A_1047 : vector<512x128xf32>
    %lt3A_1049 = arith.cmpf olt, %mul3A_988, %mul3A_978 : vector<512x128xf32>
    %select_n3A_1050 = arith.select %lt3A_1049, %mul3A_988, %mul3A_978 : vector<512x128xi1>, vector<512x128xf32>
    %jit3A_1051 = arith.constant 57 : i32
    %jit3A_1052 = arith.constant 56 : i32
    %broadcast_in_dim3A_1053 = vector.broadcast %jit3A_1051 : i32 to vector<512x128xi32>
    %broadcast_in_dim3A_1054 = vector.broadcast %jit3A_1052 : i32 to vector<512x128xi32>
    %select_n3A_1055 = arith.select %lt3A_1049, %broadcast_in_dim3A_1053, %broadcast_in_dim3A_1054 : vector<512x128xi1>, vector<512x128xi32>
    %lt3A_1056 = arith.cmpf olt, %mul3A_1008, %mul3A_998 : vector<512x128xf32>
    %select_n3A_1057 = arith.select %lt3A_1056, %mul3A_1008, %mul3A_998 : vector<512x128xi1>, vector<512x128xf32>
    %jit3A_1058 = arith.constant 59 : i32
    %jit3A_1059 = arith.constant 58 : i32
    %broadcast_in_dim3A_1060 = vector.broadcast %jit3A_1058 : i32 to vector<512x128xi32>
    %broadcast_in_dim3A_1061 = vector.broadcast %jit3A_1059 : i32 to vector<512x128xi32>
    %select_n3A_1062 = arith.select %lt3A_1056, %broadcast_in_dim3A_1060, %broadcast_in_dim3A_1061 : vector<512x128xi1>, vector<512x128xi32>
    %lt3A_1063 = arith.cmpf olt, %mul3A_1028, %mul3A_1018 : vector<512x128xf32>
    %select_n3A_1064 = arith.select %lt3A_1063, %mul3A_1028, %mul3A_1018 : vector<512x128xi1>, vector<512x128xf32>
    %jit3A_1065 = arith.constant 61 : i32
    %jit3A_1066 = arith.constant 60 : i32
    %broadcast_in_dim3A_1067 = vector.broadcast %jit3A_1065 : i32 to vector<512x128xi32>
    %broadcast_in_dim3A_1068 = vector.broadcast %jit3A_1066 : i32 to vector<512x128xi32>
    %select_n3A_1069 = arith.select %lt3A_1063, %broadcast_in_dim3A_1067, %broadcast_in_dim3A_1068 : vector<512x128xi1>, vector<512x128xi32>
    %lt3A_1070 = arith.cmpf olt, %mul3A_1048, %mul3A_1038 : vector<512x128xf32>
    %select_n3A_1071 = arith.select %lt3A_1070, %mul3A_1048, %mul3A_1038 : vector<512x128xi1>, vector<512x128xf32>
    %jit3A_1072 = arith.constant 63 : i32
    %jit3A_1073 = arith.constant 62 : i32
    %broadcast_in_dim3A_1074 = vector.broadcast %jit3A_1072 : i32 to vector<512x128xi32>
    %broadcast_in_dim3A_1075 = vector.broadcast %jit3A_1073 : i32 to vector<512x128xi32>
    %select_n3A_1076 = arith.select %lt3A_1070, %broadcast_in_dim3A_1074, %broadcast_in_dim3A_1075 : vector<512x128xi1>, vector<512x128xi32>
    %lt3A_1077 = arith.cmpf olt, %select_n3A_1057, %select_n3A_1050 : vector<512x128xf32>
    %select_n3A_1078 = arith.select %lt3A_1077, %select_n3A_1057, %select_n3A_1050 : vector<512x128xi1>, vector<512x128xf32>
    %select_n3A_1079 = arith.select %lt3A_1077, %select_n3A_1062, %select_n3A_1055 : vector<512x128xi1>, vector<512x128xi32>
    %lt3A_1080 = arith.cmpf olt, %select_n3A_1071, %select_n3A_1064 : vector<512x128xf32>
    %select_n3A_1081 = arith.select %lt3A_1080, %select_n3A_1071, %select_n3A_1064 : vector<512x128xi1>, vector<512x128xf32>
    %select_n3A_1082 = arith.select %lt3A_1080, %select_n3A_1076, %select_n3A_1069 : vector<512x128xi1>, vector<512x128xi32>
    %lt3A_1083 = arith.cmpf olt, %select_n3A_1081, %select_n3A_1078 : vector<512x128xf32>
    %select_n3A_1084 = arith.select %lt3A_1083, %select_n3A_1081, %select_n3A_1078 : vector<512x128xi1>, vector<512x128xf32>
    %select_n3A_1085 = arith.select %lt3A_1083, %select_n3A_1082, %select_n3A_1079 : vector<512x128xi1>, vector<512x128xi32>
    %get3A_1086 = arith.constant 0 : index
    %get3A_1087 = arith.constant 0 : index
    %get3A_1088 = vector.load %arg6[%get3A_1086, %get3A_1087] : memref<512x128xf32, #tpu.memory_space<vmem>>, vector<512x128xf32>
    %lt3A_1089 = arith.cmpf olt, %select_n3A_1084, %get3A_1088 : vector<512x128xf32>
    %select_n3A_1090 = arith.select %lt3A_1089, %select_n3A_1084, %get3A_1088 : vector<512x128xi1>, vector<512x128xf32>
    %swap3A_1091 = arith.constant 0 : index
    %swap3A_1092 = arith.constant 0 : index
    %swap3A_1093 = vector.load %arg6[%swap3A_1091, %swap3A_1092] : memref<512x128xf32, #tpu.memory_space<vmem>>, vector<512x128xf32>
    tpu.vector_store %arg6[%swap3A_1091, %swap3A_1092], %select_n3A_1090 {strides = array<i32>} : memref<512x128xf32, #tpu.memory_space<vmem>>, vector<512x128xf32>,
    %get3A_1094 = arith.constant 0 : index
    %get3A_1095 = arith.constant 0 : index
    %get3A_1096 = vector.load %arg7[%get3A_1094, %get3A_1095] : memref<512x128xi32, #tpu.memory_space<vmem>>, vector<512x128xi32>
    %select_n3A_1097 = arith.select %lt3A_1089, %select_n3A_1085, %get3A_1096 : vector<512x128xi1>, vector<512x128xi32>
    %swap3A_1098 = arith.constant 0 : index
    %swap3A_1099 = arith.constant 0 : index
    %swap3A_1100 = vector.load %arg7[%swap3A_1098, %swap3A_1099] : memref<512x128xi32, #tpu.memory_space<vmem>>, vector<512x128xi32>
    tpu.vector_store %arg7[%swap3A_1098, %swap3A_1099], %select_n3A_1097 {strides = array<i32>} : memref<512x128xi32, #tpu.memory_space<vmem>>, vector<512x128xi32>,
    %get3A_1101 = arith.constant 0 : index
    %get3A_1102 = arith.constant 0 : index
    %get3A_1103 = vector.load %arg6[%get3A_1101, %get3A_1102] : memref<512x128xf32, #tpu.memory_space<vmem>>, vector<512x128xf32>
    %get3A_1104 = arith.constant 0 : index
    %get3A_1105 = arith.constant 0 : index
    %get3A_1106 = vector.load %arg7[%get3A_1104, %get3A_1105] : memref<512x128xi32, #tpu.memory_space<vmem>>, vector<512x128xi32>
    %iota3A = tpu.iota {dimensions = array<i32: 1>} : vector<512x128xi32>
    %mul3A_1107 = arith.constant 128 : i32
    %mul3A_1108 = vector.broadcast %mul3A_1107 : i32 to vector<512x128xi32>
    %mul3A_1109 = arith.muli %get3A_1106, %mul3A_1108 : vector<512x128xi32>
    %add3A_1110 = arith.addi %mul3A_1109, %iota3A : vector<512x128xi32>
    %reduce_min3A = arith.constant dense<0x7F800000> : vector<512xf32>
    %reduce_min3A_1111 = vector.multi_reduction <minimumf>, %get3A_1103, %reduce_min3A [1] : vector<512x128xf32> to vector<512xf32>
    %broadcast_in_dim3A_1112 = vector.shape_cast %reduce_min3A_1111 : vector<512xf32> to vector<512x1xf32>
    %eq3A = vector.broadcast %broadcast_in_dim3A_1112 : vector<512x1xf32> to vector<512x128xf32>
    %eq3A_1113 = arith.cmpf oeq, %get3A_1103, %eq3A : vector<512x128xf32>
    %jit3A_1114 = arith.constant 1073741824 : i32
    %broadcast_in_dim3A_1115 = vector.broadcast %jit3A_1114 : i32 to vector<512x128xi32>
    %select_n3A_1116 = arith.select %eq3A_1113, %add3A_1110, %broadcast_in_dim3A_1115 : vector<512x128xi1>, vector<512x128xi32>
    %reduce_min3A_1117 = arith.constant dense<2147483647> : vector<512xi32>
    %reduce_min3A_1118 = vector.multi_reduction <minsi>, %select_n3A_1116, %reduce_min3A_1117 [1] : vector<512x128xi32> to vector<512xi32>
    %broadcast_in_dim3A_1119 = vector.shape_cast %reduce_min3A_1118 : vector<512xi32> to vector<512x1xi32>
    %swap3A_1120 = arith.constant 0 : index
    %swap3A_1121 = arith.constant 0 : index
    %swap3A_1122 = vector.load %arg5[%swap3A_1120, %swap3A_1121] : memref<512x1xi32, #tpu.memory_space<vmem>>, vector<512x1xi32>
    tpu.vector_store %arg5[%swap3A_1120, %swap3A_1121], %broadcast_in_dim3A_1119 {strides = array<i32>} : memref<512x1xi32, #tpu.memory_space<vmem>>, vector<512x1xi32>,
    return
  }
  func.func @transform_0(%arg0: i32) -> (i32, i32) {
    %c0_i32 = arith.constant 0 : i32
    %c0_i32_0 = arith.constant 0 : i32
    return %arg0, %c0_i32 : i32, i32
  }
  func.func @transform_1(%arg0: i32) -> (i32, i32) {
    %c0_i32 = arith.constant 0 : i32
    %c0_i32_0 = arith.constant 0 : i32
    %c0_i32_1 = arith.constant 0 : i32
    return %c0_i32, %c0_i32_0 : i32, i32
  }
  func.func @transform_2(%arg0: i32) -> (i32, i32) {
    %c0_i32 = arith.constant 0 : i32
    %c0_i32_0 = arith.constant 0 : i32
    return %arg0, %c0_i32 : i32, i32
  }
  func.func @transform_3(%arg0: i32) -> (i32, i32) {
    %c0_i32 = arith.constant 0 : i32
    %c0_i32_0 = arith.constant 0 : i32
    %c0_i32_1 = arith.constant 0 : i32
    return %c0_i32, %c0_i32_0 : i32, i32
  }
  func.func @transform_4(%arg0: i32) -> (i32, i32) {
    %c0_i32 = arith.constant 0 : i32
    %c0_i32_0 = arith.constant 0 : i32
    return %arg0, %c0_i32 : i32, i32
  }
}

</mosaic_0001>

<sc_bundles>
// kernel: kernel.4.cloned.1.call-start
scs
__scs_entry_jumppad:
0x0: {  	(pc) =	sbr.rel $0x88, $3  }
0x1: {  	(tag) =	ssettag $0x0;
	lr =	simm.s32 $0x1  }
0x2: {  	[smem:$0x3F9F] =	sst lr;
	_ =	strace $0xD0000000  }
0x3: {  	_ = 	snop  }
0x4: {  	_ = 	snop  }
0x5: {  	_ = 	snop  }
0x6: {  	_ = 	snop  }
0x7: {  	_ = 	snop  }
__scs_overlays_trampoline_lowered:
0x8: {  	[smem:$0x3FAE] =	sst s0  }
0x9: {  	[smem:$0x3FAF] =	sst s1  }
0xa: {  	[smem:$0x3FB0] =	sst s2  }
0xb: {  	[smem:$0x3FB1] =	sst s3  }
0xc: {  	[smem:$0x3FB2] =	sst s4  }
0xd: {  	[smem:$0x3FB3] =	sst s5  }
0xe: {  	[smem:$0x3FB4] =	sst s6  }
0xf: {  	[smem:$0x3FB5] =	sst s7  }
0x10: {  	[smem:$0x3FB6] =	sst s8  }
0x11: {  	[smem:$0x3FB7] =	sst s9;
	s0 =	simm.s32 @!p0 $0x0  }
0x12: {  	s1 =	sld [smem:$0x3F9D];
	s0 =	simm.s32 @p0 $0x1  }
0x13: {  	[smem:$0x3FB8] =	sst s0;
	s0 =	simm.s32 @!p1 $0x0  }
0x14: {  	s2 =	sld [smem:$0x3F9C];
	s0 =	simm.s32 @p1 $0x1  }
0x15: {  	[smem:$0x3FB9] =	sst s0;
	s0 =	simm.s32 @!p2 $0x0  }
0x16: {  	s3 =	sld [smem:$0x3FDB];
	s0 =	simm.s32 @p2 $0x1  }
0x17: {  	s4 =	simm.s32 $0x1BF5;
	[smem:$0x3FBB] =	sst s0  }
0x18: {  	s0 =	sld [smem:$0x3F9E];
	_ =	swait.ge [sflag:s4], $0x0  }
0x19: {  	s7 =	sld [smem:$0x3F9F]  }
0x1a: {  	s8 =	sadd.s32 $0xFFFFE003, lr  }
0x1b: {  	s9 =	sadd.s32 $0xFFFFFEF7, lr;
	s5 =	simm.s32 $0xFFFFFFFF;
	p2 =	slt.u32 s8, $0xFFFFF086  }
0x1c: {  	p1 =	slt.u32 s9, $0xF7A;
	s5 =	simm.s32 @!p2 $0x0  }
0x1d: {  	s5 =	simm.s32 @p1 $0x1;
	p0 =	seq.s32 s7, s2  }
0x1e: {  	s7 =	smul.u32 @!p0 $0xF7A, s2;
	p2 =	seq.s32 @!p0 s5, $0x0  }
0x1f: {  	s9 =	smul.u32 $0xF7A, s1;
	s8 =	simm.s32 @!p0 $0x1BF5;
	p2 =	por !p2, p0  }
0x20: {  	[sflag:s8] =	ssyncset.s32 @!p0 $0xFFFFF086;
	s6 =	sadd.s32 @!p0 s3, s7;
	s7 =	simm.s32 @!p0 $0x108  }
0x21: {  	s3 =	sadd.s32 s3, s9;
	s6 =	sadd.s32 @!p0 $0x88, s6;
	s7 =	simm.s32 @p2 $0x1082  }
0x22: {  	[simem:s7], [sflag:s8] =	dma.local @!p0 [hbm:s6], $0xF7A  }
0x23: {  	s9 =	sor.u32 $0xD0000000, s2;
	s6 =	simm.s32 $0x108;
	_ =	swait.ge @!p0 [sflag:s8], $0x0  }
0x24: {  	s3 =	sadd.s32 $0x88, s3;
	s6 =	simm.s32 @!p1 $0x1082;
	[sflag:s4] =	ssyncset.s32 $0xFFFFF086  }
0x25: {  	[simem:s6], [sflag:s4] =	dma.local [hbm:s3], $0xF7A  }
0x26: {  	[smem:$0x3F9F] =	sst s1;
	(tag) =	ssettag s2;
	_ =	strace s9  }
0x27: {  	s1 =	sld [smem:$0x3FAF]  }
0x28: {  	s2 =	sld [smem:$0x3FB0]  }
0x29: {  	s4 =	sld [smem:$0x3FB2]  }
0x2a: {  	p0 =	seq.s32 s5, $0x0;
	s5 =	sld [smem:$0x3FB3]  }
0x2b: {  	s6 =	sld [smem:$0x3FB4]  }
0x2c: {  	s7 =	sld [smem:$0x3FB5]  }
0x2d: {  	s3 =	simm.s32 $0x108;
	s8 =	sld [smem:$0x3FB6]  }
0x2e: {  	s3 =	simm.s32 @!p0 $0x1082;
	s9 =	sld [smem:$0x3FB7]  }
0x2f: {  	lr =	sadd.s32 s0, s3;
	s0 =	sld [smem:$0x3FAE]  }
0x30: {  	s3 =	sld [smem:$0x3FB1]  }
0x31: {  	[smem:$0x3FBA] =	sst s10  }
0x32: {  	s10 =	sld [smem:$0x3FB8];
	_ =	sdelay $0x3  }
0x33: {  	p0 =	seq.s32 s10, $0x1;
	s10 =	sld [smem:$0x3FBA];
	_ =	sdelay $0x3  }
0x34: {  	[smem:$0x3FBA] =	sst s10  }
0x35: {  	s10 =	sld [smem:$0x3FB9];
	_ =	sdelay $0x3  }
0x36: {  	p1 =	seq.s32 s10, $0x1;
	s10 =	sld [smem:$0x3FBA];
	_ =	sdelay $0x3  }
0x37: {  	[smem:$0x3FBA] =	sst s10  }
0x38: {  	s10 =	sld [smem:$0x3FBB]  }
0x39: {  	_ = 	snop;
	(pc) =	sbr.ind lr, $3  }
0x3a: {  	_ = 	snop  }
0x3b: {  	_ = 	snop  }
0x3c: {  	p2 =	seq.s32 s10, $0x1;
	s10 =	sld [smem:$0x3FBA]  }
0x3d: {  	_ =	shalt  }
0x3e: {  	_ =	shalt  }
0x3f: {  	_ =	shalt  }
0x40: {  	_ =	shalt  }
0x41: {  	_ =	shalt  }
0x42: {  	_ =	shalt  }
0x43: {  	_ =	shalt  }
0x44: {  	_ =	shalt  }
0x45: {  	_ =	shalt  }
0x46: {  	_ =	shalt  }
0x47: {  	_ =	shalt  }
0x48: {  	_ =	shalt  }
0x49: {  	_ =	shalt  }
0x4a: {  	_ =	shalt  }
0x4b: {  	_ =	shalt  }
0x4c: {  	_ =	shalt  }
0x4d: {  	_ =	shalt  }
0x4e: {  	_ =	shalt  }
0x4f: {  	_ =	shalt  }
0x50: {  	_ =	shalt  }
0x51: {  	_ =	shalt  }
0x52: {  	_ =	shalt  }
0x53: {  	_ =	shalt  }
0x54: {  	_ =	shalt  }
0x55: {  	_ =	shalt  }
0x56: {  	_ =	shalt  }
0x57: {  	_ =	shalt  }
0x58: {  	_ =	shalt  }
0x59: {  	_ =	shalt  }
0x5a: {  	_ =	shalt  }
0x5b: {  	_ =	shalt  }
0x5c: {  	_ =	shalt  }
0x5d: {  	_ =	shalt  }
0x5e: {  	_ =	shalt  }
0x5f: {  	_ =	shalt  }
0x60: {  	_ =	shalt  }
0x61: {  	_ =	shalt  }
0x62: {  	_ =	shalt  }
0x63: {  	_ =	shalt  }
0x64: {  	_ =	shalt  }
0x65: {  	_ =	shalt  }
0x66: {  	_ =	shalt  }
0x67: {  	_ =	shalt  }
0x68: {  	_ =	shalt  }
0x69: {  	_ =	shalt  }
0x6a: {  	_ =	shalt  }
0x6b: {  	_ =	shalt  }
0x6c: {  	_ =	shalt  }
0x6d: {  	_ =	shalt  }
0x6e: {  	_ =	shalt  }
0x6f: {  	_ =	shalt  }
0x70: {  	_ =	shalt  }
0x71: {  	_ =	shalt  }
0x72: {  	_ =	shalt  }
0x73: {  	_ =	shalt  }
0x74: {  	_ =	shalt  }
0x75: {  	_ =	shalt  }
0x76: {  	_ =	shalt  }
0x77: {  	_ =	shalt  }
0x78: {  	_ =	shalt  }
0x79: {  	_ =	shalt  }
0x7a: {  	_ =	shalt  }
0x7b: {  	_ =	shalt  }
0x7c: {  	_ =	shalt  }
0x7d: {  	_ =	shalt  }
0x7e: {  	_ =	shalt  }
0x7f: {  	_ =	shalt  }
0x80: {  	_ =	shalt  }
0x81: {  	_ =	shalt  }
0x82: {  	_ =	shalt  }
0x83: {  	_ =	shalt  }
0x84: {  	_ =	shalt  }
0x85: {  	_ =	shalt  }
0x86: {  	_ =	shalt  }
0x87: {  	_ =	shalt  }
.Lfunc_end0:
.L_simem_size_0:
called_computation_lowered:
.L_overlay_start_0:
0x88: {  	s2 =	sld [smem:$0x3FD9]  }
0x89: {  	s3 =	sld [smem:$0x3FFE];
	_ =	sdelay $0x1  }
0x8a: {  	s1 =	srdreg.scid  }
0x8b: {  	s0 =	sand.u32 $0x1, s1  }
0x8c: {  	s14 =	sshll.u32 s0, $0xA;
	s2 =	sadd.s32 s3, s2  }
0x8d: {  	s2 =	sadd.s32 s2, s14  }
0x8e: {  	[smem:$0x3FC6] =	sst s2  }
0x8f: {  	_ = 	snop  }
0x90: {  	s2 =	sld [smem:$0x3FD0];
	_ =	sdelay $0x1  }
0x91: {  	s15 =	sld [smem:$0x3FC9]  }
0x92: {  	s5 =	simm.s32 $0xA;
	s6 =	simm.s32 $0x10;
	s4 =	sld [smem:$0x3FC8]  }
0x93: {  	[smem:s6], [sflag:s5] =	dma.local [hbm:s2], $0x1  }
0x94: {  	_ =	swait.eq [sflag:s5], $0x1  }
0x95: {  	[sflag:s5] =	ssyncset.done $0x0  }
0x96: {  	[sflag:s5] =	ssyncadd.s32 $0xFFFFFFFF  }
0x97: {  	s16 =	sld [smem:$0x10];
	(tm) =	ssettm $0x1  }
0x98: {  	s17 =	sld [smem:$0x3FFB];
	_ =	sdelay $0x3  }
0x99: {  	_ =	strace s17  }
0x9a: {  	s5 =	sld [smem:$0x3FFC];
	_ =	sdelay $0x3  }
0x9b: {  	_ =	strace s5  }
0x9c: {  	s5 =	sld [smem:$0x3FFD];
	_ =	sdelay $0x3  }
0x9d: {  	_ =	strace s5  }
0x9e: {  	_ =	strace $0x8FFFFFFF  }
0x9f: {  	s18 =	sld [smem:$0x3FDB];
	_ =	sdelay $0x1  }
0xa0: {  	s19 =	simm.s32 $_scs_section_size  }
0xa1: {  	s7 =	simm.s32 $_size__tile_overlayer_lowered;
	s8 =	simm.s32 $_tile_overlayer_lowered  }
0xa2: {  	s22 =	simm.s32 $0x1BFF;
	s21 =	sshll.u32 s8, $0x1;
	s5 =	sadd.s32 s19, s18  }
0xa3: {  	s9 =	simm.s32 $0x0;
	s20 =	sshll.u32 s7, $0x1;
	s7 =	sadd.s32 s21, s5  }
0xa4: {  	[timem:s9], [sflag:s22] =	dma.local [hbm:s7], s20  }
0xa5: {  	_ =	swait.ge [sflag:s22], s20  }
0xa6: {  	s6 =	ssub.s32 $0x0, s20;
	[sflag:s22] =	ssyncset.done $0x0  }
0xa7: {  	[sflag:s22] =	ssyncadd.s32 s6;
	_ =	sdelay $0x1  }
0xa8: {  	s23 =	simm.s32 $0x1B8B  }
0xa9: {  	_ =	swait.ge [sflag:s23], $0x1  }
0xaa: {  	[sflag:s23] =	ssyncset.done $0x0  }
0xab: {  	s25 =	simm.s32 $0x1B8E;
	s24 =	sld [smem:$0x3FFE];
	[sflag:s23] =	ssyncadd.s32 $0xFFFFFFFF  }
0xac: {  	s26 =	simm.s32 $execute0_lowered;
	[smem:$0x3FD2] =	sst s25  }
0xad: {  	s7 =	sshll.u32 s26, $0x1;
	_ =	strace $0x80000046;
	[dreg:$0x1] =	wrdreg $0xFFFFFFFF  }
0xae: {  	s28 =	simm.s32 $_size_execute0_lowered;
	s5 =	sadd.s32 s5, s7;
	[dreg:$0x0] =	wrdreg $0x0  }
0xaf: {  	s7 =	sshll.u32 s28, $0x1;
	[dreg:$0x2] =	wrdreg s5  }
0xb0: {  	[dreg:$0x3] =	wrdreg s7  }
0xb1: {  	[dreg:$0x4] =	wrdreg $0xC0  }
0xb2: {  	_ =	task [dreg:s9], $0x5FFFF  }
0xb3: {  	[dreg:$0x1] =	wrdreg $0xFFFFFFFF  }
0xb4: {  	[dreg:$0x0] =	wrdreg $0x60  }
0xb5: {  	[dreg:$0x2] =	wrdreg s4  }
0xb6: {  	[dreg:$0x3] =	wrdreg s24  }
0xb7: {  	[dreg:$0x4] =	wrdreg s15  }
0xb8: {  	[dreg:$0x5] =	wrdreg s16  }
0xb9: {  	[dreg:$0x6] =	wrdreg $0x9  }
0xba: {  	_ =	task.clear_ibuf [dreg:s9], $0x7FFFF;
	_ =	strace $0x90000046  }
0xbb: {  	s29 =	simm.s32 $0x9;
	_ =	strace $0x80000048  }
0xbc: {  	_ =	swait.ge [sflag:s29], $0x1  }
0xbd: {  	[sflag:s29] =	ssyncadd.s32 $0xFFFFFFFF  }
0xbe: {  	_ =	strace $0x90000048  }
0xbf: {  	_ =	sfence  }
0xc0: {  	s30 =	sld [smem:$0x0];
	_ =	sdelay $0x2  }
0xc1: {  	s31 =	sshll.u32 s1, $0xD;
	s1 =	sshrl.u32 s1, $0x2  }
0xc2: {  	s3 =	sand.u32 $0x4000, s31;
	s1 =	sadd.s32 s1, s30  }
0xc3: {  	s0 =	sor.u32 s3, s0;
	s1 =	sshll.u32 s1, $0x11  }
0xc4: {  	s0 =	sor.u32 s1, s0  }
0xc5: {  	s0 =	sadd.s32 $0x8F2B, s0  }
0xc6: {  	[sflag:s0] =	ssyncadd.remote.s32 $0x1  }
0xc7: {  	_ =	sfence.sel $0xFFFF  }
0xc8: {  	[dreg:$0x0] =	wrdreg $0xFFFFFFFF;
	(pc) =	sbr.abs _section_cstart, $3  }
0xc9: {  	[dreg:$0x1] =	wrdreg $0xFFFFFFFF  }
0xca: {  	_ =	task.clear_ibuf [dreg:s9], $0x2FFFF;
	_ =	strace $0x9FFFFFFF  }
0xcb: {  	(tm) =	ssettm $0x7FFFFFFF  }
tec
execute0_lowered:
.L_overlay_start_1:
0x0: {  	(tag) =	ssettag $0x1  }
0x1: {  	s1 =	rddreg [dreg:$0x0]  }
0x2: {  	s0 =	rddreg [dreg:$0x1]  }
0x3: {  	s2 =	rddreg [dreg:$0x2]  }
0x4: {  	s3 =	srdreg.scid;
	s6 =	stileid.u32  }
0x5: {  	s4 =	rddreg [dreg:$0x3];
	s12 =	simm.s32 $0x2;
	s13 =	simm.s32 $0x80  }
0x6: {  	s17 =	simm.s32 $0x2080;
	s18 =	simm.s32 $0x2880;
	s19 =	simm.s32 $0x3080  }
0x7: {  	s20 =	simm.s32 $0x3880;
	s21 =	simm.s32 $0x4080;
	s22 =	simm.s32 $0x4880  }
0x8: {  	s28 =	simm.s32 $0x7080;
	s29 =	simm.s32 $0x7880;
	s30 =	simm.s32 $0x1  }
0x9: {  	s5 =	sand.u32 $0x1, s3;
	s6 =	sshll.u32 s6, $0x1;
	s3 =	simm.s32 $0x0  }
0xa: {  	s31 =	simm.s32 $0x8080;
	s6 =	sor.u32 s5, s6;
	[smem:$0x7FF] =	sst s3  }
0xb: {  	s5 =	ssub.s32 $0x2, s5;
	s7 =	sshll.u32 s6, $0x4;
	_ =	strace $0x80000047  }
0xc: {  	s23 =	sshrl.u32 s5, $0x1;
	s24 =	sshll.u32 s6, $0x8;
	s8 =	sshll.u32 s6, $0x5  }
0xd: {  	s6 =	sshll.u32 s6, $0xD;
	s10 =	sadd.s32 s7, s0;
	s5 =	ssub.s32 s5, s23  }
0xe: {  	s8 =	sadd.s32 s0, s8;
	s7 =	sor.u32 $0x80, s24;
	s25 =	sadd.s32 s2, s6  }
0xf: {  	s6 =	sadd.s32 s4, s6;
	s23 =	simm.s32 $0x5080;
	[dreg:$0x5] =	wrdreg s8  }
0x10: {  	s24 =	simm.s32 $0x5880;
	[dreg:$0x6] =	wrdreg s25;
	s26 =	sshrl.u32 s7, $0x3  }
0x11: {  	v2 =	vlaneseq.u32;
	s9 =	sshll.u32 s7, $0x5;
	s10 =	sadd.s32 $0x400, s10;
	s11 =	smax.u32 s5, $0x1  }
0x12: {  	vm0 =	vmmov $0xffff;
	v1 =	vshrl.u32 v2, $0x3;
	s25 =	simm.s32 $0x6080;
	s7 =	sadd.s32 s0, s26;
	s8 =	sadd.s32 s2, s9  }
0x13: {  	v0 =	vand.u32 $0x7, v2;
	v2 =	vor.u32 $0x8, v2;
	v1 =	vmul.u32 $0x8, v1;
	s9 =	sadd.s32 s4, s9;
	s26 =	simm.s32 $0x6880;
	s0 =	simm.s32 $0x0  }
.LBB2_1:
0x14: {  	s2 =	rddreg [dreg:$0x5]  }
0x15: {  	[tilespmem:s3], [sflag:$0x2] =	stream.linear.gather [hbm4b:s2+s3], $0x80, $0x38;
	[tilespmem:$0x10100] =	vst v63  }
0x16: {  	_ =	swait.ge [sflag:s12], $0x80  }
0x17: {  	[sflag:s12] =	ssyncset.done $0x0  }
0x18: {  	[sflag:s12] =	ssyncadd.s32 $0xFFFFFF80  }
0x19: {  	v3 =	vld [tilespmem:$0x0];
	_ =	sdelay $0x4  }
0x1a: {  	v4 =	vshll.u32 v3, $0x1  }
0x1b: {  	v3 =	vand.u32 $0x7, v3;
	v4 =	vand.u32 $0xFFFFFFF0, v4  }
0x1c: {  	v3 =	vor.u32 v3, v4  }
0x1d: {  	v4 =	vperm.xlane v3, v0;
	_ =	sdelay $0x1  }
0x1e: {  	v3 =	vperm.xlane v3, v2;
	v4 =	vadd.s32 v1, v4;
	_ =	sdelay $0x1  }
0x1f: {  	v3 =	vadd.s32 v1, v3;
	_ =	sdelay $0x2  }
0x20: {  	[tilespmem:s13], [sflag:$0x1] =	stream.indirect_vreg.gather [hbm4b:s1+s3], $0x80, v4, vm0, $0xb8;
	[tilespmem:$0x10100] =	vst v63  }
0x21: {  	s4 =	simm.s32 $0x880  }
0x22: {  	[tilespmem:s4], [sflag:$0x1] =	stream.indirect_vreg.gather [hbm4b:s1+s3], $0x80, v3, vm0, $0xb8;
	[tilespmem:$0x10100] =	vst v63  }
0x23: {  	v3 =	vld [tilespmem:$0x10];
	_ =	sdelay $0x4  }
0x24: {  	v4 =	vshll.u32 v3, $0x1  }
0x25: {  	v3 =	vand.u32 $0x7, v3;
	v4 =	vand.u32 $0xFFFFFFF0, v4  }
0x26: {  	v3 =	vor.u32 v3, v4  }
0x27: {  	v4 =	vperm.xlane v3, v0;
	_ =	sdelay $0x1  }
0x28: {  	v3 =	vperm.xlane v3, v2;
	v4 =	vadd.s32 v1, v4;
	_ =	sdelay $0x1  }
0x29: {  	v3 =	vadd.s32 v1, v3;
	_ =	sdelay $0x1  }
0x2a: {  	s5 =	simm.s32 $0x1080  }
0x2b: {  	[tilespmem:s5], [sflag:$0x1] =	stream.indirect_vreg.gather [hbm4b:s1+s3], $0x80, v4, vm0, $0xb8;
	[tilespmem:$0x10100] =	vst v63  }
0x2c: {  	s14 =	simm.s32 $0x1880  }
0x2d: {  	[tilespmem:s14], [sflag:$0x1] =	stream.indirect_vreg.gather [hbm4b:s1+s3], $0x80, v3, vm0, $0xb8;
	[tilespmem:$0x10100] =	vst v63  }
0x2e: {  	v3 =	vld [tilespmem:$0x20];
	_ =	sdelay $0x4  }
0x2f: {  	v4 =	vshll.u32 v3, $0x1  }
0x30: {  	v3 =	vand.u32 $0x7, v3;
	v4 =	vand.u32 $0xFFFFFFF0, v4  }
0x31: {  	v3 =	vor.u32 v3, v4  }
0x32: {  	v4 =	vperm.xlane v3, v0;
	_ =	sdelay $0x1  }
0x33: {  	v3 =	vperm.xlane v3, v2;
	v4 =	vadd.s32 v1, v4;
	_ =	sdelay $0x1  }
0x34: {  	v3 =	vadd.s32 v1, v3;
	_ =	sdelay $0x2  }
0x35: {  	[tilespmem:s17], [sflag:$0x1] =	stream.indirect_vreg.gather [hbm4b:s1+s3], $0x80, v4, vm0, $0xb8;
	[tilespmem:$0x10100] =	vst v63  }
0x36: {  	_ = 	snop  }
0x37: {  	[tilespmem:s18], [sflag:$0x1] =	stream.indirect_vreg.gather [hbm4b:s1+s3], $0x80, v3, vm0, $0xb8;
	[tilespmem:$0x10100] =	vst v63  }
0x38: {  	v3 =	vld [tilespmem:$0x30];
	_ =	sdelay $0x4  }
0x39: {  	v4 =	vshll.u32 v3, $0x1  }
0x3a: {  	v3 =	vand.u32 $0x7, v3;
	v4 =	vand.u32 $0xFFFFFFF0, v4  }
0x3b: {  	v3 =	vor.u32 v3, v4  }
0x3c: {  	v4 =	vperm.xlane v3, v0;
	_ =	sdelay $0x1  }
0x3d: {  	v3 =	vperm.xlane v3, v2;
	v4 =	vadd.s32 v1, v4;
	_ =	sdelay $0x1  }
0x3e: {  	v3 =	vadd.s32 v1, v3;
	_ =	sdelay $0x2  }
0x3f: {  	[tilespmem:s19], [sflag:$0x1] =	stream.indirect_vreg.gather [hbm4b:s1+s3], $0x80, v4, vm0, $0xb8;
	[tilespmem:$0x10100] =	vst v63  }
0x40: {  	_ = 	snop  }
0x41: {  	[tilespmem:s20], [sflag:$0x1] =	stream.indirect_vreg.gather [hbm4b:s1+s3], $0x80, v3, vm0, $0xb8;
	[tilespmem:$0x10100] =	vst v63  }
0x42: {  	v3 =	vld [tilespmem:$0x40];
	_ =	sdelay $0x4  }
0x43: {  	v4 =	vshll.u32 v3, $0x1  }
0x44: {  	v3 =	vand.u32 $0x7, v3;
	v4 =	vand.u32 $0xFFFFFFF0, v4  }
0x45: {  	v3 =	vor.u32 v3, v4  }
0x46: {  	v4 =	vperm.xlane v3, v0;
	_ =	sdelay $0x1  }
0x47: {  	v3 =	vperm.xlane v3, v2;
	v4 =	vadd.s32 v1, v4;
	_ =	sdelay $0x1  }
0x48: {  	v3 =	vadd.s32 v1, v3;
	_ =	sdelay $0x2  }
0x49: {  	[tilespmem:s21], [sflag:$0x1] =	stream.indirect_vreg.gather [hbm4b:s1+s3], $0x80, v4, vm0, $0xb8;
	[tilespmem:$0x10100] =	vst v63  }
0x4a: {  	_ = 	snop  }
0x4b: {  	[tilespmem:s22], [sflag:$0x1] =	stream.indirect_vreg.gather [hbm4b:s1+s3], $0x80, v3, vm0, $0xb8;
	[tilespmem:$0x10100] =	vst v63  }
0x4c: {  	v3 =	vld [tilespmem:$0x50];
	_ =	sdelay $0x4  }
0x4d: {  	v4 =	vshll.u32 v3, $0x1  }
0x4e: {  	v3 =	vand.u32 $0x7, v3;
	v4 =	vand.u32 $0xFFFFFFF0, v4  }
0x4f: {  	v3 =	vor.u32 v3, v4  }
0x50: {  	v4 =	vperm.xlane v3, v0;
	_ =	sdelay $0x1  }
0x51: {  	v3 =	vperm.xlane v3, v2;
	v4 =	vadd.s32 v1, v4;
	_ =	sdelay $0x1  }
0x52: {  	v3 =	vadd.s32 v1, v3;
	_ =	sdelay $0x2  }
0x53: {  	[tilespmem:s23], [sflag:$0x1] =	stream.indirect_vreg.gather [hbm4b:s1+s3], $0x80, v4, vm0, $0xb8;
	[tilespmem:$0x10100] =	vst v63  }
0x54: {  	_ = 	snop  }
0x55: {  	[tilespmem:s24], [sflag:$0x1] =	stream.indirect_vreg.gather [hbm4b:s1+s3], $0x80, v3, vm0, $0xb8;
	[tilespmem:$0x10100] =	vst v63  }
0x56: {  	v3 =	vld [tilespmem:$0x60];
	_ =	sdelay $0x4  }
0x57: {  	v4 =	vshll.u32 v3, $0x1  }
0x58: {  	v3 =	vand.u32 $0x7, v3;
	v4 =	vand.u32 $0xFFFFFFF0, v4  }
0x59: {  	v3 =	vor.u32 v3, v4  }
0x5a: {  	v4 =	vperm.xlane v3, v0;
	_ =	sdelay $0x1  }
0x5b: {  	v3 =	vperm.xlane v3, v2;
	v4 =	vadd.s32 v1, v4;
	_ =	sdelay $0x1  }
0x5c: {  	v3 =	vadd.s32 v1, v3;
	_ =	sdelay $0x2  }
0x5d: {  	[tilespmem:s25], [sflag:$0x1] =	stream.indirect_vreg.gather [hbm4b:s1+s3], $0x80, v4, vm0, $0xb8;
	[tilespmem:$0x10100] =	vst v63  }
0x5e: {  	_ = 	snop  }
0x5f: {  	[tilespmem:s26], [sflag:$0x1] =	stream.indirect_vreg.gather [hbm4b:s1+s3], $0x80, v3, vm0, $0xb8;
	[tilespmem:$0x10100] =	vst v63  }
0x60: {  	v3 =	vld [tilespmem:$0x70];
	_ =	sdelay $0x4  }
0x61: {  	v4 =	vshll.u32 v3, $0x1  }
0x62: {  	v3 =	vand.u32 $0x7, v3;
	v4 =	vand.u32 $0xFFFFFFF0, v4  }
0x63: {  	v3 =	vor.u32 v3, v4  }
0x64: {  	v4 =	vperm.xlane v3, v0;
	_ =	sdelay $0x1  }
0x65: {  	v3 =	vperm.xlane v3, v2;
	v4 =	vadd.s32 v1, v4;
	_ =	sdelay $0x1  }
0x66: {  	v3 =	vadd.s32 v1, v3;
	_ =	sdelay $0x2  }
0x67: {  	[tilespmem:s28], [sflag:$0x1] =	stream.indirect_vreg.gather [hbm4b:s1+s3], $0x80, v4, vm0, $0xb8;
	[tilespmem:$0x10100] =	vst v63  }
0x68: {  	_ = 	snop  }
0x69: {  	[tilespmem:s29], [sflag:$0x1] =	stream.indirect_vreg.gather [hbm4b:s1+s3], $0x80, v3, vm0, $0xb8;
	[tilespmem:$0x10100] =	vst v63  }
0x6a: {  	_ =	swait.ge [sflag:s30], $0x8000  }
0x6b: {  	[sflag:s30] =	ssyncset.done $0x0  }
0x6c: {  	s15 =	rddreg [dreg:$0x6];
	[sflag:s30] =	ssyncadd.s32 $0xFFFF8000  }
0x6d: {  	[tilespmem:s31], [sflag:$0x2] =	stream.linear.gather [hbm4b:s15+s3], $0x8000, $0x38;
	[tilespmem:$0x10100] =	vst v63  }
0x6e: {  	_ =	swait.ge [sflag:s12], $0x8000  }
0x6f: {  	s16 =	sand.u32 $0x7800, s3;
	s4 =	sand.u32 $0x380, s3;
	[sflag:s12] =	ssyncset.done $0x0  }
0x70: {  	s2 =	sor.u32 s4, s16;
	[sflag:s12] =	ssyncadd.s32 $0xFFFF8000  }
0x71: {  	v3 =	vld [tilespmem:s2+$0x80]  }
0x72: {  	v4 =	vld [tilespmem:s2+$0x8080]  }
0x73: {  	v5 =	vld [tilespmem:s2+$0x90]  }
0x74: {  	v6 =	vld [tilespmem:s2+$0x8090]  }
0x75: {  	v7 =	vld [tilespmem:s2+$0xA0]  }
0x76: {  	v8 =	vld [tilespmem:s2+$0x80A0]  }
0x77: {  	v9 =	vld [tilespmem:s2+$0xB0];
	v3 =	vsub.f32 v3, v4  }
0x78: {  	v10 =	vld [tilespmem:s2+$0x80B0]  }
0x79: {  	v11 =	vld [tilespmem:s2+$0xC0];
	v5 =	vsub.f32 v5, v6;
	v4 =	vadd.f32 v3, v4  }
0x7a: {  	v12 =	vld [tilespmem:s2+$0x80C0];
	v3 =	vmul.f32 v3, v3  }
0x7b: {  	v13 =	vimm.f32 $0.0e+00;
	[tilespmem:s2+$0x80] =	vst v4;
	v4 =	vadd.f32 v5, v6;
	v6 =	vld [tilespmem:s2+$0xD0]  }
0x7c: {  	v7 =	vsub.f32 v7, v8;
	v5 =	vmul.f32 v5, v5;
	v3 =	vadd.f32 v3, v13;
	v13 =	vld [tilespmem:s2+$0x80D0]  }
0x7d: {  	[tilespmem:s2+$0x90] =	vst v4;
	v4 =	vsub.f32 v9, v10;
	v9 =	vld [tilespmem:s2+$0xE0]  }
0x7e: {  	v8 =	vadd.f32 v7, v8;
	v3 =	vadd.f32 v5, v3;
	v5 =	vmul.f32 v7, v7;
	v7 =	vld [tilespmem:s2+$0x80E0]  }
0x7f: {  	v14 =	vld [tilespmem:s2+$0xF0];
	v11 =	vsub.f32 v11, v12  }
0x80: {  	v10 =	vadd.f32 v4, v10;
	v4 =	vmul.f32 v4, v4;
	v3 =	vadd.f32 v5, v3;
	v5 =	vld [tilespmem:s2+$0x80F0]  }
0x81: {  	[tilespmem:s2+$0xA0] =	vst v8;
	v8 =	vadd.f32 v11, v12;
	v12 =	vld [tilespmem:s2+$0x8480];
	v6 =	vsub.f32 v6, v13  }
0x82: {  	v11 =	vmul.f32 v11, v11;
	[tilespmem:s2+$0xB0] =	vst v10;
	v10 =	vld [tilespmem:s2+$0x480];
	v3 =	vadd.f32 v4, v3  }
0x83: {  	[tilespmem:s2+$0xC0] =	vst v8;
	v4 =	vadd.f32 v6, v13;
	v8 =	vsub.f32 v9, v7;
	v9 =	vld [tilespmem:s2+$0x490]  }
0x84: {  	v6 =	vmul.f32 v6, v6;
	v3 =	vadd.f32 v11, v3;
	v11 =	vld [tilespmem:s2+$0x8490]  }
0x85: {  	v13 =	vld [tilespmem:s2+$0x4A0];
	[tilespmem:s2+$0xD0] =	vst v4;
	v4 =	vadd.f32 v8, v7;
	v7 =	vsub.f32 v14, v5  }
0x86: {  	v8 =	vmul.f32 v8, v8;
	v14 =	vld [tilespmem:s2+$0x4B0];
	v3 =	vadd.f32 v6, v3  }
0x87: {  	v6 =	vld [tilespmem:s2+$0x84A0];
	v5 =	vadd.f32 v7, v5;
	v10 =	vsub.f32 v10, v12  }
0x88: {  	[tilespmem:s2+$0xE0] =	vst v4;
	v7 =	vmul.f32 v7, v7;
	v4 =	vld [tilespmem:s2+$0x84B0];
	v3 =	vadd.f32 v8, v3  }
0x89: {  	v8 =	vld [tilespmem:s2+$0x84C0];
	[tilespmem:s2+$0xF0] =	vst v5;
	v5 =	vadd.f32 v10, v12;
	v12 =	vsub.f32 v9, v11  }
0x8a: {  	v9 =	vld [tilespmem:s2+$0x4C0];
	v10 =	vmul.f32 v10, v10;
	v3 =	vadd.f32 v7, v3  }
0x8b: {  	[tilespmem:s2+$0x480] =	vst v5;
	v5 =	vadd.f32 v12, v11;
	v11 =	vld [tilespmem:s2+$0x4D0]  }
0x8c: {  	v15 =	vsub.f32 v13, v6;
	v12 =	vmul.f32 v12, v12;
	v13 =	vld [tilespmem:s2+$0x4E0];
	v16 =	vadd.f32 v10, v3  }
0x8d: {  	v10 =	vld [tilespmem:s2+$0x84D0];
	v3 =	vsub.f32 v14, v4  }
0x8e: {  	s4 =	simm.s32 $0x80;
	s14 =	simm.s32 $0x100;
	[tilespmem:s2+$0x490] =	vst v5;
	v7 =	vadd.f32 v15, v6;
	v5 =	vmul.f32 v15, v15;
	v6 =	vadd.f32 v12, v16;
	v12 =	vld [tilespmem:s2+$0x84E0]  }
.LBB2_2:
0x8f: {  	s5 =	smov.u32 s14  }
0x90: {  	s15 =	sand.u32 $0x7800, s14;
	s16 =	sand.u32 $0x380, s4;
	v14 =	vmul.f32 v3, v3;
	v9 =	vsub.f32 v9, v8;
	v15 =	vld [tilespmem:s2+$0x4F0];
	s5 =	sadd.s32 $0x100, s14  }
0x91: {  	p0 =	sne.s32 s14, $0x7F00;
	s15 =	sor.u32 s16, s15;
	v5 =	vadd.f32 v5, v6;
	v6 =	vld [tilespmem:s2+$0x84F0]  }
0x92: {  	v17 =	vmul.f32 v9, v9;
	v8 =	vadd.f32 v9, v8;
	v9 =	vsub.f32 v11, v10;
	v16 =	vld [tilespmem:s15+$0x80]  }
0x93: {  	v5 =	vadd.f32 v14, v5;
	v11 =	vld [tilespmem:s15+$0x8080]  }
0x94: {  	v14 =	vld [tilespmem:s15+$0x90];
	[tilespmem:s2+$0x4C0] =	vst v8;
	v8 =	vmul.f32 v9, v9;
	v9 =	vadd.f32 v9, v10;
	v10 =	vsub.f32 v13, v12  }
0x95: {  	v5 =	vadd.f32 v17, v5;
	v13 =	vld [tilespmem:s15+$0x8090]  }
0x96: {  	v17 =	vld [tilespmem:s15+$0xA0];
	[tilespmem:s2+$0x4D0] =	vst v9;
	v9 =	vmul.f32 v10, v10;
	v10 =	vadd.f32 v10, v12;
	v12 =	vsub.f32 v15, v6  }
0x97: {  	v5 =	vadd.f32 v8, v5;
	v15 =	vld [tilespmem:s15+$0x80A0]  }
0x98: {  	v8 =	vsub.f32 v16, v11;
	v16 =	vld [tilespmem:s15+$0xB0];
	[tilespmem:s2+$0x4E0] =	vst v10;
	v10 =	vmul.f32 v12, v12;
	v6 =	vadd.f32 v12, v6  }
0x99: {  	v5 =	vadd.f32 v9, v5;
	v12 =	vld [tilespmem:s15+$0x80B0]  }
0x9a: {  	v9 =	vmul.f32 v8, v8;
	v8 =	vadd.f32 v8, v11;
	v11 =	vsub.f32 v14, v13;
	v14 =	vld [tilespmem:s15+$0xC0];
	[tilespmem:s2+$0x4F0] =	vst v6  }
0x9b: {  	v5 =	vadd.f32 v10, v5;
	v6 =	vld [tilespmem:s15+$0x80C0]  }
0x9c: {  	[tilespmem:s15+$0x80] =	vst v8;
	v8 =	vmul.f32 v11, v11;
	v10 =	vadd.f32 v11, v13;
	v11 =	vld [tilespmem:s15+$0xD0]  }
0x9d: {  	v5 =	vadd.f32 v9, v5;
	v9 =	vsub.f32 v17, v15;
	v13 =	vld [tilespmem:s15+$0x80D0]  }
0x9e: {  	[tilespmem:s15+$0x90] =	vst v10;
	v10 =	vsub.f32 v16, v12;
	v16 =	vld [tilespmem:s15+$0xE0]  }
0x9f: {  	v5 =	vadd.f32 v8, v5;
	v8 =	vmul.f32 v9, v9;
	v9 =	vadd.f32 v9, v15;
	v15 =	vld [tilespmem:s15+$0x80E0]  }
0xa0: {  	v17 =	vmul.f32 v10, v10;
	v10 =	vadd.f32 v10, v12;
	v12 =	vsub.f32 v14, v6;
	v14 =	vld [tilespmem:s15+$0xF0]  }
0xa1: {  	v5 =	vadd.f32 v8, v5;
	[tilespmem:s15+$0xA0] =	vst v9;
	v8 =	vld [tilespmem:s15+$0x80F0]  }
0xa2: {  	[tilespmem:s15+$0xB0] =	vst v10;
	v9 =	vmul.f32 v12, v12;
	v6 =	vadd.f32 v12, v6;
	v10 =	vsub.f32 v11, v13;
	v11 =	vld [tilespmem:s15+$0x480]  }
0xa3: {  	v5 =	vadd.f32 v17, v5;
	v12 =	vld [tilespmem:s15+$0x8480]  }
0xa4: {  	[tilespmem:s15+$0xC0] =	vst v6;
	v6 =	vmul.f32 v10, v10;
	v10 =	vadd.f32 v10, v13;
	v13 =	vsub.f32 v16, v15;
	v16 =	vld [tilespmem:s15+$0x490]  }
0xa5: {  	v3 =	vadd.f32 v3, v4;
	v5 =	vadd.f32 v9, v5;
	v17 =	vld [tilespmem:s15+$0x8490];
	[tilespmem:s2+$0x4A0] =	vst v7  }
0xa6: {  	[tilespmem:s15+$0xD0] =	vst v10;
	v4 =	vmul.f32 v13, v13;
	v7 =	vadd.f32 v13, v15;
	v9 =	vsub.f32 v14, v8;
	v10 =	vld [tilespmem:s15+$0x4A0]  }
0xa7: {  	v5 =	vadd.f32 v6, v5;
	v6 =	vld [tilespmem:s15+$0x84A0];
	[tilespmem:s2+$0x4B0] =	vst v3;
	s2 =	smov.u32 s15  }
0xa8: {  	[tilespmem:s2+$0xE0] =	vst v7;
	v3 =	vmul.f32 v9, v9;
	v7 =	vadd.f32 v9, v8;
	v8 =	vsub.f32 v11, v12;
	v13 =	vld [tilespmem:s2+$0x4B0]  }
0xa9: {  	v5 =	vadd.f32 v4, v5;
	v4 =	vld [tilespmem:s2+$0x84B0]  }
0xaa: {  	[tilespmem:s2+$0xF0] =	vst v7;
	v7 =	vmul.f32 v8, v8;
	v11 =	vadd.f32 v8, v12;
	v12 =	vsub.f32 v16, v17;
	v9 =	vld [tilespmem:s2+$0x4C0]  }
.Ltmp0:
0xab: {  	v3 =	vadd.f32 v3, v5;
	v8 =	vld [tilespmem:s2+$0x84C0];
	(pc) =	sbr.rel @p0 .LBB2_2-.Ltmp0, $4  }
0xac: {  	[tilespmem:s2+$0x480] =	vst v11;
	v14 =	vmul.f32 v12, v12;
	v5 =	vadd.f32 v12, v17;
	v12 =	vsub.f32 v10, v6;
	v11 =	vld [tilespmem:s2+$0x4D0]  }
0xad: {  	v15 =	vadd.f32 v7, v3;
	v10 =	vld [tilespmem:s2+$0x84D0]  }
0xae: {  	[tilespmem:s2+$0x490] =	vst v5;
	v5 =	vmul.f32 v12, v12;
	v7 =	vadd.f32 v12, v6;
	v3 =	vsub.f32 v13, v4;
	v13 =	vld [tilespmem:s2+$0x4E0]  }
0xaf: {  	s4 =	sadd.s32 $0x80, s4;
	s14 =	smov.u32 s5;
	v6 =	vadd.f32 v14, v15;
	v12 =	vld [tilespmem:s2+$0x84E0]  }
0xb0: {  	v14 =	vld [tilespmem:s2+$0x4F0]  }
0xb1: {  	v15 =	vld [tilespmem:s2+$0x84F0];
	_ =	sdelay $0x1  }
0xb2: {  	v16 =	vsub.f32 v9, v8  }
0xb3: {  	v4 =	vadd.f32 v3, v4;
	v11 =	vsub.f32 v11, v10  }
0xb4: {  	[tilespmem:s2+$0x4A0] =	vst v7;
	v17 =	vadd.f32 v16, v8;
	v9 =	vsub.f32 v13, v12  }
0xb5: {  	[tilespmem:s2+$0x4B0] =	vst v4;
	v10 =	vadd.f32 v11, v10;
	v8 =	vsub.f32 v14, v15  }
0xb6: {  	[tilespmem:s2+$0x4C0] =	vst v17;
	v12 =	vadd.f32 v9, v12  }
0xb7: {  	[tilespmem:s2+$0x4D0] =	vst v10;
	v10 =	vadd.f32 v8, v15  }
0xb8: {  	[tilespmem:s2+$0x4E0] =	vst v12  }
0xb9: {  	s5 =	simm.s32 $0x0;
	[tilespmem:s2+$0x4F0] =	vst v10  }
0xba: {  	[hbm4b:s6+s5] =	stream.linear.scatter [tilespmem:s13], [sflag:$0x2], $0x8000, $0x38;
	[tilespmem:$0x10100] =	vst v63  }
0xbb: {  	_ =	swait.ge [sflag:s12], $0x8000  }
0xbc: {  	[sflag:s12] =	ssyncset.done $0x0  }
0xbd: {  	[sflag:s12] =	ssyncadd.s32 $0xFFFF8000  }
0xbe: {  	[tilespmem:s5], [sflag:$0x2] =	stream.linear.gather [hbm4b:s7+s5], $0x80, $0x38;
	[tilespmem:$0x10100] =	vst v63  }
0xbf: {  	_ =	swait.ge [sflag:s12], $0x80  }
0xc0: {  	[sflag:s12] =	ssyncset.done $0x0  }
0xc1: {  	[sflag:s12] =	ssyncadd.s32 $0xFFFFFF80  }
0xc2: {  	v4 =	vld [tilespmem:$0x0];
	_ =	sdelay $0x4  }
0xc3: {  	v7 =	vshll.u32 v4, $0x1  }
0xc4: {  	v4 =	vand.u32 $0x7, v4;
	v7 =	vand.u32 $0xFFFFFFF0, v7  }
0xc5: {  	v4 =	vor.u32 v4, v7  }
0xc6: {  	v7 =	vperm.xlane v4, v0;
	_ =	sdelay $0x1  }
0xc7: {  	v4 =	vperm.xlane v4, v2;
	v7 =	vadd.s32 v1, v7;
	_ =	sdelay $0x1  }
0xc8: {  	v4 =	vadd.s32 v1, v4;
	_ =	sdelay $0x2  }
0xc9: {  	[tilespmem:s13], [sflag:$0x1] =	stream.indirect_vreg.gather [hbm4b:s1+s5], $0x80, v7, vm0, $0xb8;
	[tilespmem:$0x10100] =	vst v63  }
0xca: {  	s4 =	simm.s32 $0x880  }
0xcb: {  	[tilespmem:s4], [sflag:$0x1] =	stream.indirect_vreg.gather [hbm4b:s1+s5], $0x80, v4, vm0, $0xb8;
	[tilespmem:$0x10100] =	vst v63  }
0xcc: {  	v4 =	vld [tilespmem:$0x10];
	_ =	sdelay $0x4  }
0xcd: {  	v7 =	vshll.u32 v4, $0x1  }
0xce: {  	v4 =	vand.u32 $0x7, v4;
	v7 =	vand.u32 $0xFFFFFFF0, v7  }
0xcf: {  	v4 =	vor.u32 v4, v7  }
0xd0: {  	v7 =	vperm.xlane v4, v0;
	_ =	sdelay $0x1  }
0xd1: {  	v4 =	vperm.xlane v4, v2;
	v7 =	vadd.s32 v1, v7;
	_ =	sdelay $0x1  }
0xd2: {  	v4 =	vadd.s32 v1, v4;
	_ =	sdelay $0x1  }
0xd3: {  	s14 =	simm.s32 $0x1080  }
0xd4: {  	[tilespmem:s14], [sflag:$0x1] =	stream.indirect_vreg.gather [hbm4b:s1+s5], $0x80, v7, vm0, $0xb8;
	[tilespmem:$0x10100] =	vst v63  }
0xd5: {  	s15 =	simm.s32 $0x1880  }
0xd6: {  	[tilespmem:s15], [sflag:$0x1] =	stream.indirect_vreg.gather [hbm4b:s1+s5], $0x80, v4, vm0, $0xb8;
	[tilespmem:$0x10100] =	vst v63  }
0xd7: {  	v4 =	vld [tilespmem:$0x20];
	_ =	sdelay $0x4  }
0xd8: {  	v7 =	vshll.u32 v4, $0x1  }
0xd9: {  	v4 =	vand.u32 $0x7, v4;
	v7 =	vand.u32 $0xFFFFFFF0, v7  }
0xda: {  	v4 =	vor.u32 v4, v7  }
0xdb: {  	v7 =	vperm.xlane v4, v0;
	_ =	sdelay $0x1  }
0xdc: {  	v4 =	vperm.xlane v4, v2;
	v7 =	vadd.s32 v1, v7;
	_ =	sdelay $0x1  }
0xdd: {  	v4 =	vadd.s32 v1, v4;
	_ =	sdelay $0x2  }
0xde: {  	[tilespmem:s17], [sflag:$0x1] =	stream.indirect_vreg.gather [hbm4b:s1+s5], $0x80, v7, vm0, $0xb8;
	[tilespmem:$0x10100] =	vst v63  }
0xdf: {  	_ = 	snop  }
0xe0: {  	[tilespmem:s18], [sflag:$0x1] =	stream.indirect_vreg.gather [hbm4b:s1+s5], $0x80, v4, vm0, $0xb8;
	[tilespmem:$0x10100] =	vst v63  }
0xe1: {  	v4 =	vld [tilespmem:$0x30];
	_ =	sdelay $0x4  }
0xe2: {  	v7 =	vshll.u32 v4, $0x1  }
0xe3: {  	v4 =	vand.u32 $0x7, v4;
	v7 =	vand.u32 $0xFFFFFFF0, v7  }
0xe4: {  	v4 =	vor.u32 v4, v7  }
0xe5: {  	v7 =	vperm.xlane v4, v0;
	_ =	sdelay $0x1  }
0xe6: {  	v4 =	vperm.xlane v4, v2;
	v7 =	vadd.s32 v1, v7;
	_ =	sdelay $0x1  }
0xe7: {  	v4 =	vadd.s32 v1, v4;
	_ =	sdelay $0x2  }
0xe8: {  	[tilespmem:s19], [sflag:$0x1] =	stream.indirect_vreg.gather [hbm4b:s1+s5], $0x80, v7, vm0, $0xb8;
	[tilespmem:$0x10100] =	vst v63  }
0xe9: {  	_ = 	snop  }
0xea: {  	[tilespmem:s20], [sflag:$0x1] =	stream.indirect_vreg.gather [hbm4b:s1+s5], $0x80, v4, vm0, $0xb8;
	[tilespmem:$0x10100] =	vst v63  }
0xeb: {  	v4 =	vld [tilespmem:$0x40];
	_ =	sdelay $0x4  }
0xec: {  	v7 =	vshll.u32 v4, $0x1  }
0xed: {  	v4 =	vand.u32 $0x7, v4;
	v7 =	vand.u32 $0xFFFFFFF0, v7  }
0xee: {  	v4 =	vor.u32 v4, v7  }
0xef: {  	v7 =	vperm.xlane v4, v0;
	_ =	sdelay $0x1  }
0xf0: {  	v4 =	vperm.xlane v4, v2;
	v7 =	vadd.s32 v1, v7;
	_ =	sdelay $0x1  }
0xf1: {  	v4 =	vadd.s32 v1, v4;
	_ =	sdelay $0x2  }
0xf2: {  	[tilespmem:s21], [sflag:$0x1] =	stream.indirect_vreg.gather [hbm4b:s1+s5], $0x80, v7, vm0, $0xb8;
	[tilespmem:$0x10100] =	vst v63  }
0xf3: {  	_ = 	snop  }
0xf4: {  	[tilespmem:s22], [sflag:$0x1] =	stream.indirect_vreg.gather [hbm4b:s1+s5], $0x80, v4, vm0, $0xb8;
	[tilespmem:$0x10100] =	vst v63  }
0xf5: {  	v4 =	vld [tilespmem:$0x50];
	_ =	sdelay $0x4  }
0xf6: {  	v7 =	vshll.u32 v4, $0x1  }
0xf7: {  	v4 =	vand.u32 $0x7, v4;
	v7 =	vand.u32 $0xFFFFFFF0, v7  }
0xf8: {  	v4 =	vor.u32 v4, v7  }
0xf9: {  	v7 =	vperm.xlane v4, v0;
	_ =	sdelay $0x1  }
0xfa: {  	v4 =	vperm.xlane v4, v2;
	v7 =	vadd.s32 v1, v7;
	_ =	sdelay $0x1  }
0xfb: {  	v4 =	vadd.s32 v1, v4;
	_ =	sdelay $0x2  }
0xfc: {  	[tilespmem:s23], [sflag:$0x1] =	stream.indirect_vreg.gather [hbm4b:s1+s5], $0x80, v7, vm0, $0xb8;
	[tilespmem:$0x10100] =	vst v63  }
0xfd: {  	_ = 	snop  }
0xfe: {  	[tilespmem:s24], [sflag:$0x1] =	stream.indirect_vreg.gather [hbm4b:s1+s5], $0x80, v4, vm0, $0xb8;
	[tilespmem:$0x10100] =	vst v63  }
0xff: {  	v4 =	vld [tilespmem:$0x60];
	_ =	sdelay $0x4  }
0x100: {  	v7 =	vshll.u32 v4, $0x1  }
0x101: {  	v4 =	vand.u32 $0x7, v4;
	v7 =	vand.u32 $0xFFFFFFF0, v7  }
0x102: {  	v4 =	vor.u32 v4, v7  }
0x103: {  	v7 =	vperm.xlane v4, v0;
	_ =	sdelay $0x1  }
0x104: {  	v4 =	vperm.xlane v4, v2;
	v7 =	vadd.s32 v1, v7;
	_ =	sdelay $0x1  }
0x105: {  	v4 =	vadd.s32 v1, v4;
	_ =	sdelay $0x2  }
0x106: {  	[tilespmem:s25], [sflag:$0x1] =	stream.indirect_vreg.gather [hbm4b:s1+s5], $0x80, v7, vm0, $0xb8;
	[tilespmem:$0x10100] =	vst v63  }
0x107: {  	_ = 	snop  }
0x108: {  	[tilespmem:s26], [sflag:$0x1] =	stream.indirect_vreg.gather [hbm4b:s1+s5], $0x80, v4, vm0, $0xb8;
	[tilespmem:$0x10100] =	vst v63  }
0x109: {  	v4 =	vld [tilespmem:$0x70];
	_ =	sdelay $0x4  }
0x10a: {  	v7 =	vshll.u32 v4, $0x1  }
0x10b: {  	v4 =	vand.u32 $0x7, v4;
	v7 =	vand.u32 $0xFFFFFFF0, v7  }
0x10c: {  	v4 =	vor.u32 v4, v7  }
0x10d: {  	v7 =	vperm.xlane v4, v0;
	_ =	sdelay $0x1  }
0x10e: {  	v4 =	vperm.xlane v4, v2;
	v7 =	vadd.s32 v1, v7;
	_ =	sdelay $0x1  }
0x10f: {  	v4 =	vadd.s32 v1, v4;
	_ =	sdelay $0x2  }
0x110: {  	[tilespmem:s28], [sflag:$0x1] =	stream.indirect_vreg.gather [hbm4b:s1+s5], $0x80, v7, vm0, $0xb8;
	[tilespmem:$0x10100] =	vst v63  }
0x111: {  	_ = 	snop  }
0x112: {  	[tilespmem:s29], [sflag:$0x1] =	stream.indirect_vreg.gather [hbm4b:s1+s5], $0x80, v4, vm0, $0xb8;
	[tilespmem:$0x10100] =	vst v63  }
0x113: {  	_ =	swait.ge [sflag:s30], $0x8000  }
0x114: {  	[sflag:s30] =	ssyncset.done $0x0  }
0x115: {  	[sflag:s30] =	ssyncadd.s32 $0xFFFF8000  }
0x116: {  	[tilespmem:s31], [sflag:$0x2] =	stream.linear.gather [hbm4b:s8+s5], $0x8000, $0x38;
	[tilespmem:$0x10100] =	vst v63  }
0x117: {  	_ =	swait.ge [sflag:s12], $0x8000  }
0x118: {  	s16 =	sand.u32 $0x7800, s5;
	s2 =	sand.u32 $0x380, s5;
	[sflag:s12] =	ssyncset.done $0x0  }
0x119: {  	v3 =	vmul.f32 v3, v3;
	s2 =	sor.u32 s2, s16;
	v4 =	vadd.f32 v5, v6;
	[sflag:s12] =	ssyncadd.s32 $0xFFFF8000  }
0x11a: {  	v5 =	vld [tilespmem:s2+$0x80]  }
0x11b: {  	v6 =	vmul.f32 v16, v16;
	v3 =	vadd.f32 v3, v4;
	v4 =	vld [tilespmem:s2+$0x8080]  }
0x11c: {  	v7 =	vld [tilespmem:s2+$0x90]  }
0x11d: {  	v10 =	vmul.f32 v11, v11;
	v3 =	vadd.f32 v6, v3;
	v6 =	vld [tilespmem:s2+$0x8090]  }
0x11e: {  	v11 =	vld [tilespmem:s2+$0xA0]  }
0x11f: {  	v9 =	vmul.f32 v9, v9;
	v3 =	vadd.f32 v10, v3;
	v10 =	vld [tilespmem:s2+$0x80A0]  }
0x120: {  	v12 =	vld [tilespmem:s2+$0xB0];
	v5 =	vsub.f32 v5, v4  }
0x121: {  	v8 =	vmul.f32 v8, v8;
	v3 =	vadd.f32 v9, v3;
	v9 =	vld [tilespmem:s2+$0x80B0]  }
0x122: {  	v13 =	vld [tilespmem:s2+$0xC0];
	v7 =	vsub.f32 v7, v6;
	v4 =	vadd.f32 v5, v4  }
0x123: {  	v3 =	vadd.f32 v8, v3;
	v8 =	vld [tilespmem:s2+$0x80C0];
	v5 =	vmul.f32 v5, v5  }
0x124: {  	[tilespmem:s2+$0x80] =	vst v4;
	v4 =	vadd.f32 v7, v6;
	v6 =	vld [tilespmem:s2+$0xD0]  }
0x125: {  	v11 =	vsub.f32 v11, v10;
	v7 =	vmul.f32 v7, v7;
	v3 =	vadd.f32 v5, v3;
	v5 =	vld [tilespmem:s2+$0x80D0]  }
0x126: {  	[tilespmem:s2+$0x90] =	vst v4;
	v4 =	vsub.f32 v12, v9;
	v12 =	vld [tilespmem:s2+$0xE0]  }
0x127: {  	v10 =	vadd.f32 v11, v10;
	v3 =	vadd.f32 v7, v3;
	v7 =	vmul.f32 v11, v11;
	v11 =	vld [tilespmem:s2+$0x80E0]  }
0x128: {  	v14 =	vld [tilespmem:s2+$0xF0];
	v13 =	vsub.f32 v13, v8;
	v9 =	vadd.f32 v4, v9  }
0x129: {  	v4 =	vmul.f32 v4, v4;
	v3 =	vadd.f32 v7, v3;
	v7 =	vld [tilespmem:s2+$0x80F0]  }
0x12a: {  	v8 =	vadd.f32 v13, v8;
	v6 =	vsub.f32 v6, v5;
	[tilespmem:s2+$0xB0] =	vst v9;
	v9 =	vld [tilespmem:s2+$0x480]  }
0x12b: {  	[tilespmem:s2+$0xA0] =	vst v10;
	v10 =	vmul.f32 v13, v13;
	v3 =	vadd.f32 v4, v3;
	v4 =	vld [tilespmem:s2+$0x8480]  }
0x12c: {  	[tilespmem:s2+$0xC0] =	vst v8;
	v5 =	vadd.f32 v6, v5;
	v8 =	vsub.f32 v12, v11;
	v12 =	vld [tilespmem:s2+$0x490]  }
0x12d: {  	v6 =	vmul.f32 v6, v6;
	v3 =	vadd.f32 v10, v3;
	v10 =	vld [tilespmem:s2+$0x8490]  }
0x12e: {  	v13 =	vld [tilespmem:s2+$0x4A0];
	[tilespmem:s2+$0xD0] =	vst v5;
	v5 =	vadd.f32 v8, v11;
	v11 =	vsub.f32 v14, v7  }
0x12f: {  	v8 =	vmul.f32 v8, v8;
	v14 =	vld [tilespmem:s2+$0x84A0];
	v3 =	vadd.f32 v6, v3  }
0x130: {  	v15 =	vld [tilespmem:s2+$0x4B0];
	[tilespmem:s2+$0xE0] =	vst v5;
	v5 =	vadd.f32 v11, v7;
	v6 =	vsub.f32 v9, v4  }
0x131: {  	v7 =	vmul.f32 v11, v11;
	v9 =	vld [tilespmem:s2+$0x4C0];
	v8 =	vadd.f32 v8, v3  }
0x132: {  	v3 =	vld [tilespmem:s2+$0x84B0];
	[tilespmem:s2+$0xF0] =	vst v5;
	v4 =	vadd.f32 v6, v4;
	v5 =	vsub.f32 v12, v10  }
0x133: {  	v11 =	vmul.f32 v6, v6;
	v6 =	vld [tilespmem:s2+$0x84C0];
	v7 =	vadd.f32 v7, v8  }
0x134: {  	v8 =	vsub.f32 v13, v14;
	[tilespmem:s2+$0x480] =	vst v4;
	v4 =	vadd.f32 v5, v10;
	v10 =	vld [tilespmem:s2+$0x4D0]  }
0x135: {  	v13 =	vmul.f32 v5, v5;
	v63 =	vadd.f32 v11, v7;
	v7 =	vld [tilespmem:s2+$0x84D0]  }
0x136: {  	v11 =	vld [tilespmem:s2+$0x4E0];
	[tilespmem:s2+$0x490] =	vst v4;
	v4 =	vadd.f32 v8, v14  }
0x137: {  	s4 =	simm.s32 $0x80;
	s5 =	simm.s32 $0x100;
	v12 =	vmul.f32 v8, v8;
	v5 =	vsub.f32 v15, v3;
	v8 =	vld [tilespmem:s2+$0x84E0];
	v13 =	vadd.f32 v13, v63  }
.LBB2_4:
0x138: {  	s14 =	smov.u32 s5  }
0x139: {  	s15 =	sand.u32 $0x7800, s5;
	s16 =	sand.u32 $0x380, s4;
	v14 =	vmul.f32 v5, v5;
	v9 =	vsub.f32 v9, v6;
	v15 =	vld [tilespmem:s2+$0x4F0];
	s14 =	sadd.s32 $0x100, s5  }
0x13a: {  	p0 =	sne.s32 s5, $0x7F00;
	s15 =	sor.u32 s16, s15;
	v12 =	vadd.f32 v12, v13;
	v13 =	vld [tilespmem:s2+$0x84F0]  }
0x13b: {  	v17 =	vmul.f32 v9, v9;
	v6 =	vadd.f32 v9, v6;
	v9 =	vsub.f32 v10, v7;
	v16 =	vld [tilespmem:s15+$0x80]  }
0x13c: {  	v12 =	vadd.f32 v14, v12;
	v10 =	vld [tilespmem:s15+$0x8080]  }
0x13d: {  	v7 =	vadd.f32 v9, v7;
	v14 =	vld [tilespmem:s15+$0x90];
	[tilespmem:s2+$0x4C0] =	vst v6;
	v6 =	vmul.f32 v9, v9;
	v9 =	vsub.f32 v11, v8  }
0x13e: {  	v12 =	vadd.f32 v17, v12;
	v11 =	vld [tilespmem:s15+$0x8090]  }
0x13f: {  	v17 =	vld [tilespmem:s15+$0xA0];
	[tilespmem:s2+$0x4D0] =	vst v7;
	v7 =	vmul.f32 v9, v9;
	v8 =	vadd.f32 v9, v8;
	v9 =	vsub.f32 v15, v13  }
0x140: {  	v6 =	vadd.f32 v6, v12;
	v15 =	vld [tilespmem:s15+$0x80A0]  }
0x141: {  	v12 =	vsub.f32 v16, v10;
	v16 =	vld [tilespmem:s15+$0xB0];
	[tilespmem:s2+$0x4E0] =	vst v8;
	v8 =	vmul.f32 v9, v9;
	v9 =	vadd.f32 v9, v13  }
0x142: {  	v6 =	vadd.f32 v7, v6;
	v13 =	vld [tilespmem:s15+$0x80B0]  }
0x143: {  	v7 =	vmul.f32 v12, v12;
	v10 =	vadd.f32 v12, v10;
	v12 =	vsub.f32 v14, v11;
	v14 =	vld [tilespmem:s15+$0xC0];
	[tilespmem:s2+$0x4F0] =	vst v9  }
0x144: {  	v6 =	vadd.f32 v8, v6;
	v9 =	vld [tilespmem:s15+$0x80C0]  }
0x145: {  	[tilespmem:s15+$0x80] =	vst v10;
	v8 =	vmul.f32 v12, v12;
	v10 =	vadd.f32 v12, v11;
	v11 =	vld [tilespmem:s15+$0xD0]  }
0x146: {  	v6 =	vadd.f32 v7, v6;
	v7 =	vsub.f32 v17, v15;
	v12 =	vld [tilespmem:s15+$0x80D0]  }
0x147: {  	[tilespmem:s15+$0x90] =	vst v10;
	v10 =	vsub.f32 v16, v13;
	v16 =	vld [tilespmem:s15+$0xE0]  }
0x148: {  	v6 =	vadd.f32 v8, v6;
	v8 =	vmul.f32 v7, v7;
	v7 =	vadd.f32 v7, v15;
	v15 =	vld [tilespmem:s15+$0x80E0]  }
0x149: {  	v17 =	vmul.f32 v10, v10;
	v10 =	vadd.f32 v10, v13;
	v13 =	vsub.f32 v14, v9;
	v14 =	vld [tilespmem:s15+$0xF0]  }
0x14a: {  	v6 =	vadd.f32 v8, v6;
	[tilespmem:s15+$0xA0] =	vst v7;
	v7 =	vld [tilespmem:s15+$0x80F0]  }
0x14b: {  	[tilespmem:s15+$0xB0] =	vst v10;
	v8 =	vmul.f32 v13, v13;
	v9 =	vadd.f32 v13, v9;
	v10 =	vsub.f32 v11, v12;
	v11 =	vld [tilespmem:s15+$0x480]  }
0x14c: {  	v6 =	vadd.f32 v17, v6;
	v13 =	vld [tilespmem:s15+$0x8480]  }
0x14d: {  	[tilespmem:s15+$0xC0] =	vst v9;
	v9 =	vmul.f32 v10, v10;
	v10 =	vadd.f32 v10, v12;
	v12 =	vsub.f32 v16, v15;
	v16 =	vld [tilespmem:s15+$0x490]  }
0x14e: {  	v3 =	vadd.f32 v5, v3;
	v6 =	vadd.f32 v8, v6;
	v8 =	vld [tilespmem:s15+$0x8490];
	[tilespmem:s2+$0x4A0] =	vst v4  }
0x14f: {  	[tilespmem:s15+$0xD0] =	vst v10;
	v4 =	vmul.f32 v12, v12;
	v5 =	vadd.f32 v12, v15;
	v10 =	vsub.f32 v14, v7;
	v12 =	vld [tilespmem:s15+$0x4A0]  }
0x150: {  	v6 =	vadd.f32 v9, v6;
	v14 =	vld [tilespmem:s15+$0x84A0];
	[tilespmem:s2+$0x4B0] =	vst v3;
	s2 =	smov.u32 s15  }
0x151: {  	[tilespmem:s2+$0xE0] =	vst v5;
	v5 =	vmul.f32 v10, v10;
	v7 =	vadd.f32 v10, v7;
	v9 =	vsub.f32 v11, v13;
	v11 =	vld [tilespmem:s2+$0x4B0]  }
0x152: {  	v4 =	vadd.f32 v4, v6;
	v3 =	vld [tilespmem:s2+$0x84B0]  }
0x153: {  	[tilespmem:s2+$0xF0] =	vst v7;
	v7 =	vmul.f32 v9, v9;
	v10 =	vadd.f32 v9, v13;
	v13 =	vsub.f32 v16, v8;
	v9 =	vld [tilespmem:s2+$0x4C0]  }
.Ltmp1:
0x154: {  	v4 =	vadd.f32 v5, v4;
	v6 =	vld [tilespmem:s2+$0x84C0];
	(pc) =	sbr.rel @p0 .LBB2_4-.Ltmp1, $4  }
0x155: {  	[tilespmem:s2+$0x480] =	vst v10;
	v15 =	vmul.f32 v13, v13;
	v5 =	vadd.f32 v13, v8;
	v8 =	vsub.f32 v12, v14;
	v10 =	vld [tilespmem:s2+$0x4D0]  }
0x156: {  	v13 =	vadd.f32 v7, v4;
	v7 =	vld [tilespmem:s2+$0x84D0]  }
0x157: {  	[tilespmem:s2+$0x490] =	vst v5;
	v12 =	vmul.f32 v8, v8;
	v4 =	vadd.f32 v8, v14;
	v5 =	vsub.f32 v11, v3;
	v11 =	vld [tilespmem:s2+$0x4E0]  }
0x158: {  	s4 =	sadd.s32 $0x80, s4;
	s5 =	smov.u32 s14;
	v13 =	vadd.f32 v15, v13;
	v8 =	vld [tilespmem:s2+$0x84E0]  }
0x159: {  	v14 =	vld [tilespmem:s2+$0x4F0]  }
0x15a: {  	v15 =	vld [tilespmem:s2+$0x84F0]  }
0x15b: {  	v9 =	vsub.f32 v9, v6  }
0x15c: {  	v57 =	vmul.f32 v5, v5;
	v3 =	vadd.f32 v5, v3;
	v12 =	vadd.f32 v12, v13  }
0x15d: {  	v10 =	vsub.f32 v10, v7;
	v6 =	vadd.f32 v9, v6  }
0x15e: {  	[tilespmem:s2+$0x4A0] =	vst v4;
	v9 =	vmul.f32 v9, v9;
	v12 =	vadd.f32 v57, v12;
	v11 =	vsub.f32 v11, v8  }
0x15f: {  	[tilespmem:s2+$0x4B0] =	vst v3;
	v7 =	vadd.f32 v10, v7;
	v14 =	vsub.f32 v14, v15  }
0x160: {  	[tilespmem:s2+$0x4C0] =	vst v6;
	v60 =	vmul.f32 v10, v10;
	v9 =	vadd.f32 v9, v12;
	v58 =	vadd.f32 v11, v8  }
0x161: {  	[tilespmem:s2+$0x4D0] =	vst v7;
	v59 =	vadd.f32 v14, v15  }
0x162: {  	v61 =	vmul.f32 v11, v11;
	v62 =	vadd.f32 v60, v9;
	[tilespmem:s2+$0x4E0] =	vst v58  }
0x163: {  	[tilespmem:s2+$0x4F0] =	vst v59  }
0x164: {  	v3 =	vmul.f32 v14, v14;
	v63 =	vadd.f32 v61, v62;
	[hbm4b:s9+s3] =	stream.linear.scatter [tilespmem:s13], [sflag:$0x2], $0x8000, $0x38;
	[tilespmem:$0x10100] =	vst v63  }
0x165: {  	_ =	swait.ge [sflag:s12], $0x8000  }
0x166: {  	s0 =	sadd.s32 $0x1, s0;
	v3 =	vadd.f32 v3, v63;
	[sflag:s12] =	ssyncset.done $0x0  }
0x167: {  	p0 =	sne.s32 s0, s11;
	[sflag:s12] =	ssyncadd.s32 $0xFFFF8000  }
.Ltmp2:
0x168: {  	s16 =	simm.s32 $0x10080;
	[tilespmem:$0x10080] =	vst v3;
	(pc) =	sbr.rel @p0 .LBB2_1-.Ltmp2, $4  }
0x169: {  	[hbm4b:s10+s3] =	stream.linear.scatter [tilespmem:s16], [sflag:$0x2], $0x80, $0x38;
	[tilespmem:$0x10100] =	vst v63  }
0x16a: {  	_ =	swait.ge [sflag:s12], $0x80  }
0x16b: {  	[sflag:s12] =	ssyncset.done $0x0  }
0x16c: {  	[sflag:s12] =	ssyncadd.s32 $0xFFFFFF80  }
0x16d: {  	_ =	sfence.sel $0x180000  }
0x16e: {  	[bflag:$0x0] =	sbarrier.arrive $0xFFFF  }
0x16f: {  	_ =	strace $0x90000047  }
0x170: {  	s0 =	stileid.u32;
	[bflag:$0x2] =	sbarrier.arrive $0xFFFF  }
0x171: {  	p0 =	sne.s32 s0, $0x0;
	s0 =	rddreg [dreg:$0x4]  }
0x172: {  	s0 =	sadd.s32 @!p0 $0x100000, s0  }
0x173: {  	[sflag:s0] =	ssyncadd.tile.s32 @!p0 $0x1;
	_ =	shalt  }
.Lfunc_end2:
_tile_overlayer_lowered:
.L_overlay_start_2:
0x174: {  	(tag) =	ssettag $0x2  }
0x175: {  	s0 =	rddreg [dreg:$0x0];
	s2 =	stileid.u32  }
0x176: {  	s1 =	rddreg [dreg:$0x1];
	p0 =	sne.s32 s2, $0x0  }
0x177: {  	s3 =	rddreg [dreg:$0x2];
	[bflag:$0x3] =	sbarrier.arrive $0xFFFF;
	s2 =	simm.s32 @!p0 $0x1C02  }
0x178: {  	[timem:s3], [sflag:s2] =	dma.local @!p0 [hbm:s0], s1  }
0x179: {  	s0 =	simm.s32 @!p0 $0x2  }
0x17a: {  	_ =	swait.ge @!p0 [sflag:s0], s1  }
0x17b: {  	s1 =	ssub.s32 @!p0 $0x0, s1;
	[sflag:s0] =	ssyncset.done @!p0 $0x0  }
0x17c: {  	[sflag:s0] =	ssyncadd.s32 @!p0 s1  }
0x17d: {  	[bflag:$0x3] =	sbarrier.arrive $0xFFFF  }
0x17e: {  	_ =	shalt  }

</sc_bundles>
